<compile_context>
chip_gen: v7x
topology: tpu7x:2x2x1
jax: 0.10.2.dev20260603
libtpu: 0.0.44.dev20260713+nightly
codegen_flags: <defaults>
</compile_context>

<pallas_src>
import functools

import jax
import jax.numpy as jnp
from jax import lax
from jax.experimental import pallas as pl
from jax.experimental.pallas import tpu as pltpu
from jax.experimental.pallas import tpu_sc as plsc

N_TYPES = 100
D = 512
B = 100000
NC = 2
NS = 16
NW = NC * NS
RPW = 3200
LAST_N = B - (NW - 1) * RPW
L = 16
K = 16


def _emb_body(idx_hbm, w_hbm, out_hbm, table_v, idx_v, tsem, osem):
    wid = lax.axis_index("s") * NC + lax.axis_index("c")
    base = wid * RPW
    n = jnp.where(wid == NW - 1, LAST_N, RPW)

    pltpu.async_copy(w_hbm, table_v, tsem)

    @pl.when(wid == NW - 1)
    def _():
        pltpu.sync_copy(idx_hbm.at[pl.ds(base, LAST_N)], idx_v.at[pl.ds(0, LAST_N)])

    @pl.when(wid != NW - 1)
    def _():
        pltpu.sync_copy(idx_hbm.at[pl.ds(base, RPW)], idx_v.at[pl.ds(0, RPW)])

    pltpu.make_async_copy(w_hbm, table_v, tsem).wait()

    def issue(i):
        t = idx_v[pl.ds(i, L)][0]
        pltpu.async_copy(table_v.at[pl.ds(t, 1)], out_hbm.at[pl.ds(base + i, 1)], osem)

    def wait_one():
        pltpu.make_async_copy(
            table_v.at[pl.ds(0, 1)], out_hbm.at[pl.ds(base, 1)], osem
        ).wait()

    for i in range(K):
        issue(i)

    def step(g, carry):
        i0 = K + g * L
        idx16 = idx_v[pl.ds(i0, L)]
        for u in range(L):
            wait_one()
            t = idx16[u]
            pltpu.async_copy(
                table_v.at[pl.ds(t, 1)], out_hbm.at[pl.ds(base + i0 + u, 1)], osem
            )
        return carry

    lax.fori_loop(0, (n - K) // L, step, 0)
    for _ in range(K):
        wait_one()


@jax.jit
def _emb(idx, w):
    mesh = plsc.VectorSubcoreMesh(core_axis_name="c", subcore_axis_name="s")
    f = functools.partial(
        pl.kernel,
        mesh=mesh,
        out_type=jax.ShapeDtypeStruct((B, D), jnp.float32),
        scratch_types=[
            pltpu.VMEM((N_TYPES, D), jnp.float32),
            pltpu.VMEM((RPW + L,), jnp.int32),
            pltpu.SemaphoreType.DMA,
            pltpu.SemaphoreType.DMA,
        ],
    )(_emb_body)
    return f(idx, w)


def kernel(atom_numbers, W):
    idx = jnp.squeeze(atom_numbers, axis=-1)
    return _emb(idx, W)

# --- scband reference (transcript-rebuilt; emitter-appended) ---
"""Pipeline reference for scband-atom-embedding-49443663512049 (READ-ONLY COPY).

The authoritative reference and input builder live on the scoring server;
editing this copy changes nothing except your own understanding.
"""

import jax, jax.numpy as jnp
import numpy as np

N_ATOM_TYPES = 100
EMBED_DIM = 512
N_ATOMS = 100000


def setup_inputs(seed: int = 0) -> dict:
    key = jax.random.key(seed)
    k1, k2 = jax.random.split(key)
    atom_numbers = jax.random.randint(k1, (N_ATOMS, 1), 0, N_ATOM_TYPES, dtype=jnp.int64 if jax.config.jax_enable_x64 else jnp.int32).astype(jnp.int32)
    W = jax.random.normal(k2, (N_ATOM_TYPES, EMBED_DIM), dtype=jnp.float32)
    return {"atom_numbers": atom_numbers, "W": W}


def reference(atom_numbers, W):
    # AtomEmbedding.forward: self.embedding(atom_numbers.long().squeeze(-1))
    idx = jnp.squeeze(atom_numbers, axis=-1)
    return jnp.take(W, idx, axis=0)

if __name__ == "__main__":
    import jax
    _d = setup_inputs()
    print(jax.jit(kernel)(*tuple(_d.values())))

</pallas_src>

<mosaic_0001>
#map = affine_map<(d0, d1) -> (0)>
#map1 = affine_map<(d0, d1) -> (0, 0)>
module attributes {stable_mosaic.version = 14 : i64} {
  func.func @_emb_body(%arg0: i32, %arg1: i32, %arg2: memref<100000xi32, #tpu.memory_space<hbm>>, %arg3: memref<100x512xf32, #tpu.memory_space<hbm>>, %arg4: memref<100000x512xf32, #tpu.memory_space<hbm>>, %arg5: memref<100x512xf32, #tpu.memory_space<vmem>>, %arg6: memref<3216xi32, #tpu.memory_space<vmem>>, %arg7: memref<!tpu.dma_semaphore, #tpu.memory_space<semaphore_mem>>, %arg8: memref<!tpu.dma_semaphore, #tpu.memory_space<semaphore_mem>>) attributes {dimension_semantics = [#tpu.dimension_semantics<core_parallel>, #tpu.dimension_semantics<subcore_parallel>], iteration_bounds = array<i64: 2, 16>, scalar_prefetch = 0 : i64, scratch_operands = 4 : i64, tpu.core_type = #tpu.core_type<sc_vector_subcore>, window_params = [{transform_indices = #map}, {transform_indices = #map1}, {transform_indices = #map1}]} {
    %mul3A = arith.constant 2 : i32
    %mul3A_0 = arith.muli %arg1, %mul3A : i32
    %add3A = arith.addi %mul3A_0, %arg0 : i32
    %mul3A_1 = arith.constant 3200 : i32
    %mul3A_2 = arith.muli %add3A, %mul3A_1 : i32
    %eq3A = arith.constant 31 : i32
    %eq3A_3 = arith.cmpi eq, %add3A, %eq3A : i32
    %jit3A = arith.constant 800 : i32
    %jit3A_4 = arith.constant 3200 : i32
    %select_n3A = arith.select %eq3A_3, %jit3A, %jit3A_4 : i32
    tpu.enqueue_dma source(%arg3 : memref<100x512xf32, #tpu.memory_space<hbm>>) target(%arg5 : memref<100x512xf32, #tpu.memory_space<vmem>>) target_semaphore(%arg7 : memref<!tpu.dma_semaphore, #tpu.memory_space<semaphore_mem>>)
    %eq3A_5 = arith.constant 31 : i32
    %eq3A_6 = arith.cmpi eq, %add3A, %eq3A_5 : i32
    %convert_element_type3A = arith.extui %eq3A_6 : i1 to i32
    %cond3A = arith.constant 0 : i32
    %cond3A_7 = arith.cmpi ne, %convert_element_type3A, %cond3A : i32
    scf.if %cond3A_7 {
      "tpu.region"() ({
        %run_scoped3A = tpu.sem_alloc : memref<!tpu.dma_semaphore, #tpu.memory_space<semaphore_mem>>
        %dma_start3A_437 = arith.constant 0 : i32
        %dma_start3A_438 = tpu.memref_slice %arg6[%dma_start3A_437] : memref<3216xi32, #tpu.memory_space<vmem>> -> memref<800xi32, #tpu.memory_space<vmem>>
        %dma_start3A_439 = tpu.memref_slice %arg2[%mul3A_2] : memref<100000xi32, #tpu.memory_space<hbm>> -> memref<800xi32, #tpu.memory_space<hbm>>
        %dma_start3A_440 = arith.constant 0 : i32
        %dma_start3A_441 = tpu.memref_slice %arg6[%dma_start3A_440] : memref<3216xi32, #tpu.memory_space<vmem>> -> memref<800xi32, #tpu.memory_space<vmem>>
        %dma_start3A_442 = tpu.memref_slice %arg2[%mul3A_2] : memref<100000xi32, #tpu.memory_space<hbm>> -> memref<800xi32, #tpu.memory_space<hbm>>
        tpu.enqueue_dma source(%dma_start3A_442 : memref<800xi32, #tpu.memory_space<hbm>>) target(%dma_start3A_441 : memref<800xi32, #tpu.memory_space<vmem>>) target_semaphore(%run_scoped3A : memref<!tpu.dma_semaphore, #tpu.memory_space<semaphore_mem>>)
        %dma_wait3A_443 = arith.constant 0 : i32
        %dma_wait3A_444 = tpu.memref_slice %arg6[%dma_wait3A_443] : memref<3216xi32, #tpu.memory_space<vmem>> -> memref<800xi32, #tpu.memory_space<vmem>>
        %dma_wait3A_445 = tpu.memref_slice %arg2[%mul3A_2] : memref<100000xi32, #tpu.memory_space<hbm>> -> memref<800xi32, #tpu.memory_space<hbm>>
        %dma_wait3A_446 = arith.constant 0 : i32
        %dma_wait3A_447 = tpu.memref_slice %arg6[%dma_wait3A_446] : memref<3216xi32, #tpu.memory_space<vmem>> -> memref<800xi32, #tpu.memory_space<vmem>>
        %dma_wait3A_448 = tpu.memref_slice %arg2[%mul3A_2] : memref<100000xi32, #tpu.memory_space<hbm>> -> memref<800xi32, #tpu.memory_space<hbm>>
        tpu.wait_dma2 semaphore(%run_scoped3A : memref<!tpu.dma_semaphore, #tpu.memory_space<semaphore_mem>>) src(%dma_wait3A_448 : memref<800xi32, #tpu.memory_space<hbm>>) dst(%dma_wait3A_447 : memref<800xi32, #tpu.memory_space<vmem>>)
        tpu.yield
      }) : () -> ()
    } else {
    }
    %ne3A = arith.constant 31 : i32
    %ne3A_8 = arith.cmpi ne, %add3A, %ne3A : i32
    %convert_element_type3A_9 = arith.extui %ne3A_8 : i1 to i32
    %cond3A_10 = arith.constant 0 : i32
    %cond3A_11 = arith.cmpi ne, %convert_element_type3A_9, %cond3A_10 : i32
    scf.if %cond3A_11 {
      "tpu.region"() ({
        %run_scoped3A = tpu.sem_alloc : memref<!tpu.dma_semaphore, #tpu.memory_space<semaphore_mem>>
        %dma_start3A_437 = arith.constant 0 : i32
        %dma_start3A_438 = tpu.memref_slice %arg6[%dma_start3A_437] : memref<3216xi32, #tpu.memory_space<vmem>> -> memref<3200xi32, #tpu.memory_space<vmem>>
        %dma_start3A_439 = tpu.memref_slice %arg2[%mul3A_2] : memref<100000xi32, #tpu.memory_space<hbm>> -> memref<3200xi32, #tpu.memory_space<hbm>>
        %dma_start3A_440 = arith.constant 0 : i32
        %dma_start3A_441 = tpu.memref_slice %arg6[%dma_start3A_440] : memref<3216xi32, #tpu.memory_space<vmem>> -> memref<3200xi32, #tpu.memory_space<vmem>>
        %dma_start3A_442 = tpu.memref_slice %arg2[%mul3A_2] : memref<100000xi32, #tpu.memory_space<hbm>> -> memref<3200xi32, #tpu.memory_space<hbm>>
        tpu.enqueue_dma source(%dma_start3A_442 : memref<3200xi32, #tpu.memory_space<hbm>>) target(%dma_start3A_441 : memref<3200xi32, #tpu.memory_space<vmem>>) target_semaphore(%run_scoped3A : memref<!tpu.dma_semaphore, #tpu.memory_space<semaphore_mem>>)
        %dma_wait3A_443 = arith.constant 0 : i32
        %dma_wait3A_444 = tpu.memref_slice %arg6[%dma_wait3A_443] : memref<3216xi32, #tpu.memory_space<vmem>> -> memref<3200xi32, #tpu.memory_space<vmem>>
        %dma_wait3A_445 = tpu.memref_slice %arg2[%mul3A_2] : memref<100000xi32, #tpu.memory_space<hbm>> -> memref<3200xi32, #tpu.memory_space<hbm>>
        %dma_wait3A_446 = arith.constant 0 : i32
        %dma_wait3A_447 = tpu.memref_slice %arg6[%dma_wait3A_446] : memref<3216xi32, #tpu.memory_space<vmem>> -> memref<3200xi32, #tpu.memory_space<vmem>>
        %dma_wait3A_448 = tpu.memref_slice %arg2[%mul3A_2] : memref<100000xi32, #tpu.memory_space<hbm>> -> memref<3200xi32, #tpu.memory_space<hbm>>
        tpu.wait_dma2 semaphore(%run_scoped3A : memref<!tpu.dma_semaphore, #tpu.memory_space<semaphore_mem>>) src(%dma_wait3A_448 : memref<3200xi32, #tpu.memory_space<hbm>>) dst(%dma_wait3A_447 : memref<3200xi32, #tpu.memory_space<vmem>>)
        tpu.yield
      }) : () -> ()
    } else {
    }
    tpu.wait_dma2 semaphore(%arg7 : memref<!tpu.dma_semaphore, #tpu.memory_space<semaphore_mem>>) src(%arg3 : memref<100x512xf32, #tpu.memory_space<hbm>>) dst(%arg5 : memref<100x512xf32, #tpu.memory_space<vmem>>)
    %get3A = arith.constant 0 : index
    %get3A_12 = tpu.vector_load %arg6[%get3A] {strides = array<i32>} : memref<3216xi32, #tpu.memory_space<vmem>>, vector<16xi32>,
    %get3A_13 = vector.shape_cast %get3A_12 : vector<16xi32> to vector<16xi32>
    %slice3A = vector.extract_strided_slice %get3A_13 {offsets = [0], sizes = [1], strides = [1]} : vector<16xi32> to vector<1xi32>
    %squeeze3A = vector.extract %slice3A[0] : i32 from vector<1xi32>
    %add3A_14 = arith.constant 0 : i32
    %add3A_15 = arith.addi %mul3A_2, %add3A_14 : i32
    %dma_start3A = arith.constant 0 : i32
    %dma_start3A_16 = tpu.memref_slice %arg5[%squeeze3A, %dma_start3A] : memref<100x512xf32, #tpu.memory_space<vmem>> -> memref<1x512xf32, #tpu.memory_space<vmem>>
    %dma_start3A_17 = arith.constant 0 : i32
    %dma_start3A_18 = tpu.memref_slice %arg4[%add3A_15, %dma_start3A_17] : memref<100000x512xf32, #tpu.memory_space<hbm>> -> memref<1x512xf32, #tpu.memory_space<hbm>>
    %dma_start3A_19 = arith.constant 0 : i32
    %dma_start3A_20 = tpu.memref_slice %arg4[%add3A_15, %dma_start3A_19] : memref<100000x512xf32, #tpu.memory_space<hbm>> -> memref<1x512xf32, #tpu.memory_space<hbm>>
    %dma_start3A_21 = arith.constant 0 : i32
    %dma_start3A_22 = tpu.memref_slice %arg5[%squeeze3A, %dma_start3A_21] : memref<100x512xf32, #tpu.memory_space<vmem>> -> memref<1x512xf32, #tpu.memory_space<vmem>>
    tpu.enqueue_dma source(%dma_start3A_22 : memref<1x512xf32, #tpu.memory_space<vmem>>) target(%dma_start3A_20 : memref<1x512xf32, #tpu.memory_space<hbm>>) target_semaphore(%arg8 : memref<!tpu.dma_semaphore, #tpu.memory_space<semaphore_mem>>)
    %get3A_23 = arith.constant 1 : index
    %get3A_24 = tpu.vector_load %arg6[%get3A_23] {strides = array<i32>} : memref<3216xi32, #tpu.memory_space<vmem>>, vector<16xi32>,
    %get3A_25 = vector.shape_cast %get3A_24 : vector<16xi32> to vector<16xi32>
    %slice3A_26 = vector.extract_strided_slice %get3A_25 {offsets = [0], sizes = [1], strides = [1]} : vector<16xi32> to vector<1xi32>
    %squeeze3A_27 = vector.extract %slice3A_26[0] : i32 from vector<1xi32>
    %add3A_28 = arith.constant 1 : i32
    %add3A_29 = arith.addi %mul3A_2, %add3A_28 : i32
    %dma_start3A_30 = arith.constant 0 : i32
    %dma_start3A_31 = tpu.memref_slice %arg5[%squeeze3A_27, %dma_start3A_30] : memref<100x512xf32, #tpu.memory_space<vmem>> -> memref<1x512xf32, #tpu.memory_space<vmem>>
    %dma_start3A_32 = arith.constant 0 : i32
    %dma_start3A_33 = tpu.memref_slice %arg4[%add3A_29, %dma_start3A_32] : memref<100000x512xf32, #tpu.memory_space<hbm>> -> memref<1x512xf32, #tpu.memory_space<hbm>>
    %dma_start3A_34 = arith.constant 0 : i32
    %dma_start3A_35 = tpu.memref_slice %arg4[%add3A_29, %dma_start3A_34] : memref<100000x512xf32, #tpu.memory_space<hbm>> -> memref<1x512xf32, #tpu.memory_space<hbm>>
    %dma_start3A_36 = arith.constant 0 : i32
    %dma_start3A_37 = tpu.memref_slice %arg5[%squeeze3A_27, %dma_start3A_36] : memref<100x512xf32, #tpu.memory_space<vmem>> -> memref<1x512xf32, #tpu.memory_space<vmem>>
    tpu.enqueue_dma source(%dma_start3A_37 : memref<1x512xf32, #tpu.memory_space<vmem>>) target(%dma_start3A_35 : memref<1x512xf32, #tpu.memory_space<hbm>>) target_semaphore(%arg8 : memref<!tpu.dma_semaphore, #tpu.memory_space<semaphore_mem>>)
    %get3A_38 = arith.constant 2 : index
    %get3A_39 = tpu.vector_load %arg6[%get3A_38] {strides = array<i32>} : memref<3216xi32, #tpu.memory_space<vmem>>, vector<16xi32>,
    %get3A_40 = vector.shape_cast %get3A_39 : vector<16xi32> to vector<16xi32>
    %slice3A_41 = vector.extract_strided_slice %get3A_40 {offsets = [0], sizes = [1], strides = [1]} : vector<16xi32> to vector<1xi32>
    %squeeze3A_42 = vector.extract %slice3A_41[0] : i32 from vector<1xi32>
    %add3A_43 = arith.constant 2 : i32
    %add3A_44 = arith.addi %mul3A_2, %add3A_43 : i32
    %dma_start3A_45 = arith.constant 0 : i32
    %dma_start3A_46 = tpu.memref_slice %arg5[%squeeze3A_42, %dma_start3A_45] : memref<100x512xf32, #tpu.memory_space<vmem>> -> memref<1x512xf32, #tpu.memory_space<vmem>>
    %dma_start3A_47 = arith.constant 0 : i32
    %dma_start3A_48 = tpu.memref_slice %arg4[%add3A_44, %dma_start3A_47] : memref<100000x512xf32, #tpu.memory_space<hbm>> -> memref<1x512xf32, #tpu.memory_space<hbm>>
    %dma_start3A_49 = arith.constant 0 : i32
    %dma_start3A_50 = tpu.memref_slice %arg4[%add3A_44, %dma_start3A_49] : memref<100000x512xf32, #tpu.memory_space<hbm>> -> memref<1x512xf32, #tpu.memory_space<hbm>>
    %dma_start3A_51 = arith.constant 0 : i32
    %dma_start3A_52 = tpu.memref_slice %arg5[%squeeze3A_42, %dma_start3A_51] : memref<100x512xf32, #tpu.memory_space<vmem>> -> memref<1x512xf32, #tpu.memory_space<vmem>>
    tpu.enqueue_dma source(%dma_start3A_52 : memref<1x512xf32, #tpu.memory_space<vmem>>) target(%dma_start3A_50 : memref<1x512xf32, #tpu.memory_space<hbm>>) target_semaphore(%arg8 : memref<!tpu.dma_semaphore, #tpu.memory_space<semaphore_mem>>)
    %get3A_53 = arith.constant 3 : index
    %get3A_54 = tpu.vector_load %arg6[%get3A_53] {strides = array<i32>} : memref<3216xi32, #tpu.memory_space<vmem>>, vector<16xi32>,
    %get3A_55 = vector.shape_cast %get3A_54 : vector<16xi32> to vector<16xi32>
    %slice3A_56 = vector.extract_strided_slice %get3A_55 {offsets = [0], sizes = [1], strides = [1]} : vector<16xi32> to vector<1xi32>
    %squeeze3A_57 = vector.extract %slice3A_56[0] : i32 from vector<1xi32>
    %add3A_58 = arith.constant 3 : i32
    %add3A_59 = arith.addi %mul3A_2, %add3A_58 : i32
    %dma_start3A_60 = arith.constant 0 : i32
    %dma_start3A_61 = tpu.memref_slice %arg5[%squeeze3A_57, %dma_start3A_60] : memref<100x512xf32, #tpu.memory_space<vmem>> -> memref<1x512xf32, #tpu.memory_space<vmem>>
    %dma_start3A_62 = arith.constant 0 : i32
    %dma_start3A_63 = tpu.memref_slice %arg4[%add3A_59, %dma_start3A_62] : memref<100000x512xf32, #tpu.memory_space<hbm>> -> memref<1x512xf32, #tpu.memory_space<hbm>>
    %dma_start3A_64 = arith.constant 0 : i32
    %dma_start3A_65 = tpu.memref_slice %arg4[%add3A_59, %dma_start3A_64] : memref<100000x512xf32, #tpu.memory_space<hbm>> -> memref<1x512xf32, #tpu.memory_space<hbm>>
    %dma_start3A_66 = arith.constant 0 : i32
    %dma_start3A_67 = tpu.memref_slice %arg5[%squeeze3A_57, %dma_start3A_66] : memref<100x512xf32, #tpu.memory_space<vmem>> -> memref<1x512xf32, #tpu.memory_space<vmem>>
    tpu.enqueue_dma source(%dma_start3A_67 : memref<1x512xf32, #tpu.memory_space<vmem>>) target(%dma_start3A_65 : memref<1x512xf32, #tpu.memory_space<hbm>>) target_semaphore(%arg8 : memref<!tpu.dma_semaphore, #tpu.memory_space<semaphore_mem>>)
    %get3A_68 = arith.constant 4 : index
    %get3A_69 = tpu.vector_load %arg6[%get3A_68] {strides = array<i32>} : memref<3216xi32, #tpu.memory_space<vmem>>, vector<16xi32>,
    %get3A_70 = vector.shape_cast %get3A_69 : vector<16xi32> to vector<16xi32>
    %slice3A_71 = vector.extract_strided_slice %get3A_70 {offsets = [0], sizes = [1], strides = [1]} : vector<16xi32> to vector<1xi32>
    %squeeze3A_72 = vector.extract %slice3A_71[0] : i32 from vector<1xi32>
    %add3A_73 = arith.constant 4 : i32
    %add3A_74 = arith.addi %mul3A_2, %add3A_73 : i32
    %dma_start3A_75 = arith.constant 0 : i32
    %dma_start3A_76 = tpu.memref_slice %arg5[%squeeze3A_72, %dma_start3A_75] : memref<100x512xf32, #tpu.memory_space<vmem>> -> memref<1x512xf32, #tpu.memory_space<vmem>>
    %dma_start3A_77 = arith.constant 0 : i32
    %dma_start3A_78 = tpu.memref_slice %arg4[%add3A_74, %dma_start3A_77] : memref<100000x512xf32, #tpu.memory_space<hbm>> -> memref<1x512xf32, #tpu.memory_space<hbm>>
    %dma_start3A_79 = arith.constant 0 : i32
    %dma_start3A_80 = tpu.memref_slice %arg4[%add3A_74, %dma_start3A_79] : memref<100000x512xf32, #tpu.memory_space<hbm>> -> memref<1x512xf32, #tpu.memory_space<hbm>>
    %dma_start3A_81 = arith.constant 0 : i32
    %dma_start3A_82 = tpu.memref_slice %arg5[%squeeze3A_72, %dma_start3A_81] : memref<100x512xf32, #tpu.memory_space<vmem>> -> memref<1x512xf32, #tpu.memory_space<vmem>>
    tpu.enqueue_dma source(%dma_start3A_82 : memref<1x512xf32, #tpu.memory_space<vmem>>) target(%dma_start3A_80 : memref<1x512xf32, #tpu.memory_space<hbm>>) target_semaphore(%arg8 : memref<!tpu.dma_semaphore, #tpu.memory_space<semaphore_mem>>)
    %get3A_83 = arith.constant 5 : index
    %get3A_84 = tpu.vector_load %arg6[%get3A_83] {strides = array<i32>} : memref<3216xi32, #tpu.memory_space<vmem>>, vector<16xi32>,
    %get3A_85 = vector.shape_cast %get3A_84 : vector<16xi32> to vector<16xi32>
    %slice3A_86 = vector.extract_strided_slice %get3A_85 {offsets = [0], sizes = [1], strides = [1]} : vector<16xi32> to vector<1xi32>
    %squeeze3A_87 = vector.extract %slice3A_86[0] : i32 from vector<1xi32>
    %add3A_88 = arith.constant 5 : i32
    %add3A_89 = arith.addi %mul3A_2, %add3A_88 : i32
    %dma_start3A_90 = arith.constant 0 : i32
    %dma_start3A_91 = tpu.memref_slice %arg5[%squeeze3A_87, %dma_start3A_90] : memref<100x512xf32, #tpu.memory_space<vmem>> -> memref<1x512xf32, #tpu.memory_space<vmem>>
    %dma_start3A_92 = arith.constant 0 : i32
    %dma_start3A_93 = tpu.memref_slice %arg4[%add3A_89, %dma_start3A_92] : memref<100000x512xf32, #tpu.memory_space<hbm>> -> memref<1x512xf32, #tpu.memory_space<hbm>>
    %dma_start3A_94 = arith.constant 0 : i32
    %dma_start3A_95 = tpu.memref_slice %arg4[%add3A_89, %dma_start3A_94] : memref<100000x512xf32, #tpu.memory_space<hbm>> -> memref<1x512xf32, #tpu.memory_space<hbm>>
    %dma_start3A_96 = arith.constant 0 : i32
    %dma_start3A_97 = tpu.memref_slice %arg5[%squeeze3A_87, %dma_start3A_96] : memref<100x512xf32, #tpu.memory_space<vmem>> -> memref<1x512xf32, #tpu.memory_space<vmem>>
    tpu.enqueue_dma source(%dma_start3A_97 : memref<1x512xf32, #tpu.memory_space<vmem>>) target(%dma_start3A_95 : memref<1x512xf32, #tpu.memory_space<hbm>>) target_semaphore(%arg8 : memref<!tpu.dma_semaphore, #tpu.memory_space<semaphore_mem>>)
    %get3A_98 = arith.constant 6 : index
    %get3A_99 = tpu.vector_load %arg6[%get3A_98] {strides = array<i32>} : memref<3216xi32, #tpu.memory_space<vmem>>, vector<16xi32>,
    %get3A_100 = vector.shape_cast %get3A_99 : vector<16xi32> to vector<16xi32>
    %slice3A_101 = vector.extract_strided_slice %get3A_100 {offsets = [0], sizes = [1], strides = [1]} : vector<16xi32> to vector<1xi32>
    %squeeze3A_102 = vector.extract %slice3A_101[0] : i32 from vector<1xi32>
    %add3A_103 = arith.constant 6 : i32
    %add3A_104 = arith.addi %mul3A_2, %add3A_103 : i32
    %dma_start3A_105 = arith.constant 0 : i32
    %dma_start3A_106 = tpu.memref_slice %arg5[%squeeze3A_102, %dma_start3A_105] : memref<100x512xf32, #tpu.memory_space<vmem>> -> memref<1x512xf32, #tpu.memory_space<vmem>>
    %dma_start3A_107 = arith.constant 0 : i32
    %dma_start3A_108 = tpu.memref_slice %arg4[%add3A_104, %dma_start3A_107] : memref<100000x512xf32, #tpu.memory_space<hbm>> -> memref<1x512xf32, #tpu.memory_space<hbm>>
    %dma_start3A_109 = arith.constant 0 : i32
    %dma_start3A_110 = tpu.memref_slice %arg4[%add3A_104, %dma_start3A_109] : memref<100000x512xf32, #tpu.memory_space<hbm>> -> memref<1x512xf32, #tpu.memory_space<hbm>>
    %dma_start3A_111 = arith.constant 0 : i32
    %dma_start3A_112 = tpu.memref_slice %arg5[%squeeze3A_102, %dma_start3A_111] : memref<100x512xf32, #tpu.memory_space<vmem>> -> memref<1x512xf32, #tpu.memory_space<vmem>>
    tpu.enqueue_dma source(%dma_start3A_112 : memref<1x512xf32, #tpu.memory_space<vmem>>) target(%dma_start3A_110 : memref<1x512xf32, #tpu.memory_space<hbm>>) target_semaphore(%arg8 : memref<!tpu.dma_semaphore, #tpu.memory_space<semaphore_mem>>)
    %get3A_113 = arith.constant 7 : index
    %get3A_114 = tpu.vector_load %arg6[%get3A_113] {strides = array<i32>} : memref<3216xi32, #tpu.memory_space<vmem>>, vector<16xi32>,
    %get3A_115 = vector.shape_cast %get3A_114 : vector<16xi32> to vector<16xi32>
    %slice3A_116 = vector.extract_strided_slice %get3A_115 {offsets = [0], sizes = [1], strides = [1]} : vector<16xi32> to vector<1xi32>
    %squeeze3A_117 = vector.extract %slice3A_116[0] : i32 from vector<1xi32>
    %add3A_118 = arith.constant 7 : i32
    %add3A_119 = arith.addi %mul3A_2, %add3A_118 : i32
    %dma_start3A_120 = arith.constant 0 : i32
    %dma_start3A_121 = tpu.memref_slice %arg5[%squeeze3A_117, %dma_start3A_120] : memref<100x512xf32, #tpu.memory_space<vmem>> -> memref<1x512xf32, #tpu.memory_space<vmem>>
    %dma_start3A_122 = arith.constant 0 : i32
    %dma_start3A_123 = tpu.memref_slice %arg4[%add3A_119, %dma_start3A_122] : memref<100000x512xf32, #tpu.memory_space<hbm>> -> memref<1x512xf32, #tpu.memory_space<hbm>>
    %dma_start3A_124 = arith.constant 0 : i32
    %dma_start3A_125 = tpu.memref_slice %arg4[%add3A_119, %dma_start3A_124] : memref<100000x512xf32, #tpu.memory_space<hbm>> -> memref<1x512xf32, #tpu.memory_space<hbm>>
    %dma_start3A_126 = arith.constant 0 : i32
    %dma_start3A_127 = tpu.memref_slice %arg5[%squeeze3A_117, %dma_start3A_126] : memref<100x512xf32, #tpu.memory_space<vmem>> -> memref<1x512xf32, #tpu.memory_space<vmem>>
    tpu.enqueue_dma source(%dma_start3A_127 : memref<1x512xf32, #tpu.memory_space<vmem>>) target(%dma_start3A_125 : memref<1x512xf32, #tpu.memory_space<hbm>>) target_semaphore(%arg8 : memref<!tpu.dma_semaphore, #tpu.memory_space<semaphore_mem>>)
    %get3A_128 = arith.constant 8 : index
    %get3A_129 = tpu.vector_load %arg6[%get3A_128] {strides = array<i32>} : memref<3216xi32, #tpu.memory_space<vmem>>, vector<16xi32>,
    %get3A_130 = vector.shape_cast %get3A_129 : vector<16xi32> to vector<16xi32>
    %slice3A_131 = vector.extract_strided_slice %get3A_130 {offsets = [0], sizes = [1], strides = [1]} : vector<16xi32> to vector<1xi32>
    %squeeze3A_132 = vector.extract %slice3A_131[0] : i32 from vector<1xi32>
    %add3A_133 = arith.constant 8 : i32
    %add3A_134 = arith.addi %mul3A_2, %add3A_133 : i32
    %dma_start3A_135 = arith.constant 0 : i32
    %dma_start3A_136 = tpu.memref_slice %arg5[%squeeze3A_132, %dma_start3A_135] : memref<100x512xf32, #tpu.memory_space<vmem>> -> memref<1x512xf32, #tpu.memory_space<vmem>>
    %dma_start3A_137 = arith.constant 0 : i32
    %dma_start3A_138 = tpu.memref_slice %arg4[%add3A_134, %dma_start3A_137] : memref<100000x512xf32, #tpu.memory_space<hbm>> -> memref<1x512xf32, #tpu.memory_space<hbm>>
    %dma_start3A_139 = arith.constant 0 : i32
    %dma_start3A_140 = tpu.memref_slice %arg4[%add3A_134, %dma_start3A_139] : memref<100000x512xf32, #tpu.memory_space<hbm>> -> memref<1x512xf32, #tpu.memory_space<hbm>>
    %dma_start3A_141 = arith.constant 0 : i32
    %dma_start3A_142 = tpu.memref_slice %arg5[%squeeze3A_132, %dma_start3A_141] : memref<100x512xf32, #tpu.memory_space<vmem>> -> memref<1x512xf32, #tpu.memory_space<vmem>>
    tpu.enqueue_dma source(%dma_start3A_142 : memref<1x512xf32, #tpu.memory_space<vmem>>) target(%dma_start3A_140 : memref<1x512xf32, #tpu.memory_space<hbm>>) target_semaphore(%arg8 : memref<!tpu.dma_semaphore, #tpu.memory_space<semaphore_mem>>)
    %get3A_143 = arith.constant 9 : index
    %get3A_144 = tpu.vector_load %arg6[%get3A_143] {strides = array<i32>} : memref<3216xi32, #tpu.memory_space<vmem>>, vector<16xi32>,
    %get3A_145 = vector.shape_cast %get3A_144 : vector<16xi32> to vector<16xi32>
    %slice3A_146 = vector.extract_strided_slice %get3A_145 {offsets = [0], sizes = [1], strides = [1]} : vector<16xi32> to vector<1xi32>
    %squeeze3A_147 = vector.extract %slice3A_146[0] : i32 from vector<1xi32>
    %add3A_148 = arith.constant 9 : i32
    %add3A_149 = arith.addi %mul3A_2, %add3A_148 : i32
    %dma_start3A_150 = arith.constant 0 : i32
    %dma_start3A_151 = tpu.memref_slice %arg5[%squeeze3A_147, %dma_start3A_150] : memref<100x512xf32, #tpu.memory_space<vmem>> -> memref<1x512xf32, #tpu.memory_space<vmem>>
    %dma_start3A_152 = arith.constant 0 : i32
    %dma_start3A_153 = tpu.memref_slice %arg4[%add3A_149, %dma_start3A_152] : memref<100000x512xf32, #tpu.memory_space<hbm>> -> memref<1x512xf32, #tpu.memory_space<hbm>>
    %dma_start3A_154 = arith.constant 0 : i32
    %dma_start3A_155 = tpu.memref_slice %arg4[%add3A_149, %dma_start3A_154] : memref<100000x512xf32, #tpu.memory_space<hbm>> -> memref<1x512xf32, #tpu.memory_space<hbm>>
    %dma_start3A_156 = arith.constant 0 : i32
    %dma_start3A_157 = tpu.memref_slice %arg5[%squeeze3A_147, %dma_start3A_156] : memref<100x512xf32, #tpu.memory_space<vmem>> -> memref<1x512xf32, #tpu.memory_space<vmem>>
    tpu.enqueue_dma source(%dma_start3A_157 : memref<1x512xf32, #tpu.memory_space<vmem>>) target(%dma_start3A_155 : memref<1x512xf32, #tpu.memory_space<hbm>>) target_semaphore(%arg8 : memref<!tpu.dma_semaphore, #tpu.memory_space<semaphore_mem>>)
    %get3A_158 = arith.constant 10 : index
    %get3A_159 = tpu.vector_load %arg6[%get3A_158] {strides = array<i32>} : memref<3216xi32, #tpu.memory_space<vmem>>, vector<16xi32>,
    %get3A_160 = vector.shape_cast %get3A_159 : vector<16xi32> to vector<16xi32>
    %slice3A_161 = vector.extract_strided_slice %get3A_160 {offsets = [0], sizes = [1], strides = [1]} : vector<16xi32> to vector<1xi32>
    %squeeze3A_162 = vector.extract %slice3A_161[0] : i32 from vector<1xi32>
    %add3A_163 = arith.constant 10 : i32
    %add3A_164 = arith.addi %mul3A_2, %add3A_163 : i32
    %dma_start3A_165 = arith.constant 0 : i32
    %dma_start3A_166 = tpu.memref_slice %arg5[%squeeze3A_162, %dma_start3A_165] : memref<100x512xf32, #tpu.memory_space<vmem>> -> memref<1x512xf32, #tpu.memory_space<vmem>>
    %dma_start3A_167 = arith.constant 0 : i32
    %dma_start3A_168 = tpu.memref_slice %arg4[%add3A_164, %dma_start3A_167] : memref<100000x512xf32, #tpu.memory_space<hbm>> -> memref<1x512xf32, #tpu.memory_space<hbm>>
    %dma_start3A_169 = arith.constant 0 : i32
    %dma_start3A_170 = tpu.memref_slice %arg4[%add3A_164, %dma_start3A_169] : memref<100000x512xf32, #tpu.memory_space<hbm>> -> memref<1x512xf32, #tpu.memory_space<hbm>>
    %dma_start3A_171 = arith.constant 0 : i32
    %dma_start3A_172 = tpu.memref_slice %arg5[%squeeze3A_162, %dma_start3A_171] : memref<100x512xf32, #tpu.memory_space<vmem>> -> memref<1x512xf32, #tpu.memory_space<vmem>>
    tpu.enqueue_dma source(%dma_start3A_172 : memref<1x512xf32, #tpu.memory_space<vmem>>) target(%dma_start3A_170 : memref<1x512xf32, #tpu.memory_space<hbm>>) target_semaphore(%arg8 : memref<!tpu.dma_semaphore, #tpu.memory_space<semaphore_mem>>)
    %get3A_173 = arith.constant 11 : index
    %get3A_174 = tpu.vector_load %arg6[%get3A_173] {strides = array<i32>} : memref<3216xi32, #tpu.memory_space<vmem>>, vector<16xi32>,
    %get3A_175 = vector.shape_cast %get3A_174 : vector<16xi32> to vector<16xi32>
    %slice3A_176 = vector.extract_strided_slice %get3A_175 {offsets = [0], sizes = [1], strides = [1]} : vector<16xi32> to vector<1xi32>
    %squeeze3A_177 = vector.extract %slice3A_176[0] : i32 from vector<1xi32>
    %add3A_178 = arith.constant 11 : i32
    %add3A_179 = arith.addi %mul3A_2, %add3A_178 : i32
    %dma_start3A_180 = arith.constant 0 : i32
    %dma_start3A_181 = tpu.memref_slice %arg5[%squeeze3A_177, %dma_start3A_180] : memref<100x512xf32, #tpu.memory_space<vmem>> -> memref<1x512xf32, #tpu.memory_space<vmem>>
    %dma_start3A_182 = arith.constant 0 : i32
    %dma_start3A_183 = tpu.memref_slice %arg4[%add3A_179, %dma_start3A_182] : memref<100000x512xf32, #tpu.memory_space<hbm>> -> memref<1x512xf32, #tpu.memory_space<hbm>>
    %dma_start3A_184 = arith.constant 0 : i32
    %dma_start3A_185 = tpu.memref_slice %arg4[%add3A_179, %dma_start3A_184] : memref<100000x512xf32, #tpu.memory_space<hbm>> -> memref<1x512xf32, #tpu.memory_space<hbm>>
    %dma_start3A_186 = arith.constant 0 : i32
    %dma_start3A_187 = tpu.memref_slice %arg5[%squeeze3A_177, %dma_start3A_186] : memref<100x512xf32, #tpu.memory_space<vmem>> -> memref<1x512xf32, #tpu.memory_space<vmem>>
    tpu.enqueue_dma source(%dma_start3A_187 : memref<1x512xf32, #tpu.memory_space<vmem>>) target(%dma_start3A_185 : memref<1x512xf32, #tpu.memory_space<hbm>>) target_semaphore(%arg8 : memref<!tpu.dma_semaphore, #tpu.memory_space<semaphore_mem>>)
    %get3A_188 = arith.constant 12 : index
    %get3A_189 = tpu.vector_load %arg6[%get3A_188] {strides = array<i32>} : memref<3216xi32, #tpu.memory_space<vmem>>, vector<16xi32>,
    %get3A_190 = vector.shape_cast %get3A_189 : vector<16xi32> to vector<16xi32>
    %slice3A_191 = vector.extract_strided_slice %get3A_190 {offsets = [0], sizes = [1], strides = [1]} : vector<16xi32> to vector<1xi32>
    %squeeze3A_192 = vector.extract %slice3A_191[0] : i32 from vector<1xi32>
    %add3A_193 = arith.constant 12 : i32
    %add3A_194 = arith.addi %mul3A_2, %add3A_193 : i32
    %dma_start3A_195 = arith.constant 0 : i32
    %dma_start3A_196 = tpu.memref_slice %arg5[%squeeze3A_192, %dma_start3A_195] : memref<100x512xf32, #tpu.memory_space<vmem>> -> memref<1x512xf32, #tpu.memory_space<vmem>>
    %dma_start3A_197 = arith.constant 0 : i32
    %dma_start3A_198 = tpu.memref_slice %arg4[%add3A_194, %dma_start3A_197] : memref<100000x512xf32, #tpu.memory_space<hbm>> -> memref<1x512xf32, #tpu.memory_space<hbm>>
    %dma_start3A_199 = arith.constant 0 : i32
    %dma_start3A_200 = tpu.memref_slice %arg4[%add3A_194, %dma_start3A_199] : memref<100000x512xf32, #tpu.memory_space<hbm>> -> memref<1x512xf32, #tpu.memory_space<hbm>>
    %dma_start3A_201 = arith.constant 0 : i32
    %dma_start3A_202 = tpu.memref_slice %arg5[%squeeze3A_192, %dma_start3A_201] : memref<100x512xf32, #tpu.memory_space<vmem>> -> memref<1x512xf32, #tpu.memory_space<vmem>>
    tpu.enqueue_dma source(%dma_start3A_202 : memref<1x512xf32, #tpu.memory_space<vmem>>) target(%dma_start3A_200 : memref<1x512xf32, #tpu.memory_space<hbm>>) target_semaphore(%arg8 : memref<!tpu.dma_semaphore, #tpu.memory_space<semaphore_mem>>)
    %get3A_203 = arith.constant 13 : index
    %get3A_204 = tpu.vector_load %arg6[%get3A_203] {strides = array<i32>} : memref<3216xi32, #tpu.memory_space<vmem>>, vector<16xi32>,
    %get3A_205 = vector.shape_cast %get3A_204 : vector<16xi32> to vector<16xi32>
    %slice3A_206 = vector.extract_strided_slice %get3A_205 {offsets = [0], sizes = [1], strides = [1]} : vector<16xi32> to vector<1xi32>
    %squeeze3A_207 = vector.extract %slice3A_206[0] : i32 from vector<1xi32>
    %add3A_208 = arith.constant 13 : i32
    %add3A_209 = arith.addi %mul3A_2, %add3A_208 : i32
    %dma_start3A_210 = arith.constant 0 : i32
    %dma_start3A_211 = tpu.memref_slice %arg5[%squeeze3A_207, %dma_start3A_210] : memref<100x512xf32, #tpu.memory_space<vmem>> -> memref<1x512xf32, #tpu.memory_space<vmem>>
    %dma_start3A_212 = arith.constant 0 : i32
    %dma_start3A_213 = tpu.memref_slice %arg4[%add3A_209, %dma_start3A_212] : memref<100000x512xf32, #tpu.memory_space<hbm>> -> memref<1x512xf32, #tpu.memory_space<hbm>>
    %dma_start3A_214 = arith.constant 0 : i32
    %dma_start3A_215 = tpu.memref_slice %arg4[%add3A_209, %dma_start3A_214] : memref<100000x512xf32, #tpu.memory_space<hbm>> -> memref<1x512xf32, #tpu.memory_space<hbm>>
    %dma_start3A_216 = arith.constant 0 : i32
    %dma_start3A_217 = tpu.memref_slice %arg5[%squeeze3A_207, %dma_start3A_216] : memref<100x512xf32, #tpu.memory_space<vmem>> -> memref<1x512xf32, #tpu.memory_space<vmem>>
    tpu.enqueue_dma source(%dma_start3A_217 : memref<1x512xf32, #tpu.memory_space<vmem>>) target(%dma_start3A_215 : memref<1x512xf32, #tpu.memory_space<hbm>>) target_semaphore(%arg8 : memref<!tpu.dma_semaphore, #tpu.memory_space<semaphore_mem>>)
    %get3A_218 = arith.constant 14 : index
    %get3A_219 = tpu.vector_load %arg6[%get3A_218] {strides = array<i32>} : memref<3216xi32, #tpu.memory_space<vmem>>, vector<16xi32>,
    %get3A_220 = vector.shape_cast %get3A_219 : vector<16xi32> to vector<16xi32>
    %slice3A_221 = vector.extract_strided_slice %get3A_220 {offsets = [0], sizes = [1], strides = [1]} : vector<16xi32> to vector<1xi32>
    %squeeze3A_222 = vector.extract %slice3A_221[0] : i32 from vector<1xi32>
    %add3A_223 = arith.constant 14 : i32
    %add3A_224 = arith.addi %mul3A_2, %add3A_223 : i32
    %dma_start3A_225 = arith.constant 0 : i32
    %dma_start3A_226 = tpu.memref_slice %arg5[%squeeze3A_222, %dma_start3A_225] : memref<100x512xf32, #tpu.memory_space<vmem>> -> memref<1x512xf32, #tpu.memory_space<vmem>>
    %dma_start3A_227 = arith.constant 0 : i32
    %dma_start3A_228 = tpu.memref_slice %arg4[%add3A_224, %dma_start3A_227] : memref<100000x512xf32, #tpu.memory_space<hbm>> -> memref<1x512xf32, #tpu.memory_space<hbm>>
    %dma_start3A_229 = arith.constant 0 : i32
    %dma_start3A_230 = tpu.memref_slice %arg4[%add3A_224, %dma_start3A_229] : memref<100000x512xf32, #tpu.memory_space<hbm>> -> memref<1x512xf32, #tpu.memory_space<hbm>>
    %dma_start3A_231 = arith.constant 0 : i32
    %dma_start3A_232 = tpu.memref_slice %arg5[%squeeze3A_222, %dma_start3A_231] : memref<100x512xf32, #tpu.memory_space<vmem>> -> memref<1x512xf32, #tpu.memory_space<vmem>>
    tpu.enqueue_dma source(%dma_start3A_232 : memref<1x512xf32, #tpu.memory_space<vmem>>) target(%dma_start3A_230 : memref<1x512xf32, #tpu.memory_space<hbm>>) target_semaphore(%arg8 : memref<!tpu.dma_semaphore, #tpu.memory_space<semaphore_mem>>)
    %get3A_233 = arith.constant 15 : index
    %get3A_234 = tpu.vector_load %arg6[%get3A_233] {strides = array<i32>} : memref<3216xi32, #tpu.memory_space<vmem>>, vector<16xi32>,
    %get3A_235 = vector.shape_cast %get3A_234 : vector<16xi32> to vector<16xi32>
    %slice3A_236 = vector.extract_strided_slice %get3A_235 {offsets = [0], sizes = [1], strides = [1]} : vector<16xi32> to vector<1xi32>
    %squeeze3A_237 = vector.extract %slice3A_236[0] : i32 from vector<1xi32>
    %add3A_238 = arith.constant 15 : i32
    %add3A_239 = arith.addi %mul3A_2, %add3A_238 : i32
    %dma_start3A_240 = arith.constant 0 : i32
    %dma_start3A_241 = tpu.memref_slice %arg5[%squeeze3A_237, %dma_start3A_240] : memref<100x512xf32, #tpu.memory_space<vmem>> -> memref<1x512xf32, #tpu.memory_space<vmem>>
    %dma_start3A_242 = arith.constant 0 : i32
    %dma_start3A_243 = tpu.memref_slice %arg4[%add3A_239, %dma_start3A_242] : memref<100000x512xf32, #tpu.memory_space<hbm>> -> memref<1x512xf32, #tpu.memory_space<hbm>>
    %dma_start3A_244 = arith.constant 0 : i32
    %dma_start3A_245 = tpu.memref_slice %arg4[%add3A_239, %dma_start3A_244] : memref<100000x512xf32, #tpu.memory_space<hbm>> -> memref<1x512xf32, #tpu.memory_space<hbm>>
    %dma_start3A_246 = arith.constant 0 : i32
    %dma_start3A_247 = tpu.memref_slice %arg5[%squeeze3A_237, %dma_start3A_246] : memref<100x512xf32, #tpu.memory_space<vmem>> -> memref<1x512xf32, #tpu.memory_space<vmem>>
    tpu.enqueue_dma source(%dma_start3A_247 : memref<1x512xf32, #tpu.memory_space<vmem>>) target(%dma_start3A_245 : memref<1x512xf32, #tpu.memory_space<hbm>>) target_semaphore(%arg8 : memref<!tpu.dma_semaphore, #tpu.memory_space<semaphore_mem>>)
    %sub3A = arith.constant 16 : i32
    %sub3A_248 = arith.subi %select_n3A, %sub3A : i32
    %jit3A_249 = arith.constant 16 : i32
    %div3A = arith.divsi %sub3A_248, %jit3A_249 : i32
    %sign3A = arith.constant 0 : i32
    %sign3A_250 = arith.cmpi sgt, %sub3A_248, %sign3A : i32
    %sign3A_251 = arith.extui %sign3A_250 : i1 to i32
    %sign3A_252 = arith.constant 0 : i32
    %sign3A_253 = arith.cmpi slt, %sub3A_248, %sign3A_252 : i32
    %sign3A_254 = arith.extui %sign3A_253 : i1 to i32
    %sign3A_255 = arith.subi %sign3A_251, %sign3A_254 : i32
    %sign3A_256 = arith.constant 0 : i32
    %sign3A_257 = arith.cmpi sgt, %jit3A_249, %sign3A_256 : i32
    %sign3A_258 = arith.extui %sign3A_257 : i1 to i32
    %sign3A_259 = arith.constant 0 : i32
    %sign3A_260 = arith.cmpi slt, %jit3A_249, %sign3A_259 : i32
    %sign3A_261 = arith.extui %sign3A_260 : i1 to i32
    %sign3A_262 = arith.subi %sign3A_258, %sign3A_261 : i32
    %ne3A_263 = arith.cmpi ne, %sign3A_255, %sign3A_262 : i32
    %rem3A = arith.remsi %sub3A_248, %jit3A_249 : i32
    %ne3A_264 = arith.constant 0 : i32
    %ne3A_265 = arith.cmpi ne, %rem3A, %ne3A_264 : i32
    %and3A = arith.andi %ne3A_263, %ne3A_265 : i1
    %sub3A_266 = arith.constant 1 : i32
    %sub3A_267 = arith.subi %div3A, %sub3A_266 : i32
    %select_n3A_268 = arith.select %and3A, %sub3A_267, %div3A : i32
    %while3A = arith.constant 0 : i32
    %while3A_269 = arith.constant 0 : i32
    %while3A_270 = arith.subi %select_n3A_268, %while3A_269 : i32
    %while3A_271 = arith.addi %while3A_269, %while3A_270 : i32
    %while3A_272 = arith.constant 1 : i32
    %while3A_273 = arith.divsi %while3A_270, %while3A_272 : i32
    %while3A_274 = arith.muli %while3A_273, %while3A_272 : i32
    %while3A_275 = arith.addi %while3A_269, %while3A_274 : i32
    %while3A_276 = arith.constant 1 : i32
    scf.for %while3A_437 = %while3A_269 to %while3A_275 step %while3A_276  : i32 {
      %mul3A_438 = arith.constant 16 : i32
      %mul3A_439 = arith.muli %while3A_437, %mul3A_438 : i32
      %add3A_440 = arith.constant 16 : i32
      %add3A_441 = arith.addi %add3A_440, %mul3A_439 : i32
      %get3A_442 = arith.index_cast %add3A_441 : i32 to index
      %get3A_443 = tpu.vector_load %arg6[%get3A_442] {strides = array<i32>} : memref<3216xi32, #tpu.memory_space<vmem>>, vector<16xi32>,
      %get3A_444 = vector.shape_cast %get3A_443 : vector<16xi32> to vector<16xi32>
      %dma_wait3A_445 = arith.constant 0 : i32
      %dma_wait3A_446 = arith.constant 0 : i32
      %dma_wait3A_447 = tpu.memref_slice %arg5[%dma_wait3A_445, %dma_wait3A_446] : memref<100x512xf32, #tpu.memory_space<vmem>> -> memref<1x512xf32, #tpu.memory_space<vmem>>
      %dma_wait3A_448 = arith.constant 0 : i32
      %dma_wait3A_449 = tpu.memref_slice %arg4[%mul3A_2, %dma_wait3A_448] : memref<100000x512xf32, #tpu.memory_space<hbm>> -> memref<1x512xf32, #tpu.memory_space<hbm>>
      %dma_wait3A_450 = arith.constant 0 : i32
      %dma_wait3A_451 = tpu.memref_slice %arg4[%mul3A_2, %dma_wait3A_450] : memref<100000x512xf32, #tpu.memory_space<hbm>> -> memref<1x512xf32, #tpu.memory_space<hbm>>
      %dma_wait3A_452 = arith.constant 0 : i32
      %dma_wait3A_453 = arith.constant 0 : i32
      %dma_wait3A_454 = tpu.memref_slice %arg5[%dma_wait3A_452, %dma_wait3A_453] : memref<100x512xf32, #tpu.memory_space<vmem>> -> memref<1x512xf32, #tpu.memory_space<vmem>>
      tpu.wait_dma2 semaphore(%arg8 : memref<!tpu.dma_semaphore, #tpu.memory_space<semaphore_mem>>) src(%dma_wait3A_454 : memref<1x512xf32, #tpu.memory_space<vmem>>) dst(%dma_wait3A_451 : memref<1x512xf32, #tpu.memory_space<hbm>>)
      %slice3A_455 = vector.extract_strided_slice %get3A_444 {offsets = [0], sizes = [1], strides = [1]} : vector<16xi32> to vector<1xi32>
      %squeeze3A_456 = vector.extract %slice3A_455[0] : i32 from vector<1xi32>
      %add3A_457 = arith.addi %mul3A_2, %add3A_441 : i32
      %add3A_458 = arith.constant 0 : i32
      %add3A_459 = arith.addi %add3A_457, %add3A_458 : i32
      %dma_start3A_460 = arith.constant 0 : i32
      %dma_start3A_461 = tpu.memref_slice %arg5[%squeeze3A_456, %dma_start3A_460] : memref<100x512xf32, #tpu.memory_space<vmem>> -> memref<1x512xf32, #tpu.memory_space<vmem>>
      %dma_start3A_462 = arith.constant 0 : i32
      %dma_start3A_463 = tpu.memref_slice %arg4[%add3A_459, %dma_start3A_462] : memref<100000x512xf32, #tpu.memory_space<hbm>> -> memref<1x512xf32, #tpu.memory_space<hbm>>
      %dma_start3A_464 = arith.constant 0 : i32
      %dma_start3A_465 = tpu.memref_slice %arg4[%add3A_459, %dma_start3A_464] : memref<100000x512xf32, #tpu.memory_space<hbm>> -> memref<1x512xf32, #tpu.memory_space<hbm>>
      %dma_start3A_466 = arith.constant 0 : i32
      %dma_start3A_467 = tpu.memref_slice %arg5[%squeeze3A_456, %dma_start3A_466] : memref<100x512xf32, #tpu.memory_space<vmem>> -> memref<1x512xf32, #tpu.memory_space<vmem>>
      tpu.enqueue_dma source(%dma_start3A_467 : memref<1x512xf32, #tpu.memory_space<vmem>>) target(%dma_start3A_465 : memref<1x512xf32, #tpu.memory_space<hbm>>) target_semaphore(%arg8 : memref<!tpu.dma_semaphore, #tpu.memory_space<semaphore_mem>>)
      %dma_wait3A_468 = arith.constant 0 : i32
      %dma_wait3A_469 = arith.constant 0 : i32
      %dma_wait3A_470 = tpu.memref_slice %arg5[%dma_wait3A_468, %dma_wait3A_469] : memref<100x512xf32, #tpu.memory_space<vmem>> -> memref<1x512xf32, #tpu.memory_space<vmem>>
      %dma_wait3A_471 = arith.constant 0 : i32
      %dma_wait3A_472 = tpu.memref_slice %arg4[%mul3A_2, %dma_wait3A_471] : memref<100000x512xf32, #tpu.memory_space<hbm>> -> memref<1x512xf32, #tpu.memory_space<hbm>>
      %dma_wait3A_473 = arith.constant 0 : i32
      %dma_wait3A_474 = tpu.memref_slice %arg4[%mul3A_2, %dma_wait3A_473] : memref<100000x512xf32, #tpu.memory_space<hbm>> -> memref<1x512xf32, #tpu.memory_space<hbm>>
      %dma_wait3A_475 = arith.constant 0 : i32
      %dma_wait3A_476 = arith.constant 0 : i32
      %dma_wait3A_477 = tpu.memref_slice %arg5[%dma_wait3A_475, %dma_wait3A_476] : memref<100x512xf32, #tpu.memory_space<vmem>> -> memref<1x512xf32, #tpu.memory_space<vmem>>
      tpu.wait_dma2 semaphore(%arg8 : memref<!tpu.dma_semaphore, #tpu.memory_space<semaphore_mem>>) src(%dma_wait3A_477 : memref<1x512xf32, #tpu.memory_space<vmem>>) dst(%dma_wait3A_474 : memref<1x512xf32, #tpu.memory_space<hbm>>)
      %slice3A_478 = vector.extract_strided_slice %get3A_444 {offsets = [1], sizes = [1], strides = [1]} : vector<16xi32> to vector<1xi32>
      %squeeze3A_479 = vector.extract %slice3A_478[0] : i32 from vector<1xi32>
      %add3A_480 = arith.addi %mul3A_2, %add3A_441 : i32
      %add3A_481 = arith.constant 1 : i32
      %add3A_482 = arith.addi %add3A_480, %add3A_481 : i32
      %dma_start3A_483 = arith.constant 0 : i32
      %dma_start3A_484 = tpu.memref_slice %arg5[%squeeze3A_479, %dma_start3A_483] : memref<100x512xf32, #tpu.memory_space<vmem>> -> memref<1x512xf32, #tpu.memory_space<vmem>>
      %dma_start3A_485 = arith.constant 0 : i32
      %dma_start3A_486 = tpu.memref_slice %arg4[%add3A_482, %dma_start3A_485] : memref<100000x512xf32, #tpu.memory_space<hbm>> -> memref<1x512xf32, #tpu.memory_space<hbm>>
      %dma_start3A_487 = arith.constant 0 : i32
      %dma_start3A_488 = tpu.memref_slice %arg4[%add3A_482, %dma_start3A_487] : memref<100000x512xf32, #tpu.memory_space<hbm>> -> memref<1x512xf32, #tpu.memory_space<hbm>>
      %dma_start3A_489 = arith.constant 0 : i32
      %dma_start3A_490 = tpu.memref_slice %arg5[%squeeze3A_479, %dma_start3A_489] : memref<100x512xf32, #tpu.memory_space<vmem>> -> memref<1x512xf32, #tpu.memory_space<vmem>>
      tpu.enqueue_dma source(%dma_start3A_490 : memref<1x512xf32, #tpu.memory_space<vmem>>) target(%dma_start3A_488 : memref<1x512xf32, #tpu.memory_space<hbm>>) target_semaphore(%arg8 : memref<!tpu.dma_semaphore, #tpu.memory_space<semaphore_mem>>)
      %dma_wait3A_491 = arith.constant 0 : i32
      %dma_wait3A_492 = arith.constant 0 : i32
      %dma_wait3A_493 = tpu.memref_slice %arg5[%dma_wait3A_491, %dma_wait3A_492] : memref<100x512xf32, #tpu.memory_space<vmem>> -> memref<1x512xf32, #tpu.memory_space<vmem>>
      %dma_wait3A_494 = arith.constant 0 : i32
      %dma_wait3A_495 = tpu.memref_slice %arg4[%mul3A_2, %dma_wait3A_494] : memref<100000x512xf32, #tpu.memory_space<hbm>> -> memref<1x512xf32, #tpu.memory_space<hbm>>
      %dma_wait3A_496 = arith.constant 0 : i32
      %dma_wait3A_497 = tpu.memref_slice %arg4[%mul3A_2, %dma_wait3A_496] : memref<100000x512xf32, #tpu.memory_space<hbm>> -> memref<1x512xf32, #tpu.memory_space<hbm>>
      %dma_wait3A_498 = arith.constant 0 : i32
      %dma_wait3A_499 = arith.constant 0 : i32
      %dma_wait3A_500 = tpu.memref_slice %arg5[%dma_wait3A_498, %dma_wait3A_499] : memref<100x512xf32, #tpu.memory_space<vmem>> -> memref<1x512xf32, #tpu.memory_space<vmem>>
      tpu.wait_dma2 semaphore(%arg8 : memref<!tpu.dma_semaphore, #tpu.memory_space<semaphore_mem>>) src(%dma_wait3A_500 : memref<1x512xf32, #tpu.memory_space<vmem>>) dst(%dma_wait3A_497 : memref<1x512xf32, #tpu.memory_space<hbm>>)
      %slice3A_501 = vector.extract_strided_slice %get3A_444 {offsets = [2], sizes = [1], strides = [1]} : vector<16xi32> to vector<1xi32>
      %squeeze3A_502 = vector.extract %slice3A_501[0] : i32 from vector<1xi32>
      %add3A_503 = arith.addi %mul3A_2, %add3A_441 : i32
      %add3A_504 = arith.constant 2 : i32
      %add3A_505 = arith.addi %add3A_503, %add3A_504 : i32
      %dma_start3A_506 = arith.constant 0 : i32
      %dma_start3A_507 = tpu.memref_slice %arg5[%squeeze3A_502, %dma_start3A_506] : memref<100x512xf32, #tpu.memory_space<vmem>> -> memref<1x512xf32, #tpu.memory_space<vmem>>
      %dma_start3A_508 = arith.constant 0 : i32
      %dma_start3A_509 = tpu.memref_slice %arg4[%add3A_505, %dma_start3A_508] : memref<100000x512xf32, #tpu.memory_space<hbm>> -> memref<1x512xf32, #tpu.memory_space<hbm>>
      %dma_start3A_510 = arith.constant 0 : i32
      %dma_start3A_511 = tpu.memref_slice %arg4[%add3A_505, %dma_start3A_510] : memref<100000x512xf32, #tpu.memory_space<hbm>> -> memref<1x512xf32, #tpu.memory_space<hbm>>
      %dma_start3A_512 = arith.constant 0 : i32
      %dma_start3A_513 = tpu.memref_slice %arg5[%squeeze3A_502, %dma_start3A_512] : memref<100x512xf32, #tpu.memory_space<vmem>> -> memref<1x512xf32, #tpu.memory_space<vmem>>
      tpu.enqueue_dma source(%dma_start3A_513 : memref<1x512xf32, #tpu.memory_space<vmem>>) target(%dma_start3A_511 : memref<1x512xf32, #tpu.memory_space<hbm>>) target_semaphore(%arg8 : memref<!tpu.dma_semaphore, #tpu.memory_space<semaphore_mem>>)
      %dma_wait3A_514 = arith.constant 0 : i32
      %dma_wait3A_515 = arith.constant 0 : i32
      %dma_wait3A_516 = tpu.memref_slice %arg5[%dma_wait3A_514, %dma_wait3A_515] : memref<100x512xf32, #tpu.memory_space<vmem>> -> memref<1x512xf32, #tpu.memory_space<vmem>>
      %dma_wait3A_517 = arith.constant 0 : i32
      %dma_wait3A_518 = tpu.memref_slice %arg4[%mul3A_2, %dma_wait3A_517] : memref<100000x512xf32, #tpu.memory_space<hbm>> -> memref<1x512xf32, #tpu.memory_space<hbm>>
      %dma_wait3A_519 = arith.constant 0 : i32
      %dma_wait3A_520 = tpu.memref_slice %arg4[%mul3A_2, %dma_wait3A_519] : memref<100000x512xf32, #tpu.memory_space<hbm>> -> memref<1x512xf32, #tpu.memory_space<hbm>>
      %dma_wait3A_521 = arith.constant 0 : i32
      %dma_wait3A_522 = arith.constant 0 : i32
      %dma_wait3A_523 = tpu.memref_slice %arg5[%dma_wait3A_521, %dma_wait3A_522] : memref<100x512xf32, #tpu.memory_space<vmem>> -> memref<1x512xf32, #tpu.memory_space<vmem>>
      tpu.wait_dma2 semaphore(%arg8 : memref<!tpu.dma_semaphore, #tpu.memory_space<semaphore_mem>>) src(%dma_wait3A_523 : memref<1x512xf32, #tpu.memory_space<vmem>>) dst(%dma_wait3A_520 : memref<1x512xf32, #tpu.memory_space<hbm>>)
      %slice3A_524 = vector.extract_strided_slice %get3A_444 {offsets = [3], sizes = [1], strides = [1]} : vector<16xi32> to vector<1xi32>
      %squeeze3A_525 = vector.extract %slice3A_524[0] : i32 from vector<1xi32>
      %add3A_526 = arith.addi %mul3A_2, %add3A_441 : i32
      %add3A_527 = arith.constant 3 : i32
      %add3A_528 = arith.addi %add3A_526, %add3A_527 : i32
      %dma_start3A_529 = arith.constant 0 : i32
      %dma_start3A_530 = tpu.memref_slice %arg5[%squeeze3A_525, %dma_start3A_529] : memref<100x512xf32, #tpu.memory_space<vmem>> -> memref<1x512xf32, #tpu.memory_space<vmem>>
      %dma_start3A_531 = arith.constant 0 : i32
      %dma_start3A_532 = tpu.memref_slice %arg4[%add3A_528, %dma_start3A_531] : memref<100000x512xf32, #tpu.memory_space<hbm>> -> memref<1x512xf32, #tpu.memory_space<hbm>>
      %dma_start3A_533 = arith.constant 0 : i32
      %dma_start3A_534 = tpu.memref_slice %arg4[%add3A_528, %dma_start3A_533] : memref<100000x512xf32, #tpu.memory_space<hbm>> -> memref<1x512xf32, #tpu.memory_space<hbm>>
      %dma_start3A_535 = arith.constant 0 : i32
      %dma_start3A_536 = tpu.memref_slice %arg5[%squeeze3A_525, %dma_start3A_535] : memref<100x512xf32, #tpu.memory_space<vmem>> -> memref<1x512xf32, #tpu.memory_space<vmem>>
      tpu.enqueue_dma source(%dma_start3A_536 : memref<1x512xf32, #tpu.memory_space<vmem>>) target(%dma_start3A_534 : memref<1x512xf32, #tpu.memory_space<hbm>>) target_semaphore(%arg8 : memref<!tpu.dma_semaphore, #tpu.memory_space<semaphore_mem>>)
      %dma_wait3A_537 = arith.constant 0 : i32
      %dma_wait3A_538 = arith.constant 0 : i32
      %dma_wait3A_539 = tpu.memref_slice %arg5[%dma_wait3A_537, %dma_wait3A_538] : memref<100x512xf32, #tpu.memory_space<vmem>> -> memref<1x512xf32, #tpu.memory_space<vmem>>
      %dma_wait3A_540 = arith.constant 0 : i32
      %dma_wait3A_541 = tpu.memref_slice %arg4[%mul3A_2, %dma_wait3A_540] : memref<100000x512xf32, #tpu.memory_space<hbm>> -> memref<1x512xf32, #tpu.memory_space<hbm>>
      %dma_wait3A_542 = arith.constant 0 : i32
      %dma_wait3A_543 = tpu.memref_slice %arg4[%mul3A_2, %dma_wait3A_542] : memref<100000x512xf32, #tpu.memory_space<hbm>> -> memref<1x512xf32, #tpu.memory_space<hbm>>
      %dma_wait3A_544 = arith.constant 0 : i32
      %dma_wait3A_545 = arith.constant 0 : i32
      %dma_wait3A_546 = tpu.memref_slice %arg5[%dma_wait3A_544, %dma_wait3A_545] : memref<100x512xf32, #tpu.memory_space<vmem>> -> memref<1x512xf32, #tpu.memory_space<vmem>>
      tpu.wait_dma2 semaphore(%arg8 : memref<!tpu.dma_semaphore, #tpu.memory_space<semaphore_mem>>) src(%dma_wait3A_546 : memref<1x512xf32, #tpu.memory_space<vmem>>) dst(%dma_wait3A_543 : memref<1x512xf32, #tpu.memory_space<hbm>>)
      %slice3A_547 = vector.extract_strided_slice %get3A_444 {offsets = [4], sizes = [1], strides = [1]} : vector<16xi32> to vector<1xi32>
      %squeeze3A_548 = vector.extract %slice3A_547[0] : i32 from vector<1xi32>
      %add3A_549 = arith.addi %mul3A_2, %add3A_441 : i32
      %add3A_550 = arith.constant 4 : i32
      %add3A_551 = arith.addi %add3A_549, %add3A_550 : i32
      %dma_start3A_552 = arith.constant 0 : i32
      %dma_start3A_553 = tpu.memref_slice %arg5[%squeeze3A_548, %dma_start3A_552] : memref<100x512xf32, #tpu.memory_space<vmem>> -> memref<1x512xf32, #tpu.memory_space<vmem>>
      %dma_start3A_554 = arith.constant 0 : i32
      %dma_start3A_555 = tpu.memref_slice %arg4[%add3A_551, %dma_start3A_554] : memref<100000x512xf32, #tpu.memory_space<hbm>> -> memref<1x512xf32, #tpu.memory_space<hbm>>
      %dma_start3A_556 = arith.constant 0 : i32
      %dma_start3A_557 = tpu.memref_slice %arg4[%add3A_551, %dma_start3A_556] : memref<100000x512xf32, #tpu.memory_space<hbm>> -> memref<1x512xf32, #tpu.memory_space<hbm>>
      %dma_start3A_558 = arith.constant 0 : i32
      %dma_start3A_559 = tpu.memref_slice %arg5[%squeeze3A_548, %dma_start3A_558] : memref<100x512xf32, #tpu.memory_space<vmem>> -> memref<1x512xf32, #tpu.memory_space<vmem>>
      tpu.enqueue_dma source(%dma_start3A_559 : memref<1x512xf32, #tpu.memory_space<vmem>>) target(%dma_start3A_557 : memref<1x512xf32, #tpu.memory_space<hbm>>) target_semaphore(%arg8 : memref<!tpu.dma_semaphore, #tpu.memory_space<semaphore_mem>>)
      %dma_wait3A_560 = arith.constant 0 : i32
      %dma_wait3A_561 = arith.constant 0 : i32
      %dma_wait3A_562 = tpu.memref_slice %arg5[%dma_wait3A_560, %dma_wait3A_561] : memref<100x512xf32, #tpu.memory_space<vmem>> -> memref<1x512xf32, #tpu.memory_space<vmem>>
      %dma_wait3A_563 = arith.constant 0 : i32
      %dma_wait3A_564 = tpu.memref_slice %arg4[%mul3A_2, %dma_wait3A_563] : memref<100000x512xf32, #tpu.memory_space<hbm>> -> memref<1x512xf32, #tpu.memory_space<hbm>>
      %dma_wait3A_565 = arith.constant 0 : i32
      %dma_wait3A_566 = tpu.memref_slice %arg4[%mul3A_2, %dma_wait3A_565] : memref<100000x512xf32, #tpu.memory_space<hbm>> -> memref<1x512xf32, #tpu.memory_space<hbm>>
      %dma_wait3A_567 = arith.constant 0 : i32
      %dma_wait3A_568 = arith.constant 0 : i32
      %dma_wait3A_569 = tpu.memref_slice %arg5[%dma_wait3A_567, %dma_wait3A_568] : memref<100x512xf32, #tpu.memory_space<vmem>> -> memref<1x512xf32, #tpu.memory_space<vmem>>
      tpu.wait_dma2 semaphore(%arg8 : memref<!tpu.dma_semaphore, #tpu.memory_space<semaphore_mem>>) src(%dma_wait3A_569 : memref<1x512xf32, #tpu.memory_space<vmem>>) dst(%dma_wait3A_566 : memref<1x512xf32, #tpu.memory_space<hbm>>)
      %slice3A_570 = vector.extract_strided_slice %get3A_444 {offsets = [5], sizes = [1], strides = [1]} : vector<16xi32> to vector<1xi32>
      %squeeze3A_571 = vector.extract %slice3A_570[0] : i32 from vector<1xi32>
      %add3A_572 = arith.addi %mul3A_2, %add3A_441 : i32
      %add3A_573 = arith.constant 5 : i32
      %add3A_574 = arith.addi %add3A_572, %add3A_573 : i32
      %dma_start3A_575 = arith.constant 0 : i32
      %dma_start3A_576 = tpu.memref_slice %arg5[%squeeze3A_571, %dma_start3A_575] : memref<100x512xf32, #tpu.memory_space<vmem>> -> memref<1x512xf32, #tpu.memory_space<vmem>>
      %dma_start3A_577 = arith.constant 0 : i32
      %dma_start3A_578 = tpu.memref_slice %arg4[%add3A_574, %dma_start3A_577] : memref<100000x512xf32, #tpu.memory_space<hbm>> -> memref<1x512xf32, #tpu.memory_space<hbm>>
      %dma_start3A_579 = arith.constant 0 : i32
      %dma_start3A_580 = tpu.memref_slice %arg4[%add3A_574, %dma_start3A_579] : memref<100000x512xf32, #tpu.memory_space<hbm>> -> memref<1x512xf32, #tpu.memory_space<hbm>>
      %dma_start3A_581 = arith.constant 0 : i32
      %dma_start3A_582 = tpu.memref_slice %arg5[%squeeze3A_571, %dma_start3A_581] : memref<100x512xf32, #tpu.memory_space<vmem>> -> memref<1x512xf32, #tpu.memory_space<vmem>>
      tpu.enqueue_dma source(%dma_start3A_582 : memref<1x512xf32, #tpu.memory_space<vmem>>) target(%dma_start3A_580 : memref<1x512xf32, #tpu.memory_space<hbm>>) target_semaphore(%arg8 : memref<!tpu.dma_semaphore, #tpu.memory_space<semaphore_mem>>)
      %dma_wait3A_583 = arith.constant 0 : i32
      %dma_wait3A_584 = arith.constant 0 : i32
      %dma_wait3A_585 = tpu.memref_slice %arg5[%dma_wait3A_583, %dma_wait3A_584] : memref<100x512xf32, #tpu.memory_space<vmem>> -> memref<1x512xf32, #tpu.memory_space<vmem>>
      %dma_wait3A_586 = arith.constant 0 : i32
      %dma_wait3A_587 = tpu.memref_slice %arg4[%mul3A_2, %dma_wait3A_586] : memref<100000x512xf32, #tpu.memory_space<hbm>> -> memref<1x512xf32, #tpu.memory_space<hbm>>
      %dma_wait3A_588 = arith.constant 0 : i32
      %dma_wait3A_589 = tpu.memref_slice %arg4[%mul3A_2, %dma_wait3A_588] : memref<100000x512xf32, #tpu.memory_space<hbm>> -> memref<1x512xf32, #tpu.memory_space<hbm>>
      %dma_wait3A_590 = arith.constant 0 : i32
      %dma_wait3A_591 = arith.constant 0 : i32
      %dma_wait3A_592 = tpu.memref_slice %arg5[%dma_wait3A_590, %dma_wait3A_591] : memref<100x512xf32, #tpu.memory_space<vmem>> -> memref<1x512xf32, #tpu.memory_space<vmem>>
      tpu.wait_dma2 semaphore(%arg8 : memref<!tpu.dma_semaphore, #tpu.memory_space<semaphore_mem>>) src(%dma_wait3A_592 : memref<1x512xf32, #tpu.memory_space<vmem>>) dst(%dma_wait3A_589 : memref<1x512xf32, #tpu.memory_space<hbm>>)
      %slice3A_593 = vector.extract_strided_slice %get3A_444 {offsets = [6], sizes = [1], strides = [1]} : vector<16xi32> to vector<1xi32>
      %squeeze3A_594 = vector.extract %slice3A_593[0] : i32 from vector<1xi32>
      %add3A_595 = arith.addi %mul3A_2, %add3A_441 : i32
      %add3A_596 = arith.constant 6 : i32
      %add3A_597 = arith.addi %add3A_595, %add3A_596 : i32
      %dma_start3A_598 = arith.constant 0 : i32
      %dma_start3A_599 = tpu.memref_slice %arg5[%squeeze3A_594, %dma_start3A_598] : memref<100x512xf32, #tpu.memory_space<vmem>> -> memref<1x512xf32, #tpu.memory_space<vmem>>
      %dma_start3A_600 = arith.constant 0 : i32
      %dma_start3A_601 = tpu.memref_slice %arg4[%add3A_597, %dma_start3A_600] : memref<100000x512xf32, #tpu.memory_space<hbm>> -> memref<1x512xf32, #tpu.memory_space<hbm>>
      %dma_start3A_602 = arith.constant 0 : i32
      %dma_start3A_603 = tpu.memref_slice %arg4[%add3A_597, %dma_start3A_602] : memref<100000x512xf32, #tpu.memory_space<hbm>> -> memref<1x512xf32, #tpu.memory_space<hbm>>
      %dma_start3A_604 = arith.constant 0 : i32
      %dma_start3A_605 = tpu.memref_slice %arg5[%squeeze3A_594, %dma_start3A_604] : memref<100x512xf32, #tpu.memory_space<vmem>> -> memref<1x512xf32, #tpu.memory_space<vmem>>
      tpu.enqueue_dma source(%dma_start3A_605 : memref<1x512xf32, #tpu.memory_space<vmem>>) target(%dma_start3A_603 : memref<1x512xf32, #tpu.memory_space<hbm>>) target_semaphore(%arg8 : memref<!tpu.dma_semaphore, #tpu.memory_space<semaphore_mem>>)
      %dma_wait3A_606 = arith.constant 0 : i32
      %dma_wait3A_607 = arith.constant 0 : i32
      %dma_wait3A_608 = tpu.memref_slice %arg5[%dma_wait3A_606, %dma_wait3A_607] : memref<100x512xf32, #tpu.memory_space<vmem>> -> memref<1x512xf32, #tpu.memory_space<vmem>>
      %dma_wait3A_609 = arith.constant 0 : i32
      %dma_wait3A_610 = tpu.memref_slice %arg4[%mul3A_2, %dma_wait3A_609] : memref<100000x512xf32, #tpu.memory_space<hbm>> -> memref<1x512xf32, #tpu.memory_space<hbm>>
      %dma_wait3A_611 = arith.constant 0 : i32
      %dma_wait3A_612 = tpu.memref_slice %arg4[%mul3A_2, %dma_wait3A_611] : memref<100000x512xf32, #tpu.memory_space<hbm>> -> memref<1x512xf32, #tpu.memory_space<hbm>>
      %dma_wait3A_613 = arith.constant 0 : i32
      %dma_wait3A_614 = arith.constant 0 : i32
      %dma_wait3A_615 = tpu.memref_slice %arg5[%dma_wait3A_613, %dma_wait3A_614] : memref<100x512xf32, #tpu.memory_space<vmem>> -> memref<1x512xf32, #tpu.memory_space<vmem>>
      tpu.wait_dma2 semaphore(%arg8 : memref<!tpu.dma_semaphore, #tpu.memory_space<semaphore_mem>>) src(%dma_wait3A_615 : memref<1x512xf32, #tpu.memory_space<vmem>>) dst(%dma_wait3A_612 : memref<1x512xf32, #tpu.memory_space<hbm>>)
      %slice3A_616 = vector.extract_strided_slice %get3A_444 {offsets = [7], sizes = [1], strides = [1]} : vector<16xi32> to vector<1xi32>
      %squeeze3A_617 = vector.extract %slice3A_616[0] : i32 from vector<1xi32>
      %add3A_618 = arith.addi %mul3A_2, %add3A_441 : i32
      %add3A_619 = arith.constant 7 : i32
      %add3A_620 = arith.addi %add3A_618, %add3A_619 : i32
      %dma_start3A_621 = arith.constant 0 : i32
      %dma_start3A_622 = tpu.memref_slice %arg5[%squeeze3A_617, %dma_start3A_621] : memref<100x512xf32, #tpu.memory_space<vmem>> -> memref<1x512xf32, #tpu.memory_space<vmem>>
      %dma_start3A_623 = arith.constant 0 : i32
      %dma_start3A_624 = tpu.memref_slice %arg4[%add3A_620, %dma_start3A_623] : memref<100000x512xf32, #tpu.memory_space<hbm>> -> memref<1x512xf32, #tpu.memory_space<hbm>>
      %dma_start3A_625 = arith.constant 0 : i32
      %dma_start3A_626 = tpu.memref_slice %arg4[%add3A_620, %dma_start3A_625] : memref<100000x512xf32, #tpu.memory_space<hbm>> -> memref<1x512xf32, #tpu.memory_space<hbm>>
      %dma_start3A_627 = arith.constant 0 : i32
      %dma_start3A_628 = tpu.memref_slice %arg5[%squeeze3A_617, %dma_start3A_627] : memref<100x512xf32, #tpu.memory_space<vmem>> -> memref<1x512xf32, #tpu.memory_space<vmem>>
      tpu.enqueue_dma source(%dma_start3A_628 : memref<1x512xf32, #tpu.memory_space<vmem>>) target(%dma_start3A_626 : memref<1x512xf32, #tpu.memory_space<hbm>>) target_semaphore(%arg8 : memref<!tpu.dma_semaphore, #tpu.memory_space<semaphore_mem>>)
      %dma_wait3A_629 = arith.constant 0 : i32
      %dma_wait3A_630 = arith.constant 0 : i32
      %dma_wait3A_631 = tpu.memref_slice %arg5[%dma_wait3A_629, %dma_wait3A_630] : memref<100x512xf32, #tpu.memory_space<vmem>> -> memref<1x512xf32, #tpu.memory_space<vmem>>
      %dma_wait3A_632 = arith.constant 0 : i32
      %dma_wait3A_633 = tpu.memref_slice %arg4[%mul3A_2, %dma_wait3A_632] : memref<100000x512xf32, #tpu.memory_space<hbm>> -> memref<1x512xf32, #tpu.memory_space<hbm>>
      %dma_wait3A_634 = arith.constant 0 : i32
      %dma_wait3A_635 = tpu.memref_slice %arg4[%mul3A_2, %dma_wait3A_634] : memref<100000x512xf32, #tpu.memory_space<hbm>> -> memref<1x512xf32, #tpu.memory_space<hbm>>
      %dma_wait3A_636 = arith.constant 0 : i32
      %dma_wait3A_637 = arith.constant 0 : i32
      %dma_wait3A_638 = tpu.memref_slice %arg5[%dma_wait3A_636, %dma_wait3A_637] : memref<100x512xf32, #tpu.memory_space<vmem>> -> memref<1x512xf32, #tpu.memory_space<vmem>>
      tpu.wait_dma2 semaphore(%arg8 : memref<!tpu.dma_semaphore, #tpu.memory_space<semaphore_mem>>) src(%dma_wait3A_638 : memref<1x512xf32, #tpu.memory_space<vmem>>) dst(%dma_wait3A_635 : memref<1x512xf32, #tpu.memory_space<hbm>>)
      %slice3A_639 = vector.extract_strided_slice %get3A_444 {offsets = [8], sizes = [1], strides = [1]} : vector<16xi32> to vector<1xi32>
      %squeeze3A_640 = vector.extract %slice3A_639[0] : i32 from vector<1xi32>
      %add3A_641 = arith.addi %mul3A_2, %add3A_441 : i32
      %add3A_642 = arith.constant 8 : i32
      %add3A_643 = arith.addi %add3A_641, %add3A_642 : i32
      %dma_start3A_644 = arith.constant 0 : i32
      %dma_start3A_645 = tpu.memref_slice %arg5[%squeeze3A_640, %dma_start3A_644] : memref<100x512xf32, #tpu.memory_space<vmem>> -> memref<1x512xf32, #tpu.memory_space<vmem>>
      %dma_start3A_646 = arith.constant 0 : i32
      %dma_start3A_647 = tpu.memref_slice %arg4[%add3A_643, %dma_start3A_646] : memref<100000x512xf32, #tpu.memory_space<hbm>> -> memref<1x512xf32, #tpu.memory_space<hbm>>
      %dma_start3A_648 = arith.constant 0 : i32
      %dma_start3A_649 = tpu.memref_slice %arg4[%add3A_643, %dma_start3A_648] : memref<100000x512xf32, #tpu.memory_space<hbm>> -> memref<1x512xf32, #tpu.memory_space<hbm>>
      %dma_start3A_650 = arith.constant 0 : i32
      %dma_start3A_651 = tpu.memref_slice %arg5[%squeeze3A_640, %dma_start3A_650] : memref<100x512xf32, #tpu.memory_space<vmem>> -> memref<1x512xf32, #tpu.memory_space<vmem>>
      tpu.enqueue_dma source(%dma_start3A_651 : memref<1x512xf32, #tpu.memory_space<vmem>>) target(%dma_start3A_649 : memref<1x512xf32, #tpu.memory_space<hbm>>) target_semaphore(%arg8 : memref<!tpu.dma_semaphore, #tpu.memory_space<semaphore_mem>>)
      %dma_wait3A_652 = arith.constant 0 : i32
      %dma_wait3A_653 = arith.constant 0 : i32
      %dma_wait3A_654 = tpu.memref_slice %arg5[%dma_wait3A_652, %dma_wait3A_653] : memref<100x512xf32, #tpu.memory_space<vmem>> -> memref<1x512xf32, #tpu.memory_space<vmem>>
      %dma_wait3A_655 = arith.constant 0 : i32
      %dma_wait3A_656 = tpu.memref_slice %arg4[%mul3A_2, %dma_wait3A_655] : memref<100000x512xf32, #tpu.memory_space<hbm>> -> memref<1x512xf32, #tpu.memory_space<hbm>>
      %dma_wait3A_657 = arith.constant 0 : i32
      %dma_wait3A_658 = tpu.memref_slice %arg4[%mul3A_2, %dma_wait3A_657] : memref<100000x512xf32, #tpu.memory_space<hbm>> -> memref<1x512xf32, #tpu.memory_space<hbm>>
      %dma_wait3A_659 = arith.constant 0 : i32
      %dma_wait3A_660 = arith.constant 0 : i32
      %dma_wait3A_661 = tpu.memref_slice %arg5[%dma_wait3A_659, %dma_wait3A_660] : memref<100x512xf32, #tpu.memory_space<vmem>> -> memref<1x512xf32, #tpu.memory_space<vmem>>
      tpu.wait_dma2 semaphore(%arg8 : memref<!tpu.dma_semaphore, #tpu.memory_space<semaphore_mem>>) src(%dma_wait3A_661 : memref<1x512xf32, #tpu.memory_space<vmem>>) dst(%dma_wait3A_658 : memref<1x512xf32, #tpu.memory_space<hbm>>)
      %slice3A_662 = vector.extract_strided_slice %get3A_444 {offsets = [9], sizes = [1], strides = [1]} : vector<16xi32> to vector<1xi32>
      %squeeze3A_663 = vector.extract %slice3A_662[0] : i32 from vector<1xi32>
      %add3A_664 = arith.addi %mul3A_2, %add3A_441 : i32
      %add3A_665 = arith.constant 9 : i32
      %add3A_666 = arith.addi %add3A_664, %add3A_665 : i32
      %dma_start3A_667 = arith.constant 0 : i32
      %dma_start3A_668 = tpu.memref_slice %arg5[%squeeze3A_663, %dma_start3A_667] : memref<100x512xf32, #tpu.memory_space<vmem>> -> memref<1x512xf32, #tpu.memory_space<vmem>>
      %dma_start3A_669 = arith.constant 0 : i32
      %dma_start3A_670 = tpu.memref_slice %arg4[%add3A_666, %dma_start3A_669] : memref<100000x512xf32, #tpu.memory_space<hbm>> -> memref<1x512xf32, #tpu.memory_space<hbm>>
      %dma_start3A_671 = arith.constant 0 : i32
      %dma_start3A_672 = tpu.memref_slice %arg4[%add3A_666, %dma_start3A_671] : memref<100000x512xf32, #tpu.memory_space<hbm>> -> memref<1x512xf32, #tpu.memory_space<hbm>>
      %dma_start3A_673 = arith.constant 0 : i32
      %dma_start3A_674 = tpu.memref_slice %arg5[%squeeze3A_663, %dma_start3A_673] : memref<100x512xf32, #tpu.memory_space<vmem>> -> memref<1x512xf32, #tpu.memory_space<vmem>>
      tpu.enqueue_dma source(%dma_start3A_674 : memref<1x512xf32, #tpu.memory_space<vmem>>) target(%dma_start3A_672 : memref<1x512xf32, #tpu.memory_space<hbm>>) target_semaphore(%arg8 : memref<!tpu.dma_semaphore, #tpu.memory_space<semaphore_mem>>)
      %dma_wait3A_675 = arith.constant 0 : i32
      %dma_wait3A_676 = arith.constant 0 : i32
      %dma_wait3A_677 = tpu.memref_slice %arg5[%dma_wait3A_675, %dma_wait3A_676] : memref<100x512xf32, #tpu.memory_space<vmem>> -> memref<1x512xf32, #tpu.memory_space<vmem>>
      %dma_wait3A_678 = arith.constant 0 : i32
      %dma_wait3A_679 = tpu.memref_slice %arg4[%mul3A_2, %dma_wait3A_678] : memref<100000x512xf32, #tpu.memory_space<hbm>> -> memref<1x512xf32, #tpu.memory_space<hbm>>
      %dma_wait3A_680 = arith.constant 0 : i32
      %dma_wait3A_681 = tpu.memref_slice %arg4[%mul3A_2, %dma_wait3A_680] : memref<100000x512xf32, #tpu.memory_space<hbm>> -> memref<1x512xf32, #tpu.memory_space<hbm>>
      %dma_wait3A_682 = arith.constant 0 : i32
      %dma_wait3A_683 = arith.constant 0 : i32
      %dma_wait3A_684 = tpu.memref_slice %arg5[%dma_wait3A_682, %dma_wait3A_683] : memref<100x512xf32, #tpu.memory_space<vmem>> -> memref<1x512xf32, #tpu.memory_space<vmem>>
      tpu.wait_dma2 semaphore(%arg8 : memref<!tpu.dma_semaphore, #tpu.memory_space<semaphore_mem>>) src(%dma_wait3A_684 : memref<1x512xf32, #tpu.memory_space<vmem>>) dst(%dma_wait3A_681 : memref<1x512xf32, #tpu.memory_space<hbm>>)
      %slice3A_685 = vector.extract_strided_slice %get3A_444 {offsets = [10], sizes = [1], strides = [1]} : vector<16xi32> to vector<1xi32>
      %squeeze3A_686 = vector.extract %slice3A_685[0] : i32 from vector<1xi32>
      %add3A_687 = arith.addi %mul3A_2, %add3A_441 : i32
      %add3A_688 = arith.constant 10 : i32
      %add3A_689 = arith.addi %add3A_687, %add3A_688 : i32
      %dma_start3A_690 = arith.constant 0 : i32
      %dma_start3A_691 = tpu.memref_slice %arg5[%squeeze3A_686, %dma_start3A_690] : memref<100x512xf32, #tpu.memory_space<vmem>> -> memref<1x512xf32, #tpu.memory_space<vmem>>
      %dma_start3A_692 = arith.constant 0 : i32
      %dma_start3A_693 = tpu.memref_slice %arg4[%add3A_689, %dma_start3A_692] : memref<100000x512xf32, #tpu.memory_space<hbm>> -> memref<1x512xf32, #tpu.memory_space<hbm>>
      %dma_start3A_694 = arith.constant 0 : i32
      %dma_start3A_695 = tpu.memref_slice %arg4[%add3A_689, %dma_start3A_694] : memref<100000x512xf32, #tpu.memory_space<hbm>> -> memref<1x512xf32, #tpu.memory_space<hbm>>
      %dma_start3A_696 = arith.constant 0 : i32
      %dma_start3A_697 = tpu.memref_slice %arg5[%squeeze3A_686, %dma_start3A_696] : memref<100x512xf32, #tpu.memory_space<vmem>> -> memref<1x512xf32, #tpu.memory_space<vmem>>
      tpu.enqueue_dma source(%dma_start3A_697 : memref<1x512xf32, #tpu.memory_space<vmem>>) target(%dma_start3A_695 : memref<1x512xf32, #tpu.memory_space<hbm>>) target_semaphore(%arg8 : memref<!tpu.dma_semaphore, #tpu.memory_space<semaphore_mem>>)
      %dma_wait3A_698 = arith.constant 0 : i32
      %dma_wait3A_699 = arith.constant 0 : i32
      %dma_wait3A_700 = tpu.memref_slice %arg5[%dma_wait3A_698, %dma_wait3A_699] : memref<100x512xf32, #tpu.memory_space<vmem>> -> memref<1x512xf32, #tpu.memory_space<vmem>>
      %dma_wait3A_701 = arith.constant 0 : i32
      %dma_wait3A_702 = tpu.memref_slice %arg4[%mul3A_2, %dma_wait3A_701] : memref<100000x512xf32, #tpu.memory_space<hbm>> -> memref<1x512xf32, #tpu.memory_space<hbm>>
      %dma_wait3A_703 = arith.constant 0 : i32
      %dma_wait3A_704 = tpu.memref_slice %arg4[%mul3A_2, %dma_wait3A_703] : memref<100000x512xf32, #tpu.memory_space<hbm>> -> memref<1x512xf32, #tpu.memory_space<hbm>>
      %dma_wait3A_705 = arith.constant 0 : i32
      %dma_wait3A_706 = arith.constant 0 : i32
      %dma_wait3A_707 = tpu.memref_slice %arg5[%dma_wait3A_705, %dma_wait3A_706] : memref<100x512xf32, #tpu.memory_space<vmem>> -> memref<1x512xf32, #tpu.memory_space<vmem>>
      tpu.wait_dma2 semaphore(%arg8 : memref<!tpu.dma_semaphore, #tpu.memory_space<semaphore_mem>>) src(%dma_wait3A_707 : memref<1x512xf32, #tpu.memory_space<vmem>>) dst(%dma_wait3A_704 : memref<1x512xf32, #tpu.memory_space<hbm>>)
      %slice3A_708 = vector.extract_strided_slice %get3A_444 {offsets = [11], sizes = [1], strides = [1]} : vector<16xi32> to vector<1xi32>
      %squeeze3A_709 = vector.extract %slice3A_708[0] : i32 from vector<1xi32>
      %add3A_710 = arith.addi %mul3A_2, %add3A_441 : i32
      %add3A_711 = arith.constant 11 : i32
      %add3A_712 = arith.addi %add3A_710, %add3A_711 : i32
      %dma_start3A_713 = arith.constant 0 : i32
      %dma_start3A_714 = tpu.memref_slice %arg5[%squeeze3A_709, %dma_start3A_713] : memref<100x512xf32, #tpu.memory_space<vmem>> -> memref<1x512xf32, #tpu.memory_space<vmem>>
      %dma_start3A_715 = arith.constant 0 : i32
      %dma_start3A_716 = tpu.memref_slice %arg4[%add3A_712, %dma_start3A_715] : memref<100000x512xf32, #tpu.memory_space<hbm>> -> memref<1x512xf32, #tpu.memory_space<hbm>>
      %dma_start3A_717 = arith.constant 0 : i32
      %dma_start3A_718 = tpu.memref_slice %arg4[%add3A_712, %dma_start3A_717] : memref<100000x512xf32, #tpu.memory_space<hbm>> -> memref<1x512xf32, #tpu.memory_space<hbm>>
      %dma_start3A_719 = arith.constant 0 : i32
      %dma_start3A_720 = tpu.memref_slice %arg5[%squeeze3A_709, %dma_start3A_719] : memref<100x512xf32, #tpu.memory_space<vmem>> -> memref<1x512xf32, #tpu.memory_space<vmem>>
      tpu.enqueue_dma source(%dma_start3A_720 : memref<1x512xf32, #tpu.memory_space<vmem>>) target(%dma_start3A_718 : memref<1x512xf32, #tpu.memory_space<hbm>>) target_semaphore(%arg8 : memref<!tpu.dma_semaphore, #tpu.memory_space<semaphore_mem>>)
      %dma_wait3A_721 = arith.constant 0 : i32
      %dma_wait3A_722 = arith.constant 0 : i32
      %dma_wait3A_723 = tpu.memref_slice %arg5[%dma_wait3A_721, %dma_wait3A_722] : memref<100x512xf32, #tpu.memory_space<vmem>> -> memref<1x512xf32, #tpu.memory_space<vmem>>
      %dma_wait3A_724 = arith.constant 0 : i32
      %dma_wait3A_725 = tpu.memref_slice %arg4[%mul3A_2, %dma_wait3A_724] : memref<100000x512xf32, #tpu.memory_space<hbm>> -> memref<1x512xf32, #tpu.memory_space<hbm>>
      %dma_wait3A_726 = arith.constant 0 : i32
      %dma_wait3A_727 = tpu.memref_slice %arg4[%mul3A_2, %dma_wait3A_726] : memref<100000x512xf32, #tpu.memory_space<hbm>> -> memref<1x512xf32, #tpu.memory_space<hbm>>
      %dma_wait3A_728 = arith.constant 0 : i32
      %dma_wait3A_729 = arith.constant 0 : i32
      %dma_wait3A_730 = tpu.memref_slice %arg5[%dma_wait3A_728, %dma_wait3A_729] : memref<100x512xf32, #tpu.memory_space<vmem>> -> memref<1x512xf32, #tpu.memory_space<vmem>>
      tpu.wait_dma2 semaphore(%arg8 : memref<!tpu.dma_semaphore, #tpu.memory_space<semaphore_mem>>) src(%dma_wait3A_730 : memref<1x512xf32, #tpu.memory_space<vmem>>) dst(%dma_wait3A_727 : memref<1x512xf32, #tpu.memory_space<hbm>>)
      %slice3A_731 = vector.extract_strided_slice %get3A_444 {offsets = [12], sizes = [1], strides = [1]} : vector<16xi32> to vector<1xi32>
      %squeeze3A_732 = vector.extract %slice3A_731[0] : i32 from vector<1xi32>
      %add3A_733 = arith.addi %mul3A_2, %add3A_441 : i32
      %add3A_734 = arith.constant 12 : i32
      %add3A_735 = arith.addi %add3A_733, %add3A_734 : i32
      %dma_start3A_736 = arith.constant 0 : i32
      %dma_start3A_737 = tpu.memref_slice %arg5[%squeeze3A_732, %dma_start3A_736] : memref<100x512xf32, #tpu.memory_space<vmem>> -> memref<1x512xf32, #tpu.memory_space<vmem>>
      %dma_start3A_738 = arith.constant 0 : i32
      %dma_start3A_739 = tpu.memref_slice %arg4[%add3A_735, %dma_start3A_738] : memref<100000x512xf32, #tpu.memory_space<hbm>> -> memref<1x512xf32, #tpu.memory_space<hbm>>
      %dma_start3A_740 = arith.constant 0 : i32
      %dma_start3A_741 = tpu.memref_slice %arg4[%add3A_735, %dma_start3A_740] : memref<100000x512xf32, #tpu.memory_space<hbm>> -> memref<1x512xf32, #tpu.memory_space<hbm>>
      %dma_start3A_742 = arith.constant 0 : i32
      %dma_start3A_743 = tpu.memref_slice %arg5[%squeeze3A_732, %dma_start3A_742] : memref<100x512xf32, #tpu.memory_space<vmem>> -> memref<1x512xf32, #tpu.memory_space<vmem>>
      tpu.enqueue_dma source(%dma_start3A_743 : memref<1x512xf32, #tpu.memory_space<vmem>>) target(%dma_start3A_741 : memref<1x512xf32, #tpu.memory_space<hbm>>) target_semaphore(%arg8 : memref<!tpu.dma_semaphore, #tpu.memory_space<semaphore_mem>>)
      %dma_wait3A_744 = arith.constant 0 : i32
      %dma_wait3A_745 = arith.constant 0 : i32
      %dma_wait3A_746 = tpu.memref_slice %arg5[%dma_wait3A_744, %dma_wait3A_745] : memref<100x512xf32, #tpu.memory_space<vmem>> -> memref<1x512xf32, #tpu.memory_space<vmem>>
      %dma_wait3A_747 = arith.constant 0 : i32
      %dma_wait3A_748 = tpu.memref_slice %arg4[%mul3A_2, %dma_wait3A_747] : memref<100000x512xf32, #tpu.memory_space<hbm>> -> memref<1x512xf32, #tpu.memory_space<hbm>>
      %dma_wait3A_749 = arith.constant 0 : i32
      %dma_wait3A_750 = tpu.memref_slice %arg4[%mul3A_2, %dma_wait3A_749] : memref<100000x512xf32, #tpu.memory_space<hbm>> -> memref<1x512xf32, #tpu.memory_space<hbm>>
      %dma_wait3A_751 = arith.constant 0 : i32
      %dma_wait3A_752 = arith.constant 0 : i32
      %dma_wait3A_753 = tpu.memref_slice %arg5[%dma_wait3A_751, %dma_wait3A_752] : memref<100x512xf32, #tpu.memory_space<vmem>> -> memref<1x512xf32, #tpu.memory_space<vmem>>
      tpu.wait_dma2 semaphore(%arg8 : memref<!tpu.dma_semaphore, #tpu.memory_space<semaphore_mem>>) src(%dma_wait3A_753 : memref<1x512xf32, #tpu.memory_space<vmem>>) dst(%dma_wait3A_750 : memref<1x512xf32, #tpu.memory_space<hbm>>)
      %slice3A_754 = vector.extract_strided_slice %get3A_444 {offsets = [13], sizes = [1], strides = [1]} : vector<16xi32> to vector<1xi32>
      %squeeze3A_755 = vector.extract %slice3A_754[0] : i32 from vector<1xi32>
      %add3A_756 = arith.addi %mul3A_2, %add3A_441 : i32
      %add3A_757 = arith.constant 13 : i32
      %add3A_758 = arith.addi %add3A_756, %add3A_757 : i32
      %dma_start3A_759 = arith.constant 0 : i32
      %dma_start3A_760 = tpu.memref_slice %arg5[%squeeze3A_755, %dma_start3A_759] : memref<100x512xf32, #tpu.memory_space<vmem>> -> memref<1x512xf32, #tpu.memory_space<vmem>>
      %dma_start3A_761 = arith.constant 0 : i32
      %dma_start3A_762 = tpu.memref_slice %arg4[%add3A_758, %dma_start3A_761] : memref<100000x512xf32, #tpu.memory_space<hbm>> -> memref<1x512xf32, #tpu.memory_space<hbm>>
      %dma_start3A_763 = arith.constant 0 : i32
      %dma_start3A_764 = tpu.memref_slice %arg4[%add3A_758, %dma_start3A_763] : memref<100000x512xf32, #tpu.memory_space<hbm>> -> memref<1x512xf32, #tpu.memory_space<hbm>>
      %dma_start3A_765 = arith.constant 0 : i32
      %dma_start3A_766 = tpu.memref_slice %arg5[%squeeze3A_755, %dma_start3A_765] : memref<100x512xf32, #tpu.memory_space<vmem>> -> memref<1x512xf32, #tpu.memory_space<vmem>>
      tpu.enqueue_dma source(%dma_start3A_766 : memref<1x512xf32, #tpu.memory_space<vmem>>) target(%dma_start3A_764 : memref<1x512xf32, #tpu.memory_space<hbm>>) target_semaphore(%arg8 : memref<!tpu.dma_semaphore, #tpu.memory_space<semaphore_mem>>)
      %dma_wait3A_767 = arith.constant 0 : i32
      %dma_wait3A_768 = arith.constant 0 : i32
      %dma_wait3A_769 = tpu.memref_slice %arg5[%dma_wait3A_767, %dma_wait3A_768] : memref<100x512xf32, #tpu.memory_space<vmem>> -> memref<1x512xf32, #tpu.memory_space<vmem>>
      %dma_wait3A_770 = arith.constant 0 : i32
      %dma_wait3A_771 = tpu.memref_slice %arg4[%mul3A_2, %dma_wait3A_770] : memref<100000x512xf32, #tpu.memory_space<hbm>> -> memref<1x512xf32, #tpu.memory_space<hbm>>
      %dma_wait3A_772 = arith.constant 0 : i32
      %dma_wait3A_773 = tpu.memref_slice %arg4[%mul3A_2, %dma_wait3A_772] : memref<100000x512xf32, #tpu.memory_space<hbm>> -> memref<1x512xf32, #tpu.memory_space<hbm>>
      %dma_wait3A_774 = arith.constant 0 : i32
      %dma_wait3A_775 = arith.constant 0 : i32
      %dma_wait3A_776 = tpu.memref_slice %arg5[%dma_wait3A_774, %dma_wait3A_775] : memref<100x512xf32, #tpu.memory_space<vmem>> -> memref<1x512xf32, #tpu.memory_space<vmem>>
      tpu.wait_dma2 semaphore(%arg8 : memref<!tpu.dma_semaphore, #tpu.memory_space<semaphore_mem>>) src(%dma_wait3A_776 : memref<1x512xf32, #tpu.memory_space<vmem>>) dst(%dma_wait3A_773 : memref<1x512xf32, #tpu.memory_space<hbm>>)
      %slice3A_777 = vector.extract_strided_slice %get3A_444 {offsets = [14], sizes = [1], strides = [1]} : vector<16xi32> to vector<1xi32>
      %squeeze3A_778 = vector.extract %slice3A_777[0] : i32 from vector<1xi32>
      %add3A_779 = arith.addi %mul3A_2, %add3A_441 : i32
      %add3A_780 = arith.constant 14 : i32
      %add3A_781 = arith.addi %add3A_779, %add3A_780 : i32
      %dma_start3A_782 = arith.constant 0 : i32
      %dma_start3A_783 = tpu.memref_slice %arg5[%squeeze3A_778, %dma_start3A_782] : memref<100x512xf32, #tpu.memory_space<vmem>> -> memref<1x512xf32, #tpu.memory_space<vmem>>
      %dma_start3A_784 = arith.constant 0 : i32
      %dma_start3A_785 = tpu.memref_slice %arg4[%add3A_781, %dma_start3A_784] : memref<100000x512xf32, #tpu.memory_space<hbm>> -> memref<1x512xf32, #tpu.memory_space<hbm>>
      %dma_start3A_786 = arith.constant 0 : i32
      %dma_start3A_787 = tpu.memref_slice %arg4[%add3A_781, %dma_start3A_786] : memref<100000x512xf32, #tpu.memory_space<hbm>> -> memref<1x512xf32, #tpu.memory_space<hbm>>
      %dma_start3A_788 = arith.constant 0 : i32
      %dma_start3A_789 = tpu.memref_slice %arg5[%squeeze3A_778, %dma_start3A_788] : memref<100x512xf32, #tpu.memory_space<vmem>> -> memref<1x512xf32, #tpu.memory_space<vmem>>
      tpu.enqueue_dma source(%dma_start3A_789 : memref<1x512xf32, #tpu.memory_space<vmem>>) target(%dma_start3A_787 : memref<1x512xf32, #tpu.memory_space<hbm>>) target_semaphore(%arg8 : memref<!tpu.dma_semaphore, #tpu.memory_space<semaphore_mem>>)
      %dma_wait3A_790 = arith.constant 0 : i32
      %dma_wait3A_791 = arith.constant 0 : i32
      %dma_wait3A_792 = tpu.memref_slice %arg5[%dma_wait3A_790, %dma_wait3A_791] : memref<100x512xf32, #tpu.memory_space<vmem>> -> memref<1x512xf32, #tpu.memory_space<vmem>>
      %dma_wait3A_793 = arith.constant 0 : i32
      %dma_wait3A_794 = tpu.memref_slice %arg4[%mul3A_2, %dma_wait3A_793] : memref<100000x512xf32, #tpu.memory_space<hbm>> -> memref<1x512xf32, #tpu.memory_space<hbm>>
      %dma_wait3A_795 = arith.constant 0 : i32
      %dma_wait3A_796 = tpu.memref_slice %arg4[%mul3A_2, %dma_wait3A_795] : memref<100000x512xf32, #tpu.memory_space<hbm>> -> memref<1x512xf32, #tpu.memory_space<hbm>>
      %dma_wait3A_797 = arith.constant 0 : i32
      %dma_wait3A_798 = arith.constant 0 : i32
      %dma_wait3A_799 = tpu.memref_slice %arg5[%dma_wait3A_797, %dma_wait3A_798] : memref<100x512xf32, #tpu.memory_space<vmem>> -> memref<1x512xf32, #tpu.memory_space<vmem>>
      tpu.wait_dma2 semaphore(%arg8 : memref<!tpu.dma_semaphore, #tpu.memory_space<semaphore_mem>>) src(%dma_wait3A_799 : memref<1x512xf32, #tpu.memory_space<vmem>>) dst(%dma_wait3A_796 : memref<1x512xf32, #tpu.memory_space<hbm>>)
      %slice3A_800 = vector.extract_strided_slice %get3A_444 {offsets = [15], sizes = [1], strides = [1]} : vector<16xi32> to vector<1xi32>
      %squeeze3A_801 = vector.extract %slice3A_800[0] : i32 from vector<1xi32>
      %add3A_802 = arith.addi %mul3A_2, %add3A_441 : i32
      %add3A_803 = arith.constant 15 : i32
      %add3A_804 = arith.addi %add3A_802, %add3A_803 : i32
      %dma_start3A_805 = arith.constant 0 : i32
      %dma_start3A_806 = tpu.memref_slice %arg5[%squeeze3A_801, %dma_start3A_805] : memref<100x512xf32, #tpu.memory_space<vmem>> -> memref<1x512xf32, #tpu.memory_space<vmem>>
      %dma_start3A_807 = arith.constant 0 : i32
      %dma_start3A_808 = tpu.memref_slice %arg4[%add3A_804, %dma_start3A_807] : memref<100000x512xf32, #tpu.memory_space<hbm>> -> memref<1x512xf32, #tpu.memory_space<hbm>>
      %dma_start3A_809 = arith.constant 0 : i32
      %dma_start3A_810 = tpu.memref_slice %arg4[%add3A_804, %dma_start3A_809] : memref<100000x512xf32, #tpu.memory_space<hbm>> -> memref<1x512xf32, #tpu.memory_space<hbm>>
      %dma_start3A_811 = arith.constant 0 : i32
      %dma_start3A_812 = tpu.memref_slice %arg5[%squeeze3A_801, %dma_start3A_811] : memref<100x512xf32, #tpu.memory_space<vmem>> -> memref<1x512xf32, #tpu.memory_space<vmem>>
      tpu.enqueue_dma source(%dma_start3A_812 : memref<1x512xf32, #tpu.memory_space<vmem>>) target(%dma_start3A_810 : memref<1x512xf32, #tpu.memory_space<hbm>>) target_semaphore(%arg8 : memref<!tpu.dma_semaphore, #tpu.memory_space<semaphore_mem>>)
    }
    %while3A_277 = arith.constant 1 : i32
    scf.for %while3A_437 = %while3A_275 to %while3A_271 step %while3A_277  : i32 {
      %mul3A_438 = arith.constant 16 : i32
      %mul3A_439 = arith.muli %while3A_437, %mul3A_438 : i32
      %add3A_440 = arith.constant 16 : i32
      %add3A_441 = arith.addi %add3A_440, %mul3A_439 : i32
      %get3A_442 = arith.index_cast %add3A_441 : i32 to index
      %get3A_443 = tpu.vector_load %arg6[%get3A_442] {strides = array<i32>} : memref<3216xi32, #tpu.memory_space<vmem>>, vector<16xi32>,
      %get3A_444 = vector.shape_cast %get3A_443 : vector<16xi32> to vector<16xi32>
      %dma_wait3A_445 = arith.constant 0 : i32
      %dma_wait3A_446 = arith.constant 0 : i32
      %dma_wait3A_447 = tpu.memref_slice %arg5[%dma_wait3A_445, %dma_wait3A_446] : memref<100x512xf32, #tpu.memory_space<vmem>> -> memref<1x512xf32, #tpu.memory_space<vmem>>
      %dma_wait3A_448 = arith.constant 0 : i32
      %dma_wait3A_449 = tpu.memref_slice %arg4[%mul3A_2, %dma_wait3A_448] : memref<100000x512xf32, #tpu.memory_space<hbm>> -> memref<1x512xf32, #tpu.memory_space<hbm>>
      %dma_wait3A_450 = arith.constant 0 : i32
      %dma_wait3A_451 = tpu.memref_slice %arg4[%mul3A_2, %dma_wait3A_450] : memref<100000x512xf32, #tpu.memory_space<hbm>> -> memref<1x512xf32, #tpu.memory_space<hbm>>
      %dma_wait3A_452 = arith.constant 0 : i32
      %dma_wait3A_453 = arith.constant 0 : i32
      %dma_wait3A_454 = tpu.memref_slice %arg5[%dma_wait3A_452, %dma_wait3A_453] : memref<100x512xf32, #tpu.memory_space<vmem>> -> memref<1x512xf32, #tpu.memory_space<vmem>>
      tpu.wait_dma2 semaphore(%arg8 : memref<!tpu.dma_semaphore, #tpu.memory_space<semaphore_mem>>) src(%dma_wait3A_454 : memref<1x512xf32, #tpu.memory_space<vmem>>) dst(%dma_wait3A_451 : memref<1x512xf32, #tpu.memory_space<hbm>>)
      %slice3A_455 = vector.extract_strided_slice %get3A_444 {offsets = [0], sizes = [1], strides = [1]} : vector<16xi32> to vector<1xi32>
      %squeeze3A_456 = vector.extract %slice3A_455[0] : i32 from vector<1xi32>
      %add3A_457 = arith.addi %mul3A_2, %add3A_441 : i32
      %add3A_458 = arith.constant 0 : i32
      %add3A_459 = arith.addi %add3A_457, %add3A_458 : i32
      %dma_start3A_460 = arith.constant 0 : i32
      %dma_start3A_461 = tpu.memref_slice %arg5[%squeeze3A_456, %dma_start3A_460] : memref<100x512xf32, #tpu.memory_space<vmem>> -> memref<1x512xf32, #tpu.memory_space<vmem>>
      %dma_start3A_462 = arith.constant 0 : i32
      %dma_start3A_463 = tpu.memref_slice %arg4[%add3A_459, %dma_start3A_462] : memref<100000x512xf32, #tpu.memory_space<hbm>> -> memref<1x512xf32, #tpu.memory_space<hbm>>
      %dma_start3A_464 = arith.constant 0 : i32
      %dma_start3A_465 = tpu.memref_slice %arg4[%add3A_459, %dma_start3A_464] : memref<100000x512xf32, #tpu.memory_space<hbm>> -> memref<1x512xf32, #tpu.memory_space<hbm>>
      %dma_start3A_466 = arith.constant 0 : i32
      %dma_start3A_467 = tpu.memref_slice %arg5[%squeeze3A_456, %dma_start3A_466] : memref<100x512xf32, #tpu.memory_space<vmem>> -> memref<1x512xf32, #tpu.memory_space<vmem>>
      tpu.enqueue_dma source(%dma_start3A_467 : memref<1x512xf32, #tpu.memory_space<vmem>>) target(%dma_start3A_465 : memref<1x512xf32, #tpu.memory_space<hbm>>) target_semaphore(%arg8 : memref<!tpu.dma_semaphore, #tpu.memory_space<semaphore_mem>>)
      %dma_wait3A_468 = arith.constant 0 : i32
      %dma_wait3A_469 = arith.constant 0 : i32
      %dma_wait3A_470 = tpu.memref_slice %arg5[%dma_wait3A_468, %dma_wait3A_469] : memref<100x512xf32, #tpu.memory_space<vmem>> -> memref<1x512xf32, #tpu.memory_space<vmem>>
      %dma_wait3A_471 = arith.constant 0 : i32
      %dma_wait3A_472 = tpu.memref_slice %arg4[%mul3A_2, %dma_wait3A_471] : memref<100000x512xf32, #tpu.memory_space<hbm>> -> memref<1x512xf32, #tpu.memory_space<hbm>>
      %dma_wait3A_473 = arith.constant 0 : i32
      %dma_wait3A_474 = tpu.memref_slice %arg4[%mul3A_2, %dma_wait3A_473] : memref<100000x512xf32, #tpu.memory_space<hbm>> -> memref<1x512xf32, #tpu.memory_space<hbm>>
      %dma_wait3A_475 = arith.constant 0 : i32
      %dma_wait3A_476 = arith.constant 0 : i32
      %dma_wait3A_477 = tpu.memref_slice %arg5[%dma_wait3A_475, %dma_wait3A_476] : memref<100x512xf32, #tpu.memory_space<vmem>> -> memref<1x512xf32, #tpu.memory_space<vmem>>
      tpu.wait_dma2 semaphore(%arg8 : memref<!tpu.dma_semaphore, #tpu.memory_space<semaphore_mem>>) src(%dma_wait3A_477 : memref<1x512xf32, #tpu.memory_space<vmem>>) dst(%dma_wait3A_474 : memref<1x512xf32, #tpu.memory_space<hbm>>)
      %slice3A_478 = vector.extract_strided_slice %get3A_444 {offsets = [1], sizes = [1], strides = [1]} : vector<16xi32> to vector<1xi32>
      %squeeze3A_479 = vector.extract %slice3A_478[0] : i32 from vector<1xi32>
      %add3A_480 = arith.addi %mul3A_2, %add3A_441 : i32
      %add3A_481 = arith.constant 1 : i32
      %add3A_482 = arith.addi %add3A_480, %add3A_481 : i32
      %dma_start3A_483 = arith.constant 0 : i32
      %dma_start3A_484 = tpu.memref_slice %arg5[%squeeze3A_479, %dma_start3A_483] : memref<100x512xf32, #tpu.memory_space<vmem>> -> memref<1x512xf32, #tpu.memory_space<vmem>>
      %dma_start3A_485 = arith.constant 0 : i32
      %dma_start3A_486 = tpu.memref_slice %arg4[%add3A_482, %dma_start3A_485] : memref<100000x512xf32, #tpu.memory_space<hbm>> -> memref<1x512xf32, #tpu.memory_space<hbm>>
      %dma_start3A_487 = arith.constant 0 : i32
      %dma_start3A_488 = tpu.memref_slice %arg4[%add3A_482, %dma_start3A_487] : memref<100000x512xf32, #tpu.memory_space<hbm>> -> memref<1x512xf32, #tpu.memory_space<hbm>>
      %dma_start3A_489 = arith.constant 0 : i32
      %dma_start3A_490 = tpu.memref_slice %arg5[%squeeze3A_479, %dma_start3A_489] : memref<100x512xf32, #tpu.memory_space<vmem>> -> memref<1x512xf32, #tpu.memory_space<vmem>>
      tpu.enqueue_dma source(%dma_start3A_490 : memref<1x512xf32, #tpu.memory_space<vmem>>) target(%dma_start3A_488 : memref<1x512xf32, #tpu.memory_space<hbm>>) target_semaphore(%arg8 : memref<!tpu.dma_semaphore, #tpu.memory_space<semaphore_mem>>)
      %dma_wait3A_491 = arith.constant 0 : i32
      %dma_wait3A_492 = arith.constant 0 : i32
      %dma_wait3A_493 = tpu.memref_slice %arg5[%dma_wait3A_491, %dma_wait3A_492] : memref<100x512xf32, #tpu.memory_space<vmem>> -> memref<1x512xf32, #tpu.memory_space<vmem>>
      %dma_wait3A_494 = arith.constant 0 : i32
      %dma_wait3A_495 = tpu.memref_slice %arg4[%mul3A_2, %dma_wait3A_494] : memref<100000x512xf32, #tpu.memory_space<hbm>> -> memref<1x512xf32, #tpu.memory_space<hbm>>
      %dma_wait3A_496 = arith.constant 0 : i32
      %dma_wait3A_497 = tpu.memref_slice %arg4[%mul3A_2, %dma_wait3A_496] : memref<100000x512xf32, #tpu.memory_space<hbm>> -> memref<1x512xf32, #tpu.memory_space<hbm>>
      %dma_wait3A_498 = arith.constant 0 : i32
      %dma_wait3A_499 = arith.constant 0 : i32
      %dma_wait3A_500 = tpu.memref_slice %arg5[%dma_wait3A_498, %dma_wait3A_499] : memref<100x512xf32, #tpu.memory_space<vmem>> -> memref<1x512xf32, #tpu.memory_space<vmem>>
      tpu.wait_dma2 semaphore(%arg8 : memref<!tpu.dma_semaphore, #tpu.memory_space<semaphore_mem>>) src(%dma_wait3A_500 : memref<1x512xf32, #tpu.memory_space<vmem>>) dst(%dma_wait3A_497 : memref<1x512xf32, #tpu.memory_space<hbm>>)
      %slice3A_501 = vector.extract_strided_slice %get3A_444 {offsets = [2], sizes = [1], strides = [1]} : vector<16xi32> to vector<1xi32>
      %squeeze3A_502 = vector.extract %slice3A_501[0] : i32 from vector<1xi32>
      %add3A_503 = arith.addi %mul3A_2, %add3A_441 : i32
      %add3A_504 = arith.constant 2 : i32
      %add3A_505 = arith.addi %add3A_503, %add3A_504 : i32
      %dma_start3A_506 = arith.constant 0 : i32
      %dma_start3A_507 = tpu.memref_slice %arg5[%squeeze3A_502, %dma_start3A_506] : memref<100x512xf32, #tpu.memory_space<vmem>> -> memref<1x512xf32, #tpu.memory_space<vmem>>
      %dma_start3A_508 = arith.constant 0 : i32
      %dma_start3A_509 = tpu.memref_slice %arg4[%add3A_505, %dma_start3A_508] : memref<100000x512xf32, #tpu.memory_space<hbm>> -> memref<1x512xf32, #tpu.memory_space<hbm>>
      %dma_start3A_510 = arith.constant 0 : i32
      %dma_start3A_511 = tpu.memref_slice %arg4[%add3A_505, %dma_start3A_510] : memref<100000x512xf32, #tpu.memory_space<hbm>> -> memref<1x512xf32, #tpu.memory_space<hbm>>
      %dma_start3A_512 = arith.constant 0 : i32
      %dma_start3A_513 = tpu.memref_slice %arg5[%squeeze3A_502, %dma_start3A_512] : memref<100x512xf32, #tpu.memory_space<vmem>> -> memref<1x512xf32, #tpu.memory_space<vmem>>
      tpu.enqueue_dma source(%dma_start3A_513 : memref<1x512xf32, #tpu.memory_space<vmem>>) target(%dma_start3A_511 : memref<1x512xf32, #tpu.memory_space<hbm>>) target_semaphore(%arg8 : memref<!tpu.dma_semaphore, #tpu.memory_space<semaphore_mem>>)
      %dma_wait3A_514 = arith.constant 0 : i32
      %dma_wait3A_515 = arith.constant 0 : i32
      %dma_wait3A_516 = tpu.memref_slice %arg5[%dma_wait3A_514, %dma_wait3A_515] : memref<100x512xf32, #tpu.memory_space<vmem>> -> memref<1x512xf32, #tpu.memory_space<vmem>>
      %dma_wait3A_517 = arith.constant 0 : i32
      %dma_wait3A_518 = tpu.memref_slice %arg4[%mul3A_2, %dma_wait3A_517] : memref<100000x512xf32, #tpu.memory_space<hbm>> -> memref<1x512xf32, #tpu.memory_space<hbm>>
      %dma_wait3A_519 = arith.constant 0 : i32
      %dma_wait3A_520 = tpu.memref_slice %arg4[%mul3A_2, %dma_wait3A_519] : memref<100000x512xf32, #tpu.memory_space<hbm>> -> memref<1x512xf32, #tpu.memory_space<hbm>>
      %dma_wait3A_521 = arith.constant 0 : i32
      %dma_wait3A_522 = arith.constant 0 : i32
      %dma_wait3A_523 = tpu.memref_slice %arg5[%dma_wait3A_521, %dma_wait3A_522] : memref<100x512xf32, #tpu.memory_space<vmem>> -> memref<1x512xf32, #tpu.memory_space<vmem>>
      tpu.wait_dma2 semaphore(%arg8 : memref<!tpu.dma_semaphore, #tpu.memory_space<semaphore_mem>>) src(%dma_wait3A_523 : memref<1x512xf32, #tpu.memory_space<vmem>>) dst(%dma_wait3A_520 : memref<1x512xf32, #tpu.memory_space<hbm>>)
      %slice3A_524 = vector.extract_strided_slice %get3A_444 {offsets = [3], sizes = [1], strides = [1]} : vector<16xi32> to vector<1xi32>
      %squeeze3A_525 = vector.extract %slice3A_524[0] : i32 from vector<1xi32>
      %add3A_526 = arith.addi %mul3A_2, %add3A_441 : i32
      %add3A_527 = arith.constant 3 : i32
      %add3A_528 = arith.addi %add3A_526, %add3A_527 : i32
      %dma_start3A_529 = arith.constant 0 : i32
      %dma_start3A_530 = tpu.memref_slice %arg5[%squeeze3A_525, %dma_start3A_529] : memref<100x512xf32, #tpu.memory_space<vmem>> -> memref<1x512xf32, #tpu.memory_space<vmem>>
      %dma_start3A_531 = arith.constant 0 : i32
      %dma_start3A_532 = tpu.memref_slice %arg4[%add3A_528, %dma_start3A_531] : memref<100000x512xf32, #tpu.memory_space<hbm>> -> memref<1x512xf32, #tpu.memory_space<hbm>>
      %dma_start3A_533 = arith.constant 0 : i32
      %dma_start3A_534 = tpu.memref_slice %arg4[%add3A_528, %dma_start3A_533] : memref<100000x512xf32, #tpu.memory_space<hbm>> -> memref<1x512xf32, #tpu.memory_space<hbm>>
      %dma_start3A_535 = arith.constant 0 : i32
      %dma_start3A_536 = tpu.memref_slice %arg5[%squeeze3A_525, %dma_start3A_535] : memref<100x512xf32, #tpu.memory_space<vmem>> -> memref<1x512xf32, #tpu.memory_space<vmem>>
      tpu.enqueue_dma source(%dma_start3A_536 : memref<1x512xf32, #tpu.memory_space<vmem>>) target(%dma_start3A_534 : memref<1x512xf32, #tpu.memory_space<hbm>>) target_semaphore(%arg8 : memref<!tpu.dma_semaphore, #tpu.memory_space<semaphore_mem>>)
      %dma_wait3A_537 = arith.constant 0 : i32
      %dma_wait3A_538 = arith.constant 0 : i32
      %dma_wait3A_539 = tpu.memref_slice %arg5[%dma_wait3A_537, %dma_wait3A_538] : memref<100x512xf32, #tpu.memory_space<vmem>> -> memref<1x512xf32, #tpu.memory_space<vmem>>
      %dma_wait3A_540 = arith.constant 0 : i32
      %dma_wait3A_541 = tpu.memref_slice %arg4[%mul3A_2, %dma_wait3A_540] : memref<100000x512xf32, #tpu.memory_space<hbm>> -> memref<1x512xf32, #tpu.memory_space<hbm>>
      %dma_wait3A_542 = arith.constant 0 : i32
      %dma_wait3A_543 = tpu.memref_slice %arg4[%mul3A_2, %dma_wait3A_542] : memref<100000x512xf32, #tpu.memory_space<hbm>> -> memref<1x512xf32, #tpu.memory_space<hbm>>
      %dma_wait3A_544 = arith.constant 0 : i32
      %dma_wait3A_545 = arith.constant 0 : i32
      %dma_wait3A_546 = tpu.memref_slice %arg5[%dma_wait3A_544, %dma_wait3A_545] : memref<100x512xf32, #tpu.memory_space<vmem>> -> memref<1x512xf32, #tpu.memory_space<vmem>>
      tpu.wait_dma2 semaphore(%arg8 : memref<!tpu.dma_semaphore, #tpu.memory_space<semaphore_mem>>) src(%dma_wait3A_546 : memref<1x512xf32, #tpu.memory_space<vmem>>) dst(%dma_wait3A_543 : memref<1x512xf32, #tpu.memory_space<hbm>>)
      %slice3A_547 = vector.extract_strided_slice %get3A_444 {offsets = [4], sizes = [1], strides = [1]} : vector<16xi32> to vector<1xi32>
      %squeeze3A_548 = vector.extract %slice3A_547[0] : i32 from vector<1xi32>
      %add3A_549 = arith.addi %mul3A_2, %add3A_441 : i32
      %add3A_550 = arith.constant 4 : i32
      %add3A_551 = arith.addi %add3A_549, %add3A_550 : i32
      %dma_start3A_552 = arith.constant 0 : i32
      %dma_start3A_553 = tpu.memref_slice %arg5[%squeeze3A_548, %dma_start3A_552] : memref<100x512xf32, #tpu.memory_space<vmem>> -> memref<1x512xf32, #tpu.memory_space<vmem>>
      %dma_start3A_554 = arith.constant 0 : i32
      %dma_start3A_555 = tpu.memref_slice %arg4[%add3A_551, %dma_start3A_554] : memref<100000x512xf32, #tpu.memory_space<hbm>> -> memref<1x512xf32, #tpu.memory_space<hbm>>
      %dma_start3A_556 = arith.constant 0 : i32
      %dma_start3A_557 = tpu.memref_slice %arg4[%add3A_551, %dma_start3A_556] : memref<100000x512xf32, #tpu.memory_space<hbm>> -> memref<1x512xf32, #tpu.memory_space<hbm>>
      %dma_start3A_558 = arith.constant 0 : i32
      %dma_start3A_559 = tpu.memref_slice %arg5[%squeeze3A_548, %dma_start3A_558] : memref<100x512xf32, #tpu.memory_space<vmem>> -> memref<1x512xf32, #tpu.memory_space<vmem>>
      tpu.enqueue_dma source(%dma_start3A_559 : memref<1x512xf32, #tpu.memory_space<vmem>>) target(%dma_start3A_557 : memref<1x512xf32, #tpu.memory_space<hbm>>) target_semaphore(%arg8 : memref<!tpu.dma_semaphore, #tpu.memory_space<semaphore_mem>>)
      %dma_wait3A_560 = arith.constant 0 : i32
      %dma_wait3A_561 = arith.constant 0 : i32
      %dma_wait3A_562 = tpu.memref_slice %arg5[%dma_wait3A_560, %dma_wait3A_561] : memref<100x512xf32, #tpu.memory_space<vmem>> -> memref<1x512xf32, #tpu.memory_space<vmem>>
      %dma_wait3A_563 = arith.constant 0 : i32
      %dma_wait3A_564 = tpu.memref_slice %arg4[%mul3A_2, %dma_wait3A_563] : memref<100000x512xf32, #tpu.memory_space<hbm>> -> memref<1x512xf32, #tpu.memory_space<hbm>>
      %dma_wait3A_565 = arith.constant 0 : i32
      %dma_wait3A_566 = tpu.memref_slice %arg4[%mul3A_2, %dma_wait3A_565] : memref<100000x512xf32, #tpu.memory_space<hbm>> -> memref<1x512xf32, #tpu.memory_space<hbm>>
      %dma_wait3A_567 = arith.constant 0 : i32
      %dma_wait3A_568 = arith.constant 0 : i32
      %dma_wait3A_569 = tpu.memref_slice %arg5[%dma_wait3A_567, %dma_wait3A_568] : memref<100x512xf32, #tpu.memory_space<vmem>> -> memref<1x512xf32, #tpu.memory_space<vmem>>
      tpu.wait_dma2 semaphore(%arg8 : memref<!tpu.dma_semaphore, #tpu.memory_space<semaphore_mem>>) src(%dma_wait3A_569 : memref<1x512xf32, #tpu.memory_space<vmem>>) dst(%dma_wait3A_566 : memref<1x512xf32, #tpu.memory_space<hbm>>)
      %slice3A_570 = vector.extract_strided_slice %get3A_444 {offsets = [5], sizes = [1], strides = [1]} : vector<16xi32> to vector<1xi32>
      %squeeze3A_571 = vector.extract %slice3A_570[0] : i32 from vector<1xi32>
      %add3A_572 = arith.addi %mul3A_2, %add3A_441 : i32
      %add3A_573 = arith.constant 5 : i32
      %add3A_574 = arith.addi %add3A_572, %add3A_573 : i32
      %dma_start3A_575 = arith.constant 0 : i32
      %dma_start3A_576 = tpu.memref_slice %arg5[%squeeze3A_571, %dma_start3A_575] : memref<100x512xf32, #tpu.memory_space<vmem>> -> memref<1x512xf32, #tpu.memory_space<vmem>>
      %dma_start3A_577 = arith.constant 0 : i32
      %dma_start3A_578 = tpu.memref_slice %arg4[%add3A_574, %dma_start3A_577] : memref<100000x512xf32, #tpu.memory_space<hbm>> -> memref<1x512xf32, #tpu.memory_space<hbm>>
      %dma_start3A_579 = arith.constant 0 : i32
      %dma_start3A_580 = tpu.memref_slice %arg4[%add3A_574, %dma_start3A_579] : memref<100000x512xf32, #tpu.memory_space<hbm>> -> memref<1x512xf32, #tpu.memory_space<hbm>>
      %dma_start3A_581 = arith.constant 0 : i32
      %dma_start3A_582 = tpu.memref_slice %arg5[%squeeze3A_571, %dma_start3A_581] : memref<100x512xf32, #tpu.memory_space<vmem>> -> memref<1x512xf32, #tpu.memory_space<vmem>>
      tpu.enqueue_dma source(%dma_start3A_582 : memref<1x512xf32, #tpu.memory_space<vmem>>) target(%dma_start3A_580 : memref<1x512xf32, #tpu.memory_space<hbm>>) target_semaphore(%arg8 : memref<!tpu.dma_semaphore, #tpu.memory_space<semaphore_mem>>)
      %dma_wait3A_583 = arith.constant 0 : i32
      %dma_wait3A_584 = arith.constant 0 : i32
      %dma_wait3A_585 = tpu.memref_slice %arg5[%dma_wait3A_583, %dma_wait3A_584] : memref<100x512xf32, #tpu.memory_space<vmem>> -> memref<1x512xf32, #tpu.memory_space<vmem>>
      %dma_wait3A_586 = arith.constant 0 : i32
      %dma_wait3A_587 = tpu.memref_slice %arg4[%mul3A_2, %dma_wait3A_586] : memref<100000x512xf32, #tpu.memory_space<hbm>> -> memref<1x512xf32, #tpu.memory_space<hbm>>
      %dma_wait3A_588 = arith.constant 0 : i32
      %dma_wait3A_589 = tpu.memref_slice %arg4[%mul3A_2, %dma_wait3A_588] : memref<100000x512xf32, #tpu.memory_space<hbm>> -> memref<1x512xf32, #tpu.memory_space<hbm>>
      %dma_wait3A_590 = arith.constant 0 : i32
      %dma_wait3A_591 = arith.constant 0 : i32
      %dma_wait3A_592 = tpu.memref_slice %arg5[%dma_wait3A_590, %dma_wait3A_591] : memref<100x512xf32, #tpu.memory_space<vmem>> -> memref<1x512xf32, #tpu.memory_space<vmem>>
      tpu.wait_dma2 semaphore(%arg8 : memref<!tpu.dma_semaphore, #tpu.memory_space<semaphore_mem>>) src(%dma_wait3A_592 : memref<1x512xf32, #tpu.memory_space<vmem>>) dst(%dma_wait3A_589 : memref<1x512xf32, #tpu.memory_space<hbm>>)
      %slice3A_593 = vector.extract_strided_slice %get3A_444 {offsets = [6], sizes = [1], strides = [1]} : vector<16xi32> to vector<1xi32>
      %squeeze3A_594 = vector.extract %slice3A_593[0] : i32 from vector<1xi32>
      %add3A_595 = arith.addi %mul3A_2, %add3A_441 : i32
      %add3A_596 = arith.constant 6 : i32
      %add3A_597 = arith.addi %add3A_595, %add3A_596 : i32
      %dma_start3A_598 = arith.constant 0 : i32
      %dma_start3A_599 = tpu.memref_slice %arg5[%squeeze3A_594, %dma_start3A_598] : memref<100x512xf32, #tpu.memory_space<vmem>> -> memref<1x512xf32, #tpu.memory_space<vmem>>
      %dma_start3A_600 = arith.constant 0 : i32
      %dma_start3A_601 = tpu.memref_slice %arg4[%add3A_597, %dma_start3A_600] : memref<100000x512xf32, #tpu.memory_space<hbm>> -> memref<1x512xf32, #tpu.memory_space<hbm>>
      %dma_start3A_602 = arith.constant 0 : i32
      %dma_start3A_603 = tpu.memref_slice %arg4[%add3A_597, %dma_start3A_602] : memref<100000x512xf32, #tpu.memory_space<hbm>> -> memref<1x512xf32, #tpu.memory_space<hbm>>
      %dma_start3A_604 = arith.constant 0 : i32
      %dma_start3A_605 = tpu.memref_slice %arg5[%squeeze3A_594, %dma_start3A_604] : memref<100x512xf32, #tpu.memory_space<vmem>> -> memref<1x512xf32, #tpu.memory_space<vmem>>
      tpu.enqueue_dma source(%dma_start3A_605 : memref<1x512xf32, #tpu.memory_space<vmem>>) target(%dma_start3A_603 : memref<1x512xf32, #tpu.memory_space<hbm>>) target_semaphore(%arg8 : memref<!tpu.dma_semaphore, #tpu.memory_space<semaphore_mem>>)
      %dma_wait3A_606 = arith.constant 0 : i32
      %dma_wait3A_607 = arith.constant 0 : i32
      %dma_wait3A_608 = tpu.memref_slice %arg5[%dma_wait3A_606, %dma_wait3A_607] : memref<100x512xf32, #tpu.memory_space<vmem>> -> memref<1x512xf32, #tpu.memory_space<vmem>>
      %dma_wait3A_609 = arith.constant 0 : i32
      %dma_wait3A_610 = tpu.memref_slice %arg4[%mul3A_2, %dma_wait3A_609] : memref<100000x512xf32, #tpu.memory_space<hbm>> -> memref<1x512xf32, #tpu.memory_space<hbm>>
      %dma_wait3A_611 = arith.constant 0 : i32
      %dma_wait3A_612 = tpu.memref_slice %arg4[%mul3A_2, %dma_wait3A_611] : memref<100000x512xf32, #tpu.memory_space<hbm>> -> memref<1x512xf32, #tpu.memory_space<hbm>>
      %dma_wait3A_613 = arith.constant 0 : i32
      %dma_wait3A_614 = arith.constant 0 : i32
      %dma_wait3A_615 = tpu.memref_slice %arg5[%dma_wait3A_613, %dma_wait3A_614] : memref<100x512xf32, #tpu.memory_space<vmem>> -> memref<1x512xf32, #tpu.memory_space<vmem>>
      tpu.wait_dma2 semaphore(%arg8 : memref<!tpu.dma_semaphore, #tpu.memory_space<semaphore_mem>>) src(%dma_wait3A_615 : memref<1x512xf32, #tpu.memory_space<vmem>>) dst(%dma_wait3A_612 : memref<1x512xf32, #tpu.memory_space<hbm>>)
      %slice3A_616 = vector.extract_strided_slice %get3A_444 {offsets = [7], sizes = [1], strides = [1]} : vector<16xi32> to vector<1xi32>
      %squeeze3A_617 = vector.extract %slice3A_616[0] : i32 from vector<1xi32>
      %add3A_618 = arith.addi %mul3A_2, %add3A_441 : i32
      %add3A_619 = arith.constant 7 : i32
      %add3A_620 = arith.addi %add3A_618, %add3A_619 : i32
      %dma_start3A_621 = arith.constant 0 : i32
      %dma_start3A_622 = tpu.memref_slice %arg5[%squeeze3A_617, %dma_start3A_621] : memref<100x512xf32, #tpu.memory_space<vmem>> -> memref<1x512xf32, #tpu.memory_space<vmem>>
      %dma_start3A_623 = arith.constant 0 : i32
      %dma_start3A_624 = tpu.memref_slice %arg4[%add3A_620, %dma_start3A_623] : memref<100000x512xf32, #tpu.memory_space<hbm>> -> memref<1x512xf32, #tpu.memory_space<hbm>>
      %dma_start3A_625 = arith.constant 0 : i32
      %dma_start3A_626 = tpu.memref_slice %arg4[%add3A_620, %dma_start3A_625] : memref<100000x512xf32, #tpu.memory_space<hbm>> -> memref<1x512xf32, #tpu.memory_space<hbm>>
      %dma_start3A_627 = arith.constant 0 : i32
      %dma_start3A_628 = tpu.memref_slice %arg5[%squeeze3A_617, %dma_start3A_627] : memref<100x512xf32, #tpu.memory_space<vmem>> -> memref<1x512xf32, #tpu.memory_space<vmem>>
      tpu.enqueue_dma source(%dma_start3A_628 : memref<1x512xf32, #tpu.memory_space<vmem>>) target(%dma_start3A_626 : memref<1x512xf32, #tpu.memory_space<hbm>>) target_semaphore(%arg8 : memref<!tpu.dma_semaphore, #tpu.memory_space<semaphore_mem>>)
      %dma_wait3A_629 = arith.constant 0 : i32
      %dma_wait3A_630 = arith.constant 0 : i32
      %dma_wait3A_631 = tpu.memref_slice %arg5[%dma_wait3A_629, %dma_wait3A_630] : memref<100x512xf32, #tpu.memory_space<vmem>> -> memref<1x512xf32, #tpu.memory_space<vmem>>
      %dma_wait3A_632 = arith.constant 0 : i32
      %dma_wait3A_633 = tpu.memref_slice %arg4[%mul3A_2, %dma_wait3A_632] : memref<100000x512xf32, #tpu.memory_space<hbm>> -> memref<1x512xf32, #tpu.memory_space<hbm>>
      %dma_wait3A_634 = arith.constant 0 : i32
      %dma_wait3A_635 = tpu.memref_slice %arg4[%mul3A_2, %dma_wait3A_634] : memref<100000x512xf32, #tpu.memory_space<hbm>> -> memref<1x512xf32, #tpu.memory_space<hbm>>
      %dma_wait3A_636 = arith.constant 0 : i32
      %dma_wait3A_637 = arith.constant 0 : i32
      %dma_wait3A_638 = tpu.memref_slice %arg5[%dma_wait3A_636, %dma_wait3A_637] : memref<100x512xf32, #tpu.memory_space<vmem>> -> memref<1x512xf32, #tpu.memory_space<vmem>>
      tpu.wait_dma2 semaphore(%arg8 : memref<!tpu.dma_semaphore, #tpu.memory_space<semaphore_mem>>) src(%dma_wait3A_638 : memref<1x512xf32, #tpu.memory_space<vmem>>) dst(%dma_wait3A_635 : memref<1x512xf32, #tpu.memory_space<hbm>>)
      %slice3A_639 = vector.extract_strided_slice %get3A_444 {offsets = [8], sizes = [1], strides = [1]} : vector<16xi32> to vector<1xi32>
      %squeeze3A_640 = vector.extract %slice3A_639[0] : i32 from vector<1xi32>
      %add3A_641 = arith.addi %mul3A_2, %add3A_441 : i32
      %add3A_642 = arith.constant 8 : i32
      %add3A_643 = arith.addi %add3A_641, %add3A_642 : i32
      %dma_start3A_644 = arith.constant 0 : i32
      %dma_start3A_645 = tpu.memref_slice %arg5[%squeeze3A_640, %dma_start3A_644] : memref<100x512xf32, #tpu.memory_space<vmem>> -> memref<1x512xf32, #tpu.memory_space<vmem>>
      %dma_start3A_646 = arith.constant 0 : i32
      %dma_start3A_647 = tpu.memref_slice %arg4[%add3A_643, %dma_start3A_646] : memref<100000x512xf32, #tpu.memory_space<hbm>> -> memref<1x512xf32, #tpu.memory_space<hbm>>
      %dma_start3A_648 = arith.constant 0 : i32
      %dma_start3A_649 = tpu.memref_slice %arg4[%add3A_643, %dma_start3A_648] : memref<100000x512xf32, #tpu.memory_space<hbm>> -> memref<1x512xf32, #tpu.memory_space<hbm>>
      %dma_start3A_650 = arith.constant 0 : i32
      %dma_start3A_651 = tpu.memref_slice %arg5[%squeeze3A_640, %dma_start3A_650] : memref<100x512xf32, #tpu.memory_space<vmem>> -> memref<1x512xf32, #tpu.memory_space<vmem>>
      tpu.enqueue_dma source(%dma_start3A_651 : memref<1x512xf32, #tpu.memory_space<vmem>>) target(%dma_start3A_649 : memref<1x512xf32, #tpu.memory_space<hbm>>) target_semaphore(%arg8 : memref<!tpu.dma_semaphore, #tpu.memory_space<semaphore_mem>>)
      %dma_wait3A_652 = arith.constant 0 : i32
      %dma_wait3A_653 = arith.constant 0 : i32
      %dma_wait3A_654 = tpu.memref_slice %arg5[%dma_wait3A_652, %dma_wait3A_653] : memref<100x512xf32, #tpu.memory_space<vmem>> -> memref<1x512xf32, #tpu.memory_space<vmem>>
      %dma_wait3A_655 = arith.constant 0 : i32
      %dma_wait3A_656 = tpu.memref_slice %arg4[%mul3A_2, %dma_wait3A_655] : memref<100000x512xf32, #tpu.memory_space<hbm>> -> memref<1x512xf32, #tpu.memory_space<hbm>>
      %dma_wait3A_657 = arith.constant 0 : i32
      %dma_wait3A_658 = tpu.memref_slice %arg4[%mul3A_2, %dma_wait3A_657] : memref<100000x512xf32, #tpu.memory_space<hbm>> -> memref<1x512xf32, #tpu.memory_space<hbm>>
      %dma_wait3A_659 = arith.constant 0 : i32
      %dma_wait3A_660 = arith.constant 0 : i32
      %dma_wait3A_661 = tpu.memref_slice %arg5[%dma_wait3A_659, %dma_wait3A_660] : memref<100x512xf32, #tpu.memory_space<vmem>> -> memref<1x512xf32, #tpu.memory_space<vmem>>
      tpu.wait_dma2 semaphore(%arg8 : memref<!tpu.dma_semaphore, #tpu.memory_space<semaphore_mem>>) src(%dma_wait3A_661 : memref<1x512xf32, #tpu.memory_space<vmem>>) dst(%dma_wait3A_658 : memref<1x512xf32, #tpu.memory_space<hbm>>)
      %slice3A_662 = vector.extract_strided_slice %get3A_444 {offsets = [9], sizes = [1], strides = [1]} : vector<16xi32> to vector<1xi32>
      %squeeze3A_663 = vector.extract %slice3A_662[0] : i32 from vector<1xi32>
      %add3A_664 = arith.addi %mul3A_2, %add3A_441 : i32
      %add3A_665 = arith.constant 9 : i32
      %add3A_666 = arith.addi %add3A_664, %add3A_665 : i32
      %dma_start3A_667 = arith.constant 0 : i32
      %dma_start3A_668 = tpu.memref_slice %arg5[%squeeze3A_663, %dma_start3A_667] : memref<100x512xf32, #tpu.memory_space<vmem>> -> memref<1x512xf32, #tpu.memory_space<vmem>>
      %dma_start3A_669 = arith.constant 0 : i32
      %dma_start3A_670 = tpu.memref_slice %arg4[%add3A_666, %dma_start3A_669] : memref<100000x512xf32, #tpu.memory_space<hbm>> -> memref<1x512xf32, #tpu.memory_space<hbm>>
      %dma_start3A_671 = arith.constant 0 : i32
      %dma_start3A_672 = tpu.memref_slice %arg4[%add3A_666, %dma_start3A_671] : memref<100000x512xf32, #tpu.memory_space<hbm>> -> memref<1x512xf32, #tpu.memory_space<hbm>>
      %dma_start3A_673 = arith.constant 0 : i32
      %dma_start3A_674 = tpu.memref_slice %arg5[%squeeze3A_663, %dma_start3A_673] : memref<100x512xf32, #tpu.memory_space<vmem>> -> memref<1x512xf32, #tpu.memory_space<vmem>>
      tpu.enqueue_dma source(%dma_start3A_674 : memref<1x512xf32, #tpu.memory_space<vmem>>) target(%dma_start3A_672 : memref<1x512xf32, #tpu.memory_space<hbm>>) target_semaphore(%arg8 : memref<!tpu.dma_semaphore, #tpu.memory_space<semaphore_mem>>)
      %dma_wait3A_675 = arith.constant 0 : i32
      %dma_wait3A_676 = arith.constant 0 : i32
      %dma_wait3A_677 = tpu.memref_slice %arg5[%dma_wait3A_675, %dma_wait3A_676] : memref<100x512xf32, #tpu.memory_space<vmem>> -> memref<1x512xf32, #tpu.memory_space<vmem>>
      %dma_wait3A_678 = arith.constant 0 : i32
      %dma_wait3A_679 = tpu.memref_slice %arg4[%mul3A_2, %dma_wait3A_678] : memref<100000x512xf32, #tpu.memory_space<hbm>> -> memref<1x512xf32, #tpu.memory_space<hbm>>
      %dma_wait3A_680 = arith.constant 0 : i32
      %dma_wait3A_681 = tpu.memref_slice %arg4[%mul3A_2, %dma_wait3A_680] : memref<100000x512xf32, #tpu.memory_space<hbm>> -> memref<1x512xf32, #tpu.memory_space<hbm>>
      %dma_wait3A_682 = arith.constant 0 : i32
      %dma_wait3A_683 = arith.constant 0 : i32
      %dma_wait3A_684 = tpu.memref_slice %arg5[%dma_wait3A_682, %dma_wait3A_683] : memref<100x512xf32, #tpu.memory_space<vmem>> -> memref<1x512xf32, #tpu.memory_space<vmem>>
      tpu.wait_dma2 semaphore(%arg8 : memref<!tpu.dma_semaphore, #tpu.memory_space<semaphore_mem>>) src(%dma_wait3A_684 : memref<1x512xf32, #tpu.memory_space<vmem>>) dst(%dma_wait3A_681 : memref<1x512xf32, #tpu.memory_space<hbm>>)
      %slice3A_685 = vector.extract_strided_slice %get3A_444 {offsets = [10], sizes = [1], strides = [1]} : vector<16xi32> to vector<1xi32>
      %squeeze3A_686 = vector.extract %slice3A_685[0] : i32 from vector<1xi32>
      %add3A_687 = arith.addi %mul3A_2, %add3A_441 : i32
      %add3A_688 = arith.constant 10 : i32
      %add3A_689 = arith.addi %add3A_687, %add3A_688 : i32
      %dma_start3A_690 = arith.constant 0 : i32
      %dma_start3A_691 = tpu.memref_slice %arg5[%squeeze3A_686, %dma_start3A_690] : memref<100x512xf32, #tpu.memory_space<vmem>> -> memref<1x512xf32, #tpu.memory_space<vmem>>
      %dma_start3A_692 = arith.constant 0 : i32
      %dma_start3A_693 = tpu.memref_slice %arg4[%add3A_689, %dma_start3A_692] : memref<100000x512xf32, #tpu.memory_space<hbm>> -> memref<1x512xf32, #tpu.memory_space<hbm>>
      %dma_start3A_694 = arith.constant 0 : i32
      %dma_start3A_695 = tpu.memref_slice %arg4[%add3A_689, %dma_start3A_694] : memref<100000x512xf32, #tpu.memory_space<hbm>> -> memref<1x512xf32, #tpu.memory_space<hbm>>
      %dma_start3A_696 = arith.constant 0 : i32
      %dma_start3A_697 = tpu.memref_slice %arg5[%squeeze3A_686, %dma_start3A_696] : memref<100x512xf32, #tpu.memory_space<vmem>> -> memref<1x512xf32, #tpu.memory_space<vmem>>
      tpu.enqueue_dma source(%dma_start3A_697 : memref<1x512xf32, #tpu.memory_space<vmem>>) target(%dma_start3A_695 : memref<1x512xf32, #tpu.memory_space<hbm>>) target_semaphore(%arg8 : memref<!tpu.dma_semaphore, #tpu.memory_space<semaphore_mem>>)
      %dma_wait3A_698 = arith.constant 0 : i32
      %dma_wait3A_699 = arith.constant 0 : i32
      %dma_wait3A_700 = tpu.memref_slice %arg5[%dma_wait3A_698, %dma_wait3A_699] : memref<100x512xf32, #tpu.memory_space<vmem>> -> memref<1x512xf32, #tpu.memory_space<vmem>>
      %dma_wait3A_701 = arith.constant 0 : i32
      %dma_wait3A_702 = tpu.memref_slice %arg4[%mul3A_2, %dma_wait3A_701] : memref<100000x512xf32, #tpu.memory_space<hbm>> -> memref<1x512xf32, #tpu.memory_space<hbm>>
      %dma_wait3A_703 = arith.constant 0 : i32
      %dma_wait3A_704 = tpu.memref_slice %arg4[%mul3A_2, %dma_wait3A_703] : memref<100000x512xf32, #tpu.memory_space<hbm>> -> memref<1x512xf32, #tpu.memory_space<hbm>>
      %dma_wait3A_705 = arith.constant 0 : i32
      %dma_wait3A_706 = arith.constant 0 : i32
      %dma_wait3A_707 = tpu.memref_slice %arg5[%dma_wait3A_705, %dma_wait3A_706] : memref<100x512xf32, #tpu.memory_space<vmem>> -> memref<1x512xf32, #tpu.memory_space<vmem>>
      tpu.wait_dma2 semaphore(%arg8 : memref<!tpu.dma_semaphore, #tpu.memory_space<semaphore_mem>>) src(%dma_wait3A_707 : memref<1x512xf32, #tpu.memory_space<vmem>>) dst(%dma_wait3A_704 : memref<1x512xf32, #tpu.memory_space<hbm>>)
      %slice3A_708 = vector.extract_strided_slice %get3A_444 {offsets = [11], sizes = [1], strides = [1]} : vector<16xi32> to vector<1xi32>
      %squeeze3A_709 = vector.extract %slice3A_708[0] : i32 from vector<1xi32>
      %add3A_710 = arith.addi %mul3A_2, %add3A_441 : i32
      %add3A_711 = arith.constant 11 : i32
      %add3A_712 = arith.addi %add3A_710, %add3A_711 : i32
      %dma_start3A_713 = arith.constant 0 : i32
      %dma_start3A_714 = tpu.memref_slice %arg5[%squeeze3A_709, %dma_start3A_713] : memref<100x512xf32, #tpu.memory_space<vmem>> -> memref<1x512xf32, #tpu.memory_space<vmem>>
      %dma_start3A_715 = arith.constant 0 : i32
      %dma_start3A_716 = tpu.memref_slice %arg4[%add3A_712, %dma_start3A_715] : memref<100000x512xf32, #tpu.memory_space<hbm>> -> memref<1x512xf32, #tpu.memory_space<hbm>>
      %dma_start3A_717 = arith.constant 0 : i32
      %dma_start3A_718 = tpu.memref_slice %arg4[%add3A_712, %dma_start3A_717] : memref<100000x512xf32, #tpu.memory_space<hbm>> -> memref<1x512xf32, #tpu.memory_space<hbm>>
      %dma_start3A_719 = arith.constant 0 : i32
      %dma_start3A_720 = tpu.memref_slice %arg5[%squeeze3A_709, %dma_start3A_719] : memref<100x512xf32, #tpu.memory_space<vmem>> -> memref<1x512xf32, #tpu.memory_space<vmem>>
      tpu.enqueue_dma source(%dma_start3A_720 : memref<1x512xf32, #tpu.memory_space<vmem>>) target(%dma_start3A_718 : memref<1x512xf32, #tpu.memory_space<hbm>>) target_semaphore(%arg8 : memref<!tpu.dma_semaphore, #tpu.memory_space<semaphore_mem>>)
      %dma_wait3A_721 = arith.constant 0 : i32
      %dma_wait3A_722 = arith.constant 0 : i32
      %dma_wait3A_723 = tpu.memref_slice %arg5[%dma_wait3A_721, %dma_wait3A_722] : memref<100x512xf32, #tpu.memory_space<vmem>> -> memref<1x512xf32, #tpu.memory_space<vmem>>
      %dma_wait3A_724 = arith.constant 0 : i32
      %dma_wait3A_725 = tpu.memref_slice %arg4[%mul3A_2, %dma_wait3A_724] : memref<100000x512xf32, #tpu.memory_space<hbm>> -> memref<1x512xf32, #tpu.memory_space<hbm>>
      %dma_wait3A_726 = arith.constant 0 : i32
      %dma_wait3A_727 = tpu.memref_slice %arg4[%mul3A_2, %dma_wait3A_726] : memref<100000x512xf32, #tpu.memory_space<hbm>> -> memref<1x512xf32, #tpu.memory_space<hbm>>
      %dma_wait3A_728 = arith.constant 0 : i32
      %dma_wait3A_729 = arith.constant 0 : i32
      %dma_wait3A_730 = tpu.memref_slice %arg5[%dma_wait3A_728, %dma_wait3A_729] : memref<100x512xf32, #tpu.memory_space<vmem>> -> memref<1x512xf32, #tpu.memory_space<vmem>>
      tpu.wait_dma2 semaphore(%arg8 : memref<!tpu.dma_semaphore, #tpu.memory_space<semaphore_mem>>) src(%dma_wait3A_730 : memref<1x512xf32, #tpu.memory_space<vmem>>) dst(%dma_wait3A_727 : memref<1x512xf32, #tpu.memory_space<hbm>>)
      %slice3A_731 = vector.extract_strided_slice %get3A_444 {offsets = [12], sizes = [1], strides = [1]} : vector<16xi32> to vector<1xi32>
      %squeeze3A_732 = vector.extract %slice3A_731[0] : i32 from vector<1xi32>
      %add3A_733 = arith.addi %mul3A_2, %add3A_441 : i32
      %add3A_734 = arith.constant 12 : i32
      %add3A_735 = arith.addi %add3A_733, %add3A_734 : i32
      %dma_start3A_736 = arith.constant 0 : i32
      %dma_start3A_737 = tpu.memref_slice %arg5[%squeeze3A_732, %dma_start3A_736] : memref<100x512xf32, #tpu.memory_space<vmem>> -> memref<1x512xf32, #tpu.memory_space<vmem>>
      %dma_start3A_738 = arith.constant 0 : i32
      %dma_start3A_739 = tpu.memref_slice %arg4[%add3A_735, %dma_start3A_738] : memref<100000x512xf32, #tpu.memory_space<hbm>> -> memref<1x512xf32, #tpu.memory_space<hbm>>
      %dma_start3A_740 = arith.constant 0 : i32
      %dma_start3A_741 = tpu.memref_slice %arg4[%add3A_735, %dma_start3A_740] : memref<100000x512xf32, #tpu.memory_space<hbm>> -> memref<1x512xf32, #tpu.memory_space<hbm>>
      %dma_start3A_742 = arith.constant 0 : i32
      %dma_start3A_743 = tpu.memref_slice %arg5[%squeeze3A_732, %dma_start3A_742] : memref<100x512xf32, #tpu.memory_space<vmem>> -> memref<1x512xf32, #tpu.memory_space<vmem>>
      tpu.enqueue_dma source(%dma_start3A_743 : memref<1x512xf32, #tpu.memory_space<vmem>>) target(%dma_start3A_741 : memref<1x512xf32, #tpu.memory_space<hbm>>) target_semaphore(%arg8 : memref<!tpu.dma_semaphore, #tpu.memory_space<semaphore_mem>>)
      %dma_wait3A_744 = arith.constant 0 : i32
      %dma_wait3A_745 = arith.constant 0 : i32
      %dma_wait3A_746 = tpu.memref_slice %arg5[%dma_wait3A_744, %dma_wait3A_745] : memref<100x512xf32, #tpu.memory_space<vmem>> -> memref<1x512xf32, #tpu.memory_space<vmem>>
      %dma_wait3A_747 = arith.constant 0 : i32
      %dma_wait3A_748 = tpu.memref_slice %arg4[%mul3A_2, %dma_wait3A_747] : memref<100000x512xf32, #tpu.memory_space<hbm>> -> memref<1x512xf32, #tpu.memory_space<hbm>>
      %dma_wait3A_749 = arith.constant 0 : i32
      %dma_wait3A_750 = tpu.memref_slice %arg4[%mul3A_2, %dma_wait3A_749] : memref<100000x512xf32, #tpu.memory_space<hbm>> -> memref<1x512xf32, #tpu.memory_space<hbm>>
      %dma_wait3A_751 = arith.constant 0 : i32
      %dma_wait3A_752 = arith.constant 0 : i32
      %dma_wait3A_753 = tpu.memref_slice %arg5[%dma_wait3A_751, %dma_wait3A_752] : memref<100x512xf32, #tpu.memory_space<vmem>> -> memref<1x512xf32, #tpu.memory_space<vmem>>
      tpu.wait_dma2 semaphore(%arg8 : memref<!tpu.dma_semaphore, #tpu.memory_space<semaphore_mem>>) src(%dma_wait3A_753 : memref<1x512xf32, #tpu.memory_space<vmem>>) dst(%dma_wait3A_750 : memref<1x512xf32, #tpu.memory_space<hbm>>)
      %slice3A_754 = vector.extract_strided_slice %get3A_444 {offsets = [13], sizes = [1], strides = [1]} : vector<16xi32> to vector<1xi32>
      %squeeze3A_755 = vector.extract %slice3A_754[0] : i32 from vector<1xi32>
      %add3A_756 = arith.addi %mul3A_2, %add3A_441 : i32
      %add3A_757 = arith.constant 13 : i32
      %add3A_758 = arith.addi %add3A_756, %add3A_757 : i32
      %dma_start3A_759 = arith.constant 0 : i32
      %dma_start3A_760 = tpu.memref_slice %arg5[%squeeze3A_755, %dma_start3A_759] : memref<100x512xf32, #tpu.memory_space<vmem>> -> memref<1x512xf32, #tpu.memory_space<vmem>>
      %dma_start3A_761 = arith.constant 0 : i32
      %dma_start3A_762 = tpu.memref_slice %arg4[%add3A_758, %dma_start3A_761] : memref<100000x512xf32, #tpu.memory_space<hbm>> -> memref<1x512xf32, #tpu.memory_space<hbm>>
      %dma_start3A_763 = arith.constant 0 : i32
      %dma_start3A_764 = tpu.memref_slice %arg4[%add3A_758, %dma_start3A_763] : memref<100000x512xf32, #tpu.memory_space<hbm>> -> memref<1x512xf32, #tpu.memory_space<hbm>>
      %dma_start3A_765 = arith.constant 0 : i32
      %dma_start3A_766 = tpu.memref_slice %arg5[%squeeze3A_755, %dma_start3A_765] : memref<100x512xf32, #tpu.memory_space<vmem>> -> memref<1x512xf32, #tpu.memory_space<vmem>>
      tpu.enqueue_dma source(%dma_start3A_766 : memref<1x512xf32, #tpu.memory_space<vmem>>) target(%dma_start3A_764 : memref<1x512xf32, #tpu.memory_space<hbm>>) target_semaphore(%arg8 : memref<!tpu.dma_semaphore, #tpu.memory_space<semaphore_mem>>)
      %dma_wait3A_767 = arith.constant 0 : i32
      %dma_wait3A_768 = arith.constant 0 : i32
      %dma_wait3A_769 = tpu.memref_slice %arg5[%dma_wait3A_767, %dma_wait3A_768] : memref<100x512xf32, #tpu.memory_space<vmem>> -> memref<1x512xf32, #tpu.memory_space<vmem>>
      %dma_wait3A_770 = arith.constant 0 : i32
      %dma_wait3A_771 = tpu.memref_slice %arg4[%mul3A_2, %dma_wait3A_770] : memref<100000x512xf32, #tpu.memory_space<hbm>> -> memref<1x512xf32, #tpu.memory_space<hbm>>
      %dma_wait3A_772 = arith.constant 0 : i32
      %dma_wait3A_773 = tpu.memref_slice %arg4[%mul3A_2, %dma_wait3A_772] : memref<100000x512xf32, #tpu.memory_space<hbm>> -> memref<1x512xf32, #tpu.memory_space<hbm>>
      %dma_wait3A_774 = arith.constant 0 : i32
      %dma_wait3A_775 = arith.constant 0 : i32
      %dma_wait3A_776 = tpu.memref_slice %arg5[%dma_wait3A_774, %dma_wait3A_775] : memref<100x512xf32, #tpu.memory_space<vmem>> -> memref<1x512xf32, #tpu.memory_space<vmem>>
      tpu.wait_dma2 semaphore(%arg8 : memref<!tpu.dma_semaphore, #tpu.memory_space<semaphore_mem>>) src(%dma_wait3A_776 : memref<1x512xf32, #tpu.memory_space<vmem>>) dst(%dma_wait3A_773 : memref<1x512xf32, #tpu.memory_space<hbm>>)
      %slice3A_777 = vector.extract_strided_slice %get3A_444 {offsets = [14], sizes = [1], strides = [1]} : vector<16xi32> to vector<1xi32>
      %squeeze3A_778 = vector.extract %slice3A_777[0] : i32 from vector<1xi32>
      %add3A_779 = arith.addi %mul3A_2, %add3A_441 : i32
      %add3A_780 = arith.constant 14 : i32
      %add3A_781 = arith.addi %add3A_779, %add3A_780 : i32
      %dma_start3A_782 = arith.constant 0 : i32
      %dma_start3A_783 = tpu.memref_slice %arg5[%squeeze3A_778, %dma_start3A_782] : memref<100x512xf32, #tpu.memory_space<vmem>> -> memref<1x512xf32, #tpu.memory_space<vmem>>
      %dma_start3A_784 = arith.constant 0 : i32
      %dma_start3A_785 = tpu.memref_slice %arg4[%add3A_781, %dma_start3A_784] : memref<100000x512xf32, #tpu.memory_space<hbm>> -> memref<1x512xf32, #tpu.memory_space<hbm>>
      %dma_start3A_786 = arith.constant 0 : i32
      %dma_start3A_787 = tpu.memref_slice %arg4[%add3A_781, %dma_start3A_786] : memref<100000x512xf32, #tpu.memory_space<hbm>> -> memref<1x512xf32, #tpu.memory_space<hbm>>
      %dma_start3A_788 = arith.constant 0 : i32
      %dma_start3A_789 = tpu.memref_slice %arg5[%squeeze3A_778, %dma_start3A_788] : memref<100x512xf32, #tpu.memory_space<vmem>> -> memref<1x512xf32, #tpu.memory_space<vmem>>
      tpu.enqueue_dma source(%dma_start3A_789 : memref<1x512xf32, #tpu.memory_space<vmem>>) target(%dma_start3A_787 : memref<1x512xf32, #tpu.memory_space<hbm>>) target_semaphore(%arg8 : memref<!tpu.dma_semaphore, #tpu.memory_space<semaphore_mem>>)
      %dma_wait3A_790 = arith.constant 0 : i32
      %dma_wait3A_791 = arith.constant 0 : i32
      %dma_wait3A_792 = tpu.memref_slice %arg5[%dma_wait3A_790, %dma_wait3A_791] : memref<100x512xf32, #tpu.memory_space<vmem>> -> memref<1x512xf32, #tpu.memory_space<vmem>>
      %dma_wait3A_793 = arith.constant 0 : i32
      %dma_wait3A_794 = tpu.memref_slice %arg4[%mul3A_2, %dma_wait3A_793] : memref<100000x512xf32, #tpu.memory_space<hbm>> -> memref<1x512xf32, #tpu.memory_space<hbm>>
      %dma_wait3A_795 = arith.constant 0 : i32
      %dma_wait3A_796 = tpu.memref_slice %arg4[%mul3A_2, %dma_wait3A_795] : memref<100000x512xf32, #tpu.memory_space<hbm>> -> memref<1x512xf32, #tpu.memory_space<hbm>>
      %dma_wait3A_797 = arith.constant 0 : i32
      %dma_wait3A_798 = arith.constant 0 : i32
      %dma_wait3A_799 = tpu.memref_slice %arg5[%dma_wait3A_797, %dma_wait3A_798] : memref<100x512xf32, #tpu.memory_space<vmem>> -> memref<1x512xf32, #tpu.memory_space<vmem>>
      tpu.wait_dma2 semaphore(%arg8 : memref<!tpu.dma_semaphore, #tpu.memory_space<semaphore_mem>>) src(%dma_wait3A_799 : memref<1x512xf32, #tpu.memory_space<vmem>>) dst(%dma_wait3A_796 : memref<1x512xf32, #tpu.memory_space<hbm>>)
      %slice3A_800 = vector.extract_strided_slice %get3A_444 {offsets = [15], sizes = [1], strides = [1]} : vector<16xi32> to vector<1xi32>
      %squeeze3A_801 = vector.extract %slice3A_800[0] : i32 from vector<1xi32>
      %add3A_802 = arith.addi %mul3A_2, %add3A_441 : i32
      %add3A_803 = arith.constant 15 : i32
      %add3A_804 = arith.addi %add3A_802, %add3A_803 : i32
      %dma_start3A_805 = arith.constant 0 : i32
      %dma_start3A_806 = tpu.memref_slice %arg5[%squeeze3A_801, %dma_start3A_805] : memref<100x512xf32, #tpu.memory_space<vmem>> -> memref<1x512xf32, #tpu.memory_space<vmem>>
      %dma_start3A_807 = arith.constant 0 : i32
      %dma_start3A_808 = tpu.memref_slice %arg4[%add3A_804, %dma_start3A_807] : memref<100000x512xf32, #tpu.memory_space<hbm>> -> memref<1x512xf32, #tpu.memory_space<hbm>>
      %dma_start3A_809 = arith.constant 0 : i32
      %dma_start3A_810 = tpu.memref_slice %arg4[%add3A_804, %dma_start3A_809] : memref<100000x512xf32, #tpu.memory_space<hbm>> -> memref<1x512xf32, #tpu.memory_space<hbm>>
      %dma_start3A_811 = arith.constant 0 : i32
      %dma_start3A_812 = tpu.memref_slice %arg5[%squeeze3A_801, %dma_start3A_811] : memref<100x512xf32, #tpu.memory_space<vmem>> -> memref<1x512xf32, #tpu.memory_space<vmem>>
      tpu.enqueue_dma source(%dma_start3A_812 : memref<1x512xf32, #tpu.memory_space<vmem>>) target(%dma_start3A_810 : memref<1x512xf32, #tpu.memory_space<hbm>>) target_semaphore(%arg8 : memref<!tpu.dma_semaphore, #tpu.memory_space<semaphore_mem>>)
    }
    %dma_wait3A = arith.constant 0 : i32
    %dma_wait3A_278 = arith.constant 0 : i32
    %dma_wait3A_279 = tpu.memref_slice %arg5[%dma_wait3A, %dma_wait3A_278] : memref<100x512xf32, #tpu.memory_space<vmem>> -> memref<1x512xf32, #tpu.memory_space<vmem>>
    %dma_wait3A_280 = arith.constant 0 : i32
    %dma_wait3A_281 = tpu.memref_slice %arg4[%mul3A_2, %dma_wait3A_280] : memref<100000x512xf32, #tpu.memory_space<hbm>> -> memref<1x512xf32, #tpu.memory_space<hbm>>
    %dma_wait3A_282 = arith.constant 0 : i32
    %dma_wait3A_283 = tpu.memref_slice %arg4[%mul3A_2, %dma_wait3A_282] : memref<100000x512xf32, #tpu.memory_space<hbm>> -> memref<1x512xf32, #tpu.memory_space<hbm>>
    %dma_wait3A_284 = arith.constant 0 : i32
    %dma_wait3A_285 = arith.constant 0 : i32
    %dma_wait3A_286 = tpu.memref_slice %arg5[%dma_wait3A_284, %dma_wait3A_285] : memref<100x512xf32, #tpu.memory_space<vmem>> -> memref<1x512xf32, #tpu.memory_space<vmem>>
    tpu.wait_dma2 semaphore(%arg8 : memref<!tpu.dma_semaphore, #tpu.memory_space<semaphore_mem>>) src(%dma_wait3A_286 : memref<1x512xf32, #tpu.memory_space<vmem>>) dst(%dma_wait3A_283 : memref<1x512xf32, #tpu.memory_space<hbm>>)
    %dma_wait3A_287 = arith.constant 0 : i32
    %dma_wait3A_288 = arith.constant 0 : i32
    %dma_wait3A_289 = tpu.memref_slice %arg5[%dma_wait3A_287, %dma_wait3A_288] : memref<100x512xf32, #tpu.memory_space<vmem>> -> memref<1x512xf32, #tpu.memory_space<vmem>>
    %dma_wait3A_290 = arith.constant 0 : i32
    %dma_wait3A_291 = tpu.memref_slice %arg4[%mul3A_2, %dma_wait3A_290] : memref<100000x512xf32, #tpu.memory_space<hbm>> -> memref<1x512xf32, #tpu.memory_space<hbm>>
    %dma_wait3A_292 = arith.constant 0 : i32
    %dma_wait3A_293 = tpu.memref_slice %arg4[%mul3A_2, %dma_wait3A_292] : memref<100000x512xf32, #tpu.memory_space<hbm>> -> memref<1x512xf32, #tpu.memory_space<hbm>>
    %dma_wait3A_294 = arith.constant 0 : i32
    %dma_wait3A_295 = arith.constant 0 : i32
    %dma_wait3A_296 = tpu.memref_slice %arg5[%dma_wait3A_294, %dma_wait3A_295] : memref<100x512xf32, #tpu.memory_space<vmem>> -> memref<1x512xf32, #tpu.memory_space<vmem>>
    tpu.wait_dma2 semaphore(%arg8 : memref<!tpu.dma_semaphore, #tpu.memory_space<semaphore_mem>>) src(%dma_wait3A_296 : memref<1x512xf32, #tpu.memory_space<vmem>>) dst(%dma_wait3A_293 : memref<1x512xf32, #tpu.memory_space<hbm>>)
    %dma_wait3A_297 = arith.constant 0 : i32
    %dma_wait3A_298 = arith.constant 0 : i32
    %dma_wait3A_299 = tpu.memref_slice %arg5[%dma_wait3A_297, %dma_wait3A_298] : memref<100x512xf32, #tpu.memory_space<vmem>> -> memref<1x512xf32, #tpu.memory_space<vmem>>
    %dma_wait3A_300 = arith.constant 0 : i32
    %dma_wait3A_301 = tpu.memref_slice %arg4[%mul3A_2, %dma_wait3A_300] : memref<100000x512xf32, #tpu.memory_space<hbm>> -> memref<1x512xf32, #tpu.memory_space<hbm>>
    %dma_wait3A_302 = arith.constant 0 : i32
    %dma_wait3A_303 = tpu.memref_slice %arg4[%mul3A_2, %dma_wait3A_302] : memref<100000x512xf32, #tpu.memory_space<hbm>> -> memref<1x512xf32, #tpu.memory_space<hbm>>
    %dma_wait3A_304 = arith.constant 0 : i32
    %dma_wait3A_305 = arith.constant 0 : i32
    %dma_wait3A_306 = tpu.memref_slice %arg5[%dma_wait3A_304, %dma_wait3A_305] : memref<100x512xf32, #tpu.memory_space<vmem>> -> memref<1x512xf32, #tpu.memory_space<vmem>>
    tpu.wait_dma2 semaphore(%arg8 : memref<!tpu.dma_semaphore, #tpu.memory_space<semaphore_mem>>) src(%dma_wait3A_306 : memref<1x512xf32, #tpu.memory_space<vmem>>) dst(%dma_wait3A_303 : memref<1x512xf32, #tpu.memory_space<hbm>>)
    %dma_wait3A_307 = arith.constant 0 : i32
    %dma_wait3A_308 = arith.constant 0 : i32
    %dma_wait3A_309 = tpu.memref_slice %arg5[%dma_wait3A_307, %dma_wait3A_308] : memref<100x512xf32, #tpu.memory_space<vmem>> -> memref<1x512xf32, #tpu.memory_space<vmem>>
    %dma_wait3A_310 = arith.constant 0 : i32
    %dma_wait3A_311 = tpu.memref_slice %arg4[%mul3A_2, %dma_wait3A_310] : memref<100000x512xf32, #tpu.memory_space<hbm>> -> memref<1x512xf32, #tpu.memory_space<hbm>>
    %dma_wait3A_312 = arith.constant 0 : i32
    %dma_wait3A_313 = tpu.memref_slice %arg4[%mul3A_2, %dma_wait3A_312] : memref<100000x512xf32, #tpu.memory_space<hbm>> -> memref<1x512xf32, #tpu.memory_space<hbm>>
    %dma_wait3A_314 = arith.constant 0 : i32
    %dma_wait3A_315 = arith.constant 0 : i32
    %dma_wait3A_316 = tpu.memref_slice %arg5[%dma_wait3A_314, %dma_wait3A_315] : memref<100x512xf32, #tpu.memory_space<vmem>> -> memref<1x512xf32, #tpu.memory_space<vmem>>
    tpu.wait_dma2 semaphore(%arg8 : memref<!tpu.dma_semaphore, #tpu.memory_space<semaphore_mem>>) src(%dma_wait3A_316 : memref<1x512xf32, #tpu.memory_space<vmem>>) dst(%dma_wait3A_313 : memref<1x512xf32, #tpu.memory_space<hbm>>)
    %dma_wait3A_317 = arith.constant 0 : i32
    %dma_wait3A_318 = arith.constant 0 : i32
    %dma_wait3A_319 = tpu.memref_slice %arg5[%dma_wait3A_317, %dma_wait3A_318] : memref<100x512xf32, #tpu.memory_space<vmem>> -> memref<1x512xf32, #tpu.memory_space<vmem>>
    %dma_wait3A_320 = arith.constant 0 : i32
    %dma_wait3A_321 = tpu.memref_slice %arg4[%mul3A_2, %dma_wait3A_320] : memref<100000x512xf32, #tpu.memory_space<hbm>> -> memref<1x512xf32, #tpu.memory_space<hbm>>
    %dma_wait3A_322 = arith.constant 0 : i32
    %dma_wait3A_323 = tpu.memref_slice %arg4[%mul3A_2, %dma_wait3A_322] : memref<100000x512xf32, #tpu.memory_space<hbm>> -> memref<1x512xf32, #tpu.memory_space<hbm>>
    %dma_wait3A_324 = arith.constant 0 : i32
    %dma_wait3A_325 = arith.constant 0 : i32
    %dma_wait3A_326 = tpu.memref_slice %arg5[%dma_wait3A_324, %dma_wait3A_325] : memref<100x512xf32, #tpu.memory_space<vmem>> -> memref<1x512xf32, #tpu.memory_space<vmem>>
    tpu.wait_dma2 semaphore(%arg8 : memref<!tpu.dma_semaphore, #tpu.memory_space<semaphore_mem>>) src(%dma_wait3A_326 : memref<1x512xf32, #tpu.memory_space<vmem>>) dst(%dma_wait3A_323 : memref<1x512xf32, #tpu.memory_space<hbm>>)
    %dma_wait3A_327 = arith.constant 0 : i32
    %dma_wait3A_328 = arith.constant 0 : i32
    %dma_wait3A_329 = tpu.memref_slice %arg5[%dma_wait3A_327, %dma_wait3A_328] : memref<100x512xf32, #tpu.memory_space<vmem>> -> memref<1x512xf32, #tpu.memory_space<vmem>>
    %dma_wait3A_330 = arith.constant 0 : i32
    %dma_wait3A_331 = tpu.memref_slice %arg4[%mul3A_2, %dma_wait3A_330] : memref<100000x512xf32, #tpu.memory_space<hbm>> -> memref<1x512xf32, #tpu.memory_space<hbm>>
    %dma_wait3A_332 = arith.constant 0 : i32
    %dma_wait3A_333 = tpu.memref_slice %arg4[%mul3A_2, %dma_wait3A_332] : memref<100000x512xf32, #tpu.memory_space<hbm>> -> memref<1x512xf32, #tpu.memory_space<hbm>>
    %dma_wait3A_334 = arith.constant 0 : i32
    %dma_wait3A_335 = arith.constant 0 : i32
    %dma_wait3A_336 = tpu.memref_slice %arg5[%dma_wait3A_334, %dma_wait3A_335] : memref<100x512xf32, #tpu.memory_space<vmem>> -> memref<1x512xf32, #tpu.memory_space<vmem>>
    tpu.wait_dma2 semaphore(%arg8 : memref<!tpu.dma_semaphore, #tpu.memory_space<semaphore_mem>>) src(%dma_wait3A_336 : memref<1x512xf32, #tpu.memory_space<vmem>>) dst(%dma_wait3A_333 : memref<1x512xf32, #tpu.memory_space<hbm>>)
    %dma_wait3A_337 = arith.constant 0 : i32
    %dma_wait3A_338 = arith.constant 0 : i32
    %dma_wait3A_339 = tpu.memref_slice %arg5[%dma_wait3A_337, %dma_wait3A_338] : memref<100x512xf32, #tpu.memory_space<vmem>> -> memref<1x512xf32, #tpu.memory_space<vmem>>
    %dma_wait3A_340 = arith.constant 0 : i32
    %dma_wait3A_341 = tpu.memref_slice %arg4[%mul3A_2, %dma_wait3A_340] : memref<100000x512xf32, #tpu.memory_space<hbm>> -> memref<1x512xf32, #tpu.memory_space<hbm>>
    %dma_wait3A_342 = arith.constant 0 : i32
    %dma_wait3A_343 = tpu.memref_slice %arg4[%mul3A_2, %dma_wait3A_342] : memref<100000x512xf32, #tpu.memory_space<hbm>> -> memref<1x512xf32, #tpu.memory_space<hbm>>
    %dma_wait3A_344 = arith.constant 0 : i32
    %dma_wait3A_345 = arith.constant 0 : i32
    %dma_wait3A_346 = tpu.memref_slice %arg5[%dma_wait3A_344, %dma_wait3A_345] : memref<100x512xf32, #tpu.memory_space<vmem>> -> memref<1x512xf32, #tpu.memory_space<vmem>>
    tpu.wait_dma2 semaphore(%arg8 : memref<!tpu.dma_semaphore, #tpu.memory_space<semaphore_mem>>) src(%dma_wait3A_346 : memref<1x512xf32, #tpu.memory_space<vmem>>) dst(%dma_wait3A_343 : memref<1x512xf32, #tpu.memory_space<hbm>>)
    %dma_wait3A_347 = arith.constant 0 : i32
    %dma_wait3A_348 = arith.constant 0 : i32
    %dma_wait3A_349 = tpu.memref_slice %arg5[%dma_wait3A_347, %dma_wait3A_348] : memref<100x512xf32, #tpu.memory_space<vmem>> -> memref<1x512xf32, #tpu.memory_space<vmem>>
    %dma_wait3A_350 = arith.constant 0 : i32
    %dma_wait3A_351 = tpu.memref_slice %arg4[%mul3A_2, %dma_wait3A_350] : memref<100000x512xf32, #tpu.memory_space<hbm>> -> memref<1x512xf32, #tpu.memory_space<hbm>>
    %dma_wait3A_352 = arith.constant 0 : i32
    %dma_wait3A_353 = tpu.memref_slice %arg4[%mul3A_2, %dma_wait3A_352] : memref<100000x512xf32, #tpu.memory_space<hbm>> -> memref<1x512xf32, #tpu.memory_space<hbm>>
    %dma_wait3A_354 = arith.constant 0 : i32
    %dma_wait3A_355 = arith.constant 0 : i32
    %dma_wait3A_356 = tpu.memref_slice %arg5[%dma_wait3A_354, %dma_wait3A_355] : memref<100x512xf32, #tpu.memory_space<vmem>> -> memref<1x512xf32, #tpu.memory_space<vmem>>
    tpu.wait_dma2 semaphore(%arg8 : memref<!tpu.dma_semaphore, #tpu.memory_space<semaphore_mem>>) src(%dma_wait3A_356 : memref<1x512xf32, #tpu.memory_space<vmem>>) dst(%dma_wait3A_353 : memref<1x512xf32, #tpu.memory_space<hbm>>)
    %dma_wait3A_357 = arith.constant 0 : i32
    %dma_wait3A_358 = arith.constant 0 : i32
    %dma_wait3A_359 = tpu.memref_slice %arg5[%dma_wait3A_357, %dma_wait3A_358] : memref<100x512xf32, #tpu.memory_space<vmem>> -> memref<1x512xf32, #tpu.memory_space<vmem>>
    %dma_wait3A_360 = arith.constant 0 : i32
    %dma_wait3A_361 = tpu.memref_slice %arg4[%mul3A_2, %dma_wait3A_360] : memref<100000x512xf32, #tpu.memory_space<hbm>> -> memref<1x512xf32, #tpu.memory_space<hbm>>
    %dma_wait3A_362 = arith.constant 0 : i32
    %dma_wait3A_363 = tpu.memref_slice %arg4[%mul3A_2, %dma_wait3A_362] : memref<100000x512xf32, #tpu.memory_space<hbm>> -> memref<1x512xf32, #tpu.memory_space<hbm>>
    %dma_wait3A_364 = arith.constant 0 : i32
    %dma_wait3A_365 = arith.constant 0 : i32
    %dma_wait3A_366 = tpu.memref_slice %arg5[%dma_wait3A_364, %dma_wait3A_365] : memref<100x512xf32, #tpu.memory_space<vmem>> -> memref<1x512xf32, #tpu.memory_space<vmem>>
    tpu.wait_dma2 semaphore(%arg8 : memref<!tpu.dma_semaphore, #tpu.memory_space<semaphore_mem>>) src(%dma_wait3A_366 : memref<1x512xf32, #tpu.memory_space<vmem>>) dst(%dma_wait3A_363 : memref<1x512xf32, #tpu.memory_space<hbm>>)
    %dma_wait3A_367 = arith.constant 0 : i32
    %dma_wait3A_368 = arith.constant 0 : i32
    %dma_wait3A_369 = tpu.memref_slice %arg5[%dma_wait3A_367, %dma_wait3A_368] : memref<100x512xf32, #tpu.memory_space<vmem>> -> memref<1x512xf32, #tpu.memory_space<vmem>>
    %dma_wait3A_370 = arith.constant 0 : i32
    %dma_wait3A_371 = tpu.memref_slice %arg4[%mul3A_2, %dma_wait3A_370] : memref<100000x512xf32, #tpu.memory_space<hbm>> -> memref<1x512xf32, #tpu.memory_space<hbm>>
    %dma_wait3A_372 = arith.constant 0 : i32
    %dma_wait3A_373 = tpu.memref_slice %arg4[%mul3A_2, %dma_wait3A_372] : memref<100000x512xf32, #tpu.memory_space<hbm>> -> memref<1x512xf32, #tpu.memory_space<hbm>>
    %dma_wait3A_374 = arith.constant 0 : i32
    %dma_wait3A_375 = arith.constant 0 : i32
    %dma_wait3A_376 = tpu.memref_slice %arg5[%dma_wait3A_374, %dma_wait3A_375] : memref<100x512xf32, #tpu.memory_space<vmem>> -> memref<1x512xf32, #tpu.memory_space<vmem>>
    tpu.wait_dma2 semaphore(%arg8 : memref<!tpu.dma_semaphore, #tpu.memory_space<semaphore_mem>>) src(%dma_wait3A_376 : memref<1x512xf32, #tpu.memory_space<vmem>>) dst(%dma_wait3A_373 : memref<1x512xf32, #tpu.memory_space<hbm>>)
    %dma_wait3A_377 = arith.constant 0 : i32
    %dma_wait3A_378 = arith.constant 0 : i32
    %dma_wait3A_379 = tpu.memref_slice %arg5[%dma_wait3A_377, %dma_wait3A_378] : memref<100x512xf32, #tpu.memory_space<vmem>> -> memref<1x512xf32, #tpu.memory_space<vmem>>
    %dma_wait3A_380 = arith.constant 0 : i32
    %dma_wait3A_381 = tpu.memref_slice %arg4[%mul3A_2, %dma_wait3A_380] : memref<100000x512xf32, #tpu.memory_space<hbm>> -> memref<1x512xf32, #tpu.memory_space<hbm>>
    %dma_wait3A_382 = arith.constant 0 : i32
    %dma_wait3A_383 = tpu.memref_slice %arg4[%mul3A_2, %dma_wait3A_382] : memref<100000x512xf32, #tpu.memory_space<hbm>> -> memref<1x512xf32, #tpu.memory_space<hbm>>
    %dma_wait3A_384 = arith.constant 0 : i32
    %dma_wait3A_385 = arith.constant 0 : i32
    %dma_wait3A_386 = tpu.memref_slice %arg5[%dma_wait3A_384, %dma_wait3A_385] : memref<100x512xf32, #tpu.memory_space<vmem>> -> memref<1x512xf32, #tpu.memory_space<vmem>>
    tpu.wait_dma2 semaphore(%arg8 : memref<!tpu.dma_semaphore, #tpu.memory_space<semaphore_mem>>) src(%dma_wait3A_386 : memref<1x512xf32, #tpu.memory_space<vmem>>) dst(%dma_wait3A_383 : memref<1x512xf32, #tpu.memory_space<hbm>>)
    %dma_wait3A_387 = arith.constant 0 : i32
    %dma_wait3A_388 = arith.constant 0 : i32
    %dma_wait3A_389 = tpu.memref_slice %arg5[%dma_wait3A_387, %dma_wait3A_388] : memref<100x512xf32, #tpu.memory_space<vmem>> -> memref<1x512xf32, #tpu.memory_space<vmem>>
    %dma_wait3A_390 = arith.constant 0 : i32
    %dma_wait3A_391 = tpu.memref_slice %arg4[%mul3A_2, %dma_wait3A_390] : memref<100000x512xf32, #tpu.memory_space<hbm>> -> memref<1x512xf32, #tpu.memory_space<hbm>>
    %dma_wait3A_392 = arith.constant 0 : i32
    %dma_wait3A_393 = tpu.memref_slice %arg4[%mul3A_2, %dma_wait3A_392] : memref<100000x512xf32, #tpu.memory_space<hbm>> -> memref<1x512xf32, #tpu.memory_space<hbm>>
    %dma_wait3A_394 = arith.constant 0 : i32
    %dma_wait3A_395 = arith.constant 0 : i32
    %dma_wait3A_396 = tpu.memref_slice %arg5[%dma_wait3A_394, %dma_wait3A_395] : memref<100x512xf32, #tpu.memory_space<vmem>> -> memref<1x512xf32, #tpu.memory_space<vmem>>
    tpu.wait_dma2 semaphore(%arg8 : memref<!tpu.dma_semaphore, #tpu.memory_space<semaphore_mem>>) src(%dma_wait3A_396 : memref<1x512xf32, #tpu.memory_space<vmem>>) dst(%dma_wait3A_393 : memref<1x512xf32, #tpu.memory_space<hbm>>)
    %dma_wait3A_397 = arith.constant 0 : i32
    %dma_wait3A_398 = arith.constant 0 : i32
    %dma_wait3A_399 = tpu.memref_slice %arg5[%dma_wait3A_397, %dma_wait3A_398] : memref<100x512xf32, #tpu.memory_space<vmem>> -> memref<1x512xf32, #tpu.memory_space<vmem>>
    %dma_wait3A_400 = arith.constant 0 : i32
    %dma_wait3A_401 = tpu.memref_slice %arg4[%mul3A_2, %dma_wait3A_400] : memref<100000x512xf32, #tpu.memory_space<hbm>> -> memref<1x512xf32, #tpu.memory_space<hbm>>
    %dma_wait3A_402 = arith.constant 0 : i32
    %dma_wait3A_403 = tpu.memref_slice %arg4[%mul3A_2, %dma_wait3A_402] : memref<100000x512xf32, #tpu.memory_space<hbm>> -> memref<1x512xf32, #tpu.memory_space<hbm>>
    %dma_wait3A_404 = arith.constant 0 : i32
    %dma_wait3A_405 = arith.constant 0 : i32
    %dma_wait3A_406 = tpu.memref_slice %arg5[%dma_wait3A_404, %dma_wait3A_405] : memref<100x512xf32, #tpu.memory_space<vmem>> -> memref<1x512xf32, #tpu.memory_space<vmem>>
    tpu.wait_dma2 semaphore(%arg8 : memref<!tpu.dma_semaphore, #tpu.memory_space<semaphore_mem>>) src(%dma_wait3A_406 : memref<1x512xf32, #tpu.memory_space<vmem>>) dst(%dma_wait3A_403 : memref<1x512xf32, #tpu.memory_space<hbm>>)
    %dma_wait3A_407 = arith.constant 0 : i32
    %dma_wait3A_408 = arith.constant 0 : i32
    %dma_wait3A_409 = tpu.memref_slice %arg5[%dma_wait3A_407, %dma_wait3A_408] : memref<100x512xf32, #tpu.memory_space<vmem>> -> memref<1x512xf32, #tpu.memory_space<vmem>>
    %dma_wait3A_410 = arith.constant 0 : i32
    %dma_wait3A_411 = tpu.memref_slice %arg4[%mul3A_2, %dma_wait3A_410] : memref<100000x512xf32, #tpu.memory_space<hbm>> -> memref<1x512xf32, #tpu.memory_space<hbm>>
    %dma_wait3A_412 = arith.constant 0 : i32
    %dma_wait3A_413 = tpu.memref_slice %arg4[%mul3A_2, %dma_wait3A_412] : memref<100000x512xf32, #tpu.memory_space<hbm>> -> memref<1x512xf32, #tpu.memory_space<hbm>>
    %dma_wait3A_414 = arith.constant 0 : i32
    %dma_wait3A_415 = arith.constant 0 : i32
    %dma_wait3A_416 = tpu.memref_slice %arg5[%dma_wait3A_414, %dma_wait3A_415] : memref<100x512xf32, #tpu.memory_space<vmem>> -> memref<1x512xf32, #tpu.memory_space<vmem>>
    tpu.wait_dma2 semaphore(%arg8 : memref<!tpu.dma_semaphore, #tpu.memory_space<semaphore_mem>>) src(%dma_wait3A_416 : memref<1x512xf32, #tpu.memory_space<vmem>>) dst(%dma_wait3A_413 : memref<1x512xf32, #tpu.memory_space<hbm>>)
    %dma_wait3A_417 = arith.constant 0 : i32
    %dma_wait3A_418 = arith.constant 0 : i32
    %dma_wait3A_419 = tpu.memref_slice %arg5[%dma_wait3A_417, %dma_wait3A_418] : memref<100x512xf32, #tpu.memory_space<vmem>> -> memref<1x512xf32, #tpu.memory_space<vmem>>
    %dma_wait3A_420 = arith.constant 0 : i32
    %dma_wait3A_421 = tpu.memref_slice %arg4[%mul3A_2, %dma_wait3A_420] : memref<100000x512xf32, #tpu.memory_space<hbm>> -> memref<1x512xf32, #tpu.memory_space<hbm>>
    %dma_wait3A_422 = arith.constant 0 : i32
    %dma_wait3A_423 = tpu.memref_slice %arg4[%mul3A_2, %dma_wait3A_422] : memref<100000x512xf32, #tpu.memory_space<hbm>> -> memref<1x512xf32, #tpu.memory_space<hbm>>
    %dma_wait3A_424 = arith.constant 0 : i32
    %dma_wait3A_425 = arith.constant 0 : i32
    %dma_wait3A_426 = tpu.memref_slice %arg5[%dma_wait3A_424, %dma_wait3A_425] : memref<100x512xf32, #tpu.memory_space<vmem>> -> memref<1x512xf32, #tpu.memory_space<vmem>>
    tpu.wait_dma2 semaphore(%arg8 : memref<!tpu.dma_semaphore, #tpu.memory_space<semaphore_mem>>) src(%dma_wait3A_426 : memref<1x512xf32, #tpu.memory_space<vmem>>) dst(%dma_wait3A_423 : memref<1x512xf32, #tpu.memory_space<hbm>>)
    %dma_wait3A_427 = arith.constant 0 : i32
    %dma_wait3A_428 = arith.constant 0 : i32
    %dma_wait3A_429 = tpu.memref_slice %arg5[%dma_wait3A_427, %dma_wait3A_428] : memref<100x512xf32, #tpu.memory_space<vmem>> -> memref<1x512xf32, #tpu.memory_space<vmem>>
    %dma_wait3A_430 = arith.constant 0 : i32
    %dma_wait3A_431 = tpu.memref_slice %arg4[%mul3A_2, %dma_wait3A_430] : memref<100000x512xf32, #tpu.memory_space<hbm>> -> memref<1x512xf32, #tpu.memory_space<hbm>>
    %dma_wait3A_432 = arith.constant 0 : i32
    %dma_wait3A_433 = tpu.memref_slice %arg4[%mul3A_2, %dma_wait3A_432] : memref<100000x512xf32, #tpu.memory_space<hbm>> -> memref<1x512xf32, #tpu.memory_space<hbm>>
    %dma_wait3A_434 = arith.constant 0 : i32
    %dma_wait3A_435 = arith.constant 0 : i32
    %dma_wait3A_436 = tpu.memref_slice %arg5[%dma_wait3A_434, %dma_wait3A_435] : memref<100x512xf32, #tpu.memory_space<vmem>> -> memref<1x512xf32, #tpu.memory_space<vmem>>
    tpu.wait_dma2 semaphore(%arg8 : memref<!tpu.dma_semaphore, #tpu.memory_space<semaphore_mem>>) src(%dma_wait3A_436 : memref<1x512xf32, #tpu.memory_space<vmem>>) dst(%dma_wait3A_433 : memref<1x512xf32, #tpu.memory_space<hbm>>)
    return
  }
}

</mosaic_0001>

<sc_bundles>
// kernel: _emb.3.cloned.1.call-start
scs
__scs_entry_jumppad:
0x0: {  	(pc) =	sbr.rel $0x88, $3  }
0x1: {  	(tag) =	ssettag $0x0;
	lr =	simm.s32 $0x1  }
0x2: {  	[smem:$0x3F9F] =	sst lr;
	_ =	strace $0xD0000000  }
0x3: {  	_ = 	snop  }
0x4: {  	_ = 	snop  }
0x5: {  	_ = 	snop  }
0x6: {  	_ = 	snop  }
0x7: {  	_ = 	snop  }
__scs_overlays_trampoline_lowered:
0x8: {  	[smem:$0x3FAE] =	sst s0  }
0x9: {  	[smem:$0x3FAF] =	sst s1  }
0xa: {  	[smem:$0x3FB0] =	sst s2  }
0xb: {  	[smem:$0x3FB1] =	sst s3  }
0xc: {  	[smem:$0x3FB2] =	sst s4  }
0xd: {  	[smem:$0x3FB3] =	sst s5  }
0xe: {  	[smem:$0x3FB4] =	sst s6  }
0xf: {  	[smem:$0x3FB5] =	sst s7  }
0x10: {  	[smem:$0x3FB6] =	sst s8  }
0x11: {  	[smem:$0x3FB7] =	sst s9;
	s0 =	simm.s32 @!p0 $0x0  }
0x12: {  	s1 =	sld [smem:$0x3F9D];
	s0 =	simm.s32 @p0 $0x1  }
0x13: {  	[smem:$0x3FB8] =	sst s0;
	s0 =	simm.s32 @!p1 $0x0  }
0x14: {  	s2 =	sld [smem:$0x3F9C];
	s0 =	simm.s32 @p1 $0x1  }
0x15: {  	[smem:$0x3FB9] =	sst s0;
	s0 =	simm.s32 @!p2 $0x0  }
0x16: {  	s3 =	sld [smem:$0x3FDB];
	s0 =	simm.s32 @p2 $0x1  }
0x17: {  	s4 =	simm.s32 $0x1BF5;
	[smem:$0x3FBB] =	sst s0  }
0x18: {  	s0 =	sld [smem:$0x3F9E];
	_ =	swait.ge [sflag:s4], $0x0  }
0x19: {  	s7 =	sld [smem:$0x3F9F]  }
0x1a: {  	s8 =	sadd.s32 $0xFFFFE003, lr  }
0x1b: {  	s9 =	sadd.s32 $0xFFFFFEF7, lr;
	s5 =	simm.s32 $0xFFFFFFFF;
	p2 =	slt.u32 s8, $0xFFFFF086  }
0x1c: {  	p1 =	slt.u32 s9, $0xF7A;
	s5 =	simm.s32 @!p2 $0x0  }
0x1d: {  	s5 =	simm.s32 @p1 $0x1;
	p0 =	seq.s32 s7, s2  }
0x1e: {  	s7 =	smul.u32 @!p0 $0xF7A, s2;
	p2 =	seq.s32 @!p0 s5, $0x0  }
0x1f: {  	s9 =	smul.u32 $0xF7A, s1;
	s8 =	simm.s32 @!p0 $0x1BF5;
	p2 =	por !p2, p0  }
0x20: {  	[sflag:s8] =	ssyncset.s32 @!p0 $0xFFFFF086;
	s6 =	sadd.s32 @!p0 s3, s7;
	s7 =	simm.s32 @!p0 $0x108  }
0x21: {  	s3 =	sadd.s32 s3, s9;
	s6 =	sadd.s32 @!p0 $0x88, s6;
	s7 =	simm.s32 @p2 $0x1082  }
0x22: {  	[simem:s7], [sflag:s8] =	dma.local @!p0 [hbm:s6], $0xF7A  }
0x23: {  	s9 =	sor.u32 $0xD0000000, s2;
	s6 =	simm.s32 $0x108;
	_ =	swait.ge @!p0 [sflag:s8], $0x0  }
0x24: {  	s3 =	sadd.s32 $0x88, s3;
	s6 =	simm.s32 @!p1 $0x1082;
	[sflag:s4] =	ssyncset.s32 $0xFFFFF086  }
0x25: {  	[simem:s6], [sflag:s4] =	dma.local [hbm:s3], $0xF7A  }
0x26: {  	[smem:$0x3F9F] =	sst s1;
	(tag) =	ssettag s2;
	_ =	strace s9  }
0x27: {  	s1 =	sld [smem:$0x3FAF]  }
0x28: {  	s2 =	sld [smem:$0x3FB0]  }
0x29: {  	s4 =	sld [smem:$0x3FB2]  }
0x2a: {  	p0 =	seq.s32 s5, $0x0;
	s5 =	sld [smem:$0x3FB3]  }
0x2b: {  	s6 =	sld [smem:$0x3FB4]  }
0x2c: {  	s7 =	sld [smem:$0x3FB5]  }
0x2d: {  	s3 =	simm.s32 $0x108;
	s8 =	sld [smem:$0x3FB6]  }
0x2e: {  	s3 =	simm.s32 @!p0 $0x1082;
	s9 =	sld [smem:$0x3FB7]  }
0x2f: {  	lr =	sadd.s32 s0, s3;
	s0 =	sld [smem:$0x3FAE]  }
0x30: {  	s3 =	sld [smem:$0x3FB1]  }
0x31: {  	[smem:$0x3FBA] =	sst s10  }
0x32: {  	s10 =	sld [smem:$0x3FB8];
	_ =	sdelay $0x3  }
0x33: {  	p0 =	seq.s32 s10, $0x1;
	s10 =	sld [smem:$0x3FBA];
	_ =	sdelay $0x3  }
0x34: {  	[smem:$0x3FBA] =	sst s10  }
0x35: {  	s10 =	sld [smem:$0x3FB9];
	_ =	sdelay $0x3  }
0x36: {  	p1 =	seq.s32 s10, $0x1;
	s10 =	sld [smem:$0x3FBA];
	_ =	sdelay $0x3  }
0x37: {  	[smem:$0x3FBA] =	sst s10  }
0x38: {  	s10 =	sld [smem:$0x3FBB]  }
0x39: {  	_ = 	snop;
	(pc) =	sbr.ind lr, $3  }
0x3a: {  	_ = 	snop  }
0x3b: {  	_ = 	snop  }
0x3c: {  	p2 =	seq.s32 s10, $0x1;
	s10 =	sld [smem:$0x3FBA]  }
0x3d: {  	_ =	shalt  }
0x3e: {  	_ =	shalt  }
0x3f: {  	_ =	shalt  }
0x40: {  	_ =	shalt  }
0x41: {  	_ =	shalt  }
0x42: {  	_ =	shalt  }
0x43: {  	_ =	shalt  }
0x44: {  	_ =	shalt  }
0x45: {  	_ =	shalt  }
0x46: {  	_ =	shalt  }
0x47: {  	_ =	shalt  }
0x48: {  	_ =	shalt  }
0x49: {  	_ =	shalt  }
0x4a: {  	_ =	shalt  }
0x4b: {  	_ =	shalt  }
0x4c: {  	_ =	shalt  }
0x4d: {  	_ =	shalt  }
0x4e: {  	_ =	shalt  }
0x4f: {  	_ =	shalt  }
0x50: {  	_ =	shalt  }
0x51: {  	_ =	shalt  }
0x52: {  	_ =	shalt  }
0x53: {  	_ =	shalt  }
0x54: {  	_ =	shalt  }
0x55: {  	_ =	shalt  }
0x56: {  	_ =	shalt  }
0x57: {  	_ =	shalt  }
0x58: {  	_ =	shalt  }
0x59: {  	_ =	shalt  }
0x5a: {  	_ =	shalt  }
0x5b: {  	_ =	shalt  }
0x5c: {  	_ =	shalt  }
0x5d: {  	_ =	shalt  }
0x5e: {  	_ =	shalt  }
0x5f: {  	_ =	shalt  }
0x60: {  	_ =	shalt  }
0x61: {  	_ =	shalt  }
0x62: {  	_ =	shalt  }
0x63: {  	_ =	shalt  }
0x64: {  	_ =	shalt  }
0x65: {  	_ =	shalt  }
0x66: {  	_ =	shalt  }
0x67: {  	_ =	shalt  }
0x68: {  	_ =	shalt  }
0x69: {  	_ =	shalt  }
0x6a: {  	_ =	shalt  }
0x6b: {  	_ =	shalt  }
0x6c: {  	_ =	shalt  }
0x6d: {  	_ =	shalt  }
0x6e: {  	_ =	shalt  }
0x6f: {  	_ =	shalt  }
0x70: {  	_ =	shalt  }
0x71: {  	_ =	shalt  }
0x72: {  	_ =	shalt  }
0x73: {  	_ =	shalt  }
0x74: {  	_ =	shalt  }
0x75: {  	_ =	shalt  }
0x76: {  	_ =	shalt  }
0x77: {  	_ =	shalt  }
0x78: {  	_ =	shalt  }
0x79: {  	_ =	shalt  }
0x7a: {  	_ =	shalt  }
0x7b: {  	_ =	shalt  }
0x7c: {  	_ =	shalt  }
0x7d: {  	_ =	shalt  }
0x7e: {  	_ =	shalt  }
0x7f: {  	_ =	shalt  }
0x80: {  	_ =	shalt  }
0x81: {  	_ =	shalt  }
0x82: {  	_ =	shalt  }
0x83: {  	_ =	shalt  }
0x84: {  	_ =	shalt  }
0x85: {  	_ =	shalt  }
0x86: {  	_ =	shalt  }
0x87: {  	_ =	shalt  }
.Lfunc_end0:
.L_simem_size_0:
called_computation_lowered:
.L_overlay_start_0:
0x88: {  	s2 =	sld [smem:$0x3FD9]  }
0x89: {  	s3 =	sld [smem:$0x3FFE];
	_ =	sdelay $0x1  }
0x8a: {  	s1 =	srdreg.scid  }
0x8b: {  	s0 =	sand.u32 $0x1, s1  }
0x8c: {  	s18 =	sshll.u32 s0, $0xA;
	s2 =	sadd.s32 s3, s2  }
0x8d: {  	s2 =	sadd.s32 s2, s18  }
0x8e: {  	[smem:$0x3FC6] =	sst s2  }
0x8f: {  	_ = 	snop  }
0x90: {  	s2 =	sld [smem:$0x3FC9]  }
0x91: {  	s19 =	sld [smem:$0x3FC8]  }
0x92: {  	s4 =	sld [smem:$0x3FD0];
	(tm) =	ssettm $0x1  }
0x93: {  	s5 =	sld [smem:$0x3FFB];
	_ =	sdelay $0x3  }
0x94: {  	_ =	strace s5  }
0x95: {  	s5 =	sld [smem:$0x3FFC];
	_ =	sdelay $0x3  }
0x96: {  	_ =	strace s5  }
0x97: {  	s5 =	sld [smem:$0x3FFD];
	_ =	sdelay $0x3  }
0x98: {  	_ =	strace s5  }
0x99: {  	_ =	strace $0x8FFFFFFF  }
0x9a: {  	s20 =	sld [smem:$0x3FDB];
	_ =	sdelay $0x1  }
0x9b: {  	s6 =	simm.s32 $_scs_section_size  }
0x9c: {  	s7 =	simm.s32 $_size__tile_overlayer_lowered;
	s8 =	simm.s32 $_tile_overlayer_lowered  }
0x9d: {  	s23 =	simm.s32 $0x1BFF;
	s22 =	sshll.u32 s8, $0x1;
	s5 =	sadd.s32 s6, s20  }
0x9e: {  	s9 =	simm.s32 $0x0;
	s21 =	sshll.u32 s7, $0x1;
	s7 =	sadd.s32 s22, s5  }
0x9f: {  	[timem:s9], [sflag:s23] =	dma.local [hbm:s7], s21  }
0xa0: {  	_ =	swait.ge [sflag:s23], s21  }
0xa1: {  	s6 =	ssub.s32 $0x0, s21;
	[sflag:s23] =	ssyncset.done $0x0  }
0xa2: {  	[sflag:s23] =	ssyncadd.s32 s6;
	_ =	sdelay $0x1  }
0xa3: {  	s24 =	simm.s32 $0x1B8B  }
0xa4: {  	_ =	swait.ge [sflag:s24], $0x1  }
0xa5: {  	[sflag:s24] =	ssyncset.done $0x0  }
0xa6: {  	s25 =	simm.s32 $0x1B8E;
	[sflag:s24] =	ssyncadd.s32 $0xFFFFFFFF  }
0xa7: {  	s26 =	simm.s32 $execute0_lowered;
	[smem:$0x3FD2] =	sst s25  }
0xa8: {  	s6 =	sshll.u32 s26, $0x1;
	_ =	strace $0x80000046;
	[dreg:$0x1] =	wrdreg $0xFFFFFFFF  }
0xa9: {  	s28 =	simm.s32 $_size_execute0_lowered;
	s5 =	sadd.s32 s5, s6;
	[dreg:$0x0] =	wrdreg $0x0  }
0xaa: {  	s6 =	sshll.u32 s28, $0x1;
	[dreg:$0x2] =	wrdreg s5  }
0xab: {  	[dreg:$0x3] =	wrdreg s6  }
0xac: {  	[dreg:$0x4] =	wrdreg $0xC0  }
0xad: {  	_ =	task [dreg:s9], $0x5FFFF  }
0xae: {  	[dreg:$0x1] =	wrdreg $0xFFFFFFFF  }
0xaf: {  	[dreg:$0x0] =	wrdreg $0x60  }
0xb0: {  	[dreg:$0x2] =	wrdreg s2  }
0xb1: {  	[dreg:$0x3] =	wrdreg s19  }
0xb2: {  	[dreg:$0x4] =	wrdreg s4  }
0xb3: {  	[dreg:$0x5] =	wrdreg $0x9  }
0xb4: {  	_ =	task.clear_ibuf [dreg:s9], $0x6FFFF;
	_ =	strace $0x90000046  }
0xb5: {  	s29 =	simm.s32 $0x9;
	_ =	strace $0x80000048  }
0xb6: {  	_ =	swait.ge [sflag:s29], $0x1  }
0xb7: {  	[sflag:s29] =	ssyncadd.s32 $0xFFFFFFFF  }
0xb8: {  	_ =	strace $0x90000048  }
0xb9: {  	_ =	sfence  }
0xba: {  	s30 =	sld [smem:$0x0];
	_ =	sdelay $0x2  }
0xbb: {  	s31 =	sshll.u32 s1, $0xD;
	s1 =	sshrl.u32 s1, $0x2  }
0xbc: {  	s3 =	sand.u32 $0x4000, s31;
	s1 =	sadd.s32 s1, s30  }
0xbd: {  	s0 =	sor.u32 s3, s0;
	s1 =	sshll.u32 s1, $0x11  }
0xbe: {  	s0 =	sor.u32 s1, s0  }
0xbf: {  	s0 =	sadd.s32 $0x8F2B, s0  }
0xc0: {  	[sflag:s0] =	ssyncadd.remote.s32 $0x1  }
0xc1: {  	_ =	sfence.sel $0xFFFF  }
0xc2: {  	[dreg:$0x0] =	wrdreg $0xFFFFFFFF;
	(pc) =	sbr.abs _section_cstart, $3  }
0xc3: {  	[dreg:$0x1] =	wrdreg $0xFFFFFFFF  }
0xc4: {  	_ =	task.clear_ibuf [dreg:s9], $0x2FFFF;
	_ =	strace $0x9FFFFFFF  }
0xc5: {  	(tm) =	ssettm $0x7FFFFFFF  }
tec
execute0_lowered:
.L_overlay_start_1:
0x0: {  	(tag) =	ssettag $0x1  }
0x1: {  	s1 =	srdreg.scid;
	s9 =	stileid.u32  }
0x2: {  	s0 =	rddreg [dreg:$0x0];
	s1 =	sand.u32 $0x1, s1;
	s4 =	sshll.u32 s9, $0x1  }
0x3: {  	s2 =	rddreg [dreg:$0x2];
	s4 =	sor.u32 s1, s4;
	s5 =	ssub.s32 $0x2, s1  }
0x4: {  	s3 =	simm.s32 $0x0;
	s6 =	smul.u32 $0xC80, s4;
	s7 =	sshrl.u32 s5, $0x1  }
0x5: {  	[smem:$0x7FF] =	sst s3;
	s29 =	smul.u32 $0x1900, s9;
	s5 =	ssub.s32 s5, s7  }
0x6: {  	_ =	strace $0x80000047;
	s6 =	sshrl.u32 s6, $0x3;
	s31 =	smax.u32 s5, $0x1  }
0x7: {  	s1 =	smul.u32 $0xC80, s1;
	s6 =	sadd.s32 s0, s6;
	[dreg:$0xe] =	wrdreg s31  }
0x8: {  	s8 =	smul.u32 $0x32000, s4;
	s0 =	sadd.s32 $0x3070, s0;
	[dreg:$0x6] =	wrdreg s6  }
0x9: {  	p0 =	seq.s32 s4, $0x1F;
	[dreg:$0x7] =	wrdreg s0  }
0xa: {  	s6 =	sadd.s32 s2, s8;
	s0 =	sadd.s32 s1, s29;
	s1 =	simm.s32 $0xC400  }
0xb: {  	s23 =	sadd.s32 $0x10, s6;
	s24 =	sadd.s32 $0x20, s6;
	s25 =	sadd.s32 $0x30, s6  }
0xc: {  	s26 =	sadd.s32 $0x40, s6;
	s28 =	sadd.s32 $0x50, s6;
	s30 =	sadd.s32 $0x60, s6  }
0xd: {  	s13 =	sadd.s32 $0x70, s6;
	s14 =	sadd.s32 $0x200, s6;
	[dreg:$0x8] =	wrdreg s23  }
0xe: {  	s15 =	sadd.s32 $0x210, s6;
	s16 =	sadd.s32 $0x220, s6;
	[dreg:$0x9] =	wrdreg s24  }
0xf: {  	s17 =	sadd.s32 $0x230, s6;
	s18 =	sadd.s32 $0x240, s6;
	[dreg:$0xa] =	wrdreg s25  }
0x10: {  	s19 =	sadd.s32 $0x250, s6;
	s0 =	sshll.u32 s0, $0x6;
	[dreg:$0xb] =	wrdreg s26  }
0x11: {  	s20 =	sadd.s32 $0x260, s6;
	s1 =	simm.s32 @!p0 $0x31C00;
	[dreg:$0xc] =	wrdreg s28  }
0x12: {  	s21 =	sadd.s32 $0x270, s6;
	[dreg:$0xd] =	wrdreg s30;
	s0 =	sadd.s32 s0, s2  }
0x13: {  	p0 =	sne.s32 s4, $0x1F;
	[dreg:$0x5] =	wrdreg s1;
	s0 =	sadd.s32 $0x400, s0  }
0x14: {  	s24 =	simm.s32 $0x2;
	s25 =	simm.s32 $0x0;
	[dreg:$0x4] =	wrdreg s0  }
.LBB2_1:
0x15: {  	s0 =	rddreg [dreg:$0x1]  }
0x16: {  	[tilespmem:s3], [sflag:$0x1] =	stream.linear.gather [hbm4b:s0+s3], $0xD000, $0x38;
	[tilespmem:$0xDD00] =	vst v63  }
0x17: {  	s1 =	simm.s32 @p0 $0xD000;
	s2 =	rddreg [dreg:$0x6];
	s0 =	simm.s32 @p0 $0x0  }
0x18: {  	[tilespmem:s1], [sflag:$0x3] =	stream.linear.gather @p0 [hbm4b:s2+s0], $0xC80, $0x38;
	[tilespmem:$0xDD00] =	vst v63  }
0x19: {  	s0 =	simm.s32 @p0 $0x3  }
0x1a: {  	_ =	swait.ge @p0 [sflag:s0], $0xC80  }
0x1b: {  	s1 =	simm.s32 @!p0 $0xD000;
	[sflag:s0] =	ssyncset.done @p0 $0x0  }
0x1c: {  	s2 =	rddreg [dreg:$0x7];
	[sflag:s0] =	ssyncadd.s32 @p0 $0xFFFFF380;
	s0 =	simm.s32 @!p0 $0x0  }
0x1d: {  	[tilespmem:s1], [sflag:$0x3] =	stream.linear.gather @!p0 [hbm4b:s2+s0], $0x320, $0x38;
	[tilespmem:$0xDD00] =	vst v63  }
0x1e: {  	s0 =	simm.s32 @!p0 $0x3  }
0x1f: {  	_ =	swait.ge @!p0 [sflag:s0], $0x320  }
0x20: {  	[sflag:s0] =	ssyncset.done @!p0 $0x0  }
0x21: {  	s7 =	simm.s32 $0x1;
	[sflag:s0] =	ssyncadd.s32 @!p0 $0xFFFFFCE0  }
0x22: {  	_ =	swait.ge [sflag:s7], $0xD000  }
0x23: {  	[sflag:s7] =	ssyncset.done $0x0  }
0x24: {  	[sflag:s7] =	ssyncadd.s32 $0xFFFF3000  }
0x25: {  	v0 =	vld [tilespmem:$0xD000];
	_ =	sdelay $0x4  }
0x26: {  	(v2sf) =	vpush v0, $0x0;
	_ =	sdelay $0xe  }
0x27: {  	s8 =	spop (v2sf)  }
0x28: {  	s9 =	sshll.u32 s8, $0x9;
	s0 =	sshll.u32 s8, $0x7  }
0x29: {  	s1 =	sand.u32 $0xFFFFF000, s9;
	s0 =	sand.u32 $0x380, s0  }
0x2a: {  	s0 =	sor.u32 s0, s1  }
0x2b: {  	[hbm4b:s6+s3] =	stream.linear.scatter [tilespmem:s0], [sflag:$0x2], $0x80, $0x38;
	[tilespmem:$0xDD00] =	vst v63  }
0x2c: {  	s10 =	sadd.s32 $0x80, s6;
	s1 =	sor.u32 $0x400, s0  }
0x2d: {  	[hbm4b:s10+s3] =	stream.linear.scatter [tilespmem:s1], [sflag:$0x2], $0x80, $0x38;
	[tilespmem:$0xDD00] =	vst v63  }
0x2e: {  	s12 =	sadd.s32 $0x100, s6;
	s11 =	sor.u32 $0x800, s0  }
0x2f: {  	[hbm4b:s12+s3] =	stream.linear.scatter [tilespmem:s11], [sflag:$0x2], $0x80, $0x38;
	[tilespmem:$0xDD00] =	vst v63  }
0x30: {  	s22 =	sadd.s32 $0x180, s6;
	s0 =	sor.u32 $0xC00, s0  }
0x31: {  	[hbm4b:s22+s3] =	stream.linear.scatter [tilespmem:s0], [sflag:$0x2], $0x80, $0x38;
	[tilespmem:$0xDD00] =	vst v63  }
0x32: {  	v48 =	vld [tilespmem:$0xD001];
	_ =	sdelay $0x4  }
0x33: {  	(v2sf) =	vpush v48, $0x0;
	_ =	sdelay $0xe  }
0x34: {  	s23 =	spop (v2sf)  }
0x35: {  	s26 =	sshll.u32 s23, $0x9;
	s0 =	sshll.u32 s23, $0x7  }
0x36: {  	s1 =	sand.u32 $0xFFFFF000, s26;
	s0 =	sand.u32 $0x380, s0  }
0x37: {  	s4 =	rddreg [dreg:$0x8];
	s0 =	sor.u32 s0, s1  }
0x38: {  	[hbm4b:s4+s3] =	stream.linear.scatter [tilespmem:s0], [sflag:$0x2], $0x80, $0x38;
	[tilespmem:$0xDD00] =	vst v63  }
0x39: {  	s29 =	sadd.s32 $0x80, s4;
	s1 =	sor.u32 $0x400, s0  }
0x3a: {  	[hbm4b:s29+s3] =	stream.linear.scatter [tilespmem:s1], [sflag:$0x2], $0x80, $0x38;
	[tilespmem:$0xDD00] =	vst v63  }
0x3b: {  	s31 =	sadd.s32 $0x100, s4;
	s30 =	sor.u32 $0x800, s0  }
0x3c: {  	[hbm4b:s31+s3] =	stream.linear.scatter [tilespmem:s30], [sflag:$0x2], $0x80, $0x38;
	[tilespmem:$0xDD00] =	vst v63  }
0x3d: {  	s0 =	sor.u32 $0xC00, s0;
	s4 =	sadd.s32 $0x180, s4  }
0x3e: {  	[hbm4b:s4+s3] =	stream.linear.scatter [tilespmem:s0], [sflag:$0x2], $0x80, $0x38;
	[tilespmem:$0xDD00] =	vst v63  }
0x3f: {  	v49 =	vld [tilespmem:$0xD002];
	_ =	sdelay $0x4  }
0x40: {  	(v2sf) =	vpush v49, $0x0;
	_ =	sdelay $0xe  }
0x41: {  	s5 =	spop (v2sf)  }
0x42: {  	s7 =	sshll.u32 s5, $0x9;
	s0 =	sshll.u32 s5, $0x7  }
0x43: {  	s1 =	sand.u32 $0xFFFFF000, s7;
	s0 =	sand.u32 $0x380, s0  }
0x44: {  	s8 =	rddreg [dreg:$0x9];
	s0 =	sor.u32 s0, s1  }
0x45: {  	[hbm4b:s8+s3] =	stream.linear.scatter [tilespmem:s0], [sflag:$0x2], $0x80, $0x38;
	[tilespmem:$0xDD00] =	vst v63  }
0x46: {  	s9 =	sadd.s32 $0x80, s8;
	s1 =	sor.u32 $0x400, s0  }
0x47: {  	[hbm4b:s9+s3] =	stream.linear.scatter [tilespmem:s1], [sflag:$0x2], $0x80, $0x38;
	[tilespmem:$0xDD00] =	vst v63  }
0x48: {  	s11 =	sadd.s32 $0x100, s8;
	s10 =	sor.u32 $0x800, s0  }
0x49: {  	[hbm4b:s11+s3] =	stream.linear.scatter [tilespmem:s10], [sflag:$0x2], $0x80, $0x38;
	[tilespmem:$0xDD00] =	vst v63  }
0x4a: {  	s12 =	sadd.s32 $0x180, s8;
	s0 =	sor.u32 $0xC00, s0  }
0x4b: {  	[hbm4b:s12+s3] =	stream.linear.scatter [tilespmem:s0], [sflag:$0x2], $0x80, $0x38;
	[tilespmem:$0xDD00] =	vst v63  }
0x4c: {  	v50 =	vld [tilespmem:$0xD003];
	_ =	sdelay $0x4  }
0x4d: {  	(v2sf) =	vpush v50, $0x0;
	_ =	sdelay $0xe  }
0x4e: {  	s22 =	spop (v2sf)  }
0x4f: {  	s23 =	sshll.u32 s22, $0x9;
	s0 =	sshll.u32 s22, $0x7  }
0x50: {  	s1 =	sand.u32 $0xFFFFF000, s23;
	s0 =	sand.u32 $0x380, s0  }
0x51: {  	s26 =	rddreg [dreg:$0xa];
	s0 =	sor.u32 s0, s1  }
0x52: {  	[hbm4b:s26+s3] =	stream.linear.scatter [tilespmem:s0], [sflag:$0x2], $0x80, $0x38;
	[tilespmem:$0xDD00] =	vst v63  }
0x53: {  	s29 =	sadd.s32 $0x80, s26;
	s1 =	sor.u32 $0x400, s0  }
0x54: {  	[hbm4b:s29+s3] =	stream.linear.scatter [tilespmem:s1], [sflag:$0x2], $0x80, $0x38;
	[tilespmem:$0xDD00] =	vst v63  }
0x55: {  	s31 =	sadd.s32 $0x100, s26;
	s30 =	sor.u32 $0x800, s0  }
0x56: {  	[hbm4b:s31+s3] =	stream.linear.scatter [tilespmem:s30], [sflag:$0x2], $0x80, $0x38;
	[tilespmem:$0xDD00] =	vst v63  }
0x57: {  	s4 =	sadd.s32 $0x180, s26;
	s0 =	sor.u32 $0xC00, s0  }
0x58: {  	[hbm4b:s4+s3] =	stream.linear.scatter [tilespmem:s0], [sflag:$0x2], $0x80, $0x38;
	[tilespmem:$0xDD00] =	vst v63  }
0x59: {  	v51 =	vld [tilespmem:$0xD004];
	_ =	sdelay $0x4  }
0x5a: {  	(v2sf) =	vpush v51, $0x0;
	_ =	sdelay $0xe  }
0x5b: {  	s5 =	spop (v2sf)  }
0x5c: {  	s7 =	sshll.u32 s5, $0x9;
	s0 =	sshll.u32 s5, $0x7  }
0x5d: {  	s1 =	sand.u32 $0xFFFFF000, s7;
	s0 =	sand.u32 $0x380, s0  }
0x5e: {  	s8 =	rddreg [dreg:$0xb];
	s0 =	sor.u32 s0, s1  }
0x5f: {  	[hbm4b:s8+s3] =	stream.linear.scatter [tilespmem:s0], [sflag:$0x2], $0x80, $0x38;
	[tilespmem:$0xDD00] =	vst v63  }
0x60: {  	s9 =	sadd.s32 $0x80, s8;
	s1 =	sor.u32 $0x400, s0  }
0x61: {  	[hbm4b:s9+s3] =	stream.linear.scatter [tilespmem:s1], [sflag:$0x2], $0x80, $0x38;
	[tilespmem:$0xDD00] =	vst v63  }
0x62: {  	s11 =	sadd.s32 $0x100, s8;
	s10 =	sor.u32 $0x800, s0  }
0x63: {  	[hbm4b:s11+s3] =	stream.linear.scatter [tilespmem:s10], [sflag:$0x2], $0x80, $0x38;
	[tilespmem:$0xDD00] =	vst v63  }
0x64: {  	s12 =	sadd.s32 $0x180, s8;
	s0 =	sor.u32 $0xC00, s0  }
0x65: {  	[hbm4b:s12+s3] =	stream.linear.scatter [tilespmem:s0], [sflag:$0x2], $0x80, $0x38;
	[tilespmem:$0xDD00] =	vst v63  }
0x66: {  	v52 =	vld [tilespmem:$0xD005];
	_ =	sdelay $0x4  }
0x67: {  	(v2sf) =	vpush v52, $0x0;
	_ =	sdelay $0xe  }
0x68: {  	s22 =	spop (v2sf)  }
0x69: {  	s23 =	sshll.u32 s22, $0x9;
	s0 =	sshll.u32 s22, $0x7  }
0x6a: {  	s1 =	sand.u32 $0xFFFFF000, s23;
	s0 =	sand.u32 $0x380, s0  }
0x6b: {  	s26 =	rddreg [dreg:$0xc];
	s0 =	sor.u32 s0, s1  }
0x6c: {  	[hbm4b:s26+s3] =	stream.linear.scatter [tilespmem:s0], [sflag:$0x2], $0x80, $0x38;
	[tilespmem:$0xDD00] =	vst v63  }
0x6d: {  	s29 =	sadd.s32 $0x80, s26;
	s1 =	sor.u32 $0x400, s0  }
0x6e: {  	[hbm4b:s29+s3] =	stream.linear.scatter [tilespmem:s1], [sflag:$0x2], $0x80, $0x38;
	[tilespmem:$0xDD00] =	vst v63  }
0x6f: {  	s31 =	sadd.s32 $0x100, s26;
	s30 =	sor.u32 $0x800, s0  }
0x70: {  	[hbm4b:s31+s3] =	stream.linear.scatter [tilespmem:s30], [sflag:$0x2], $0x80, $0x38;
	[tilespmem:$0xDD00] =	vst v63  }
0x71: {  	s4 =	sadd.s32 $0x180, s26;
	s0 =	sor.u32 $0xC00, s0  }
0x72: {  	[hbm4b:s4+s3] =	stream.linear.scatter [tilespmem:s0], [sflag:$0x2], $0x80, $0x38;
	[tilespmem:$0xDD00] =	vst v63  }
0x73: {  	v53 =	vld [tilespmem:$0xD006];
	_ =	sdelay $0x4  }
0x74: {  	(v2sf) =	vpush v53, $0x0;
	_ =	sdelay $0xe  }
0x75: {  	s5 =	spop (v2sf)  }
0x76: {  	s7 =	sshll.u32 s5, $0x9;
	s0 =	sshll.u32 s5, $0x7  }
0x77: {  	s1 =	sand.u32 $0xFFFFF000, s7;
	s0 =	sand.u32 $0x380, s0  }
0x78: {  	s8 =	rddreg [dreg:$0xd];
	s0 =	sor.u32 s0, s1  }
0x79: {  	[hbm4b:s8+s3] =	stream.linear.scatter [tilespmem:s0], [sflag:$0x2], $0x80, $0x38;
	[tilespmem:$0xDD00] =	vst v63  }
0x7a: {  	s9 =	sadd.s32 $0x80, s8;
	s1 =	sor.u32 $0x400, s0  }
0x7b: {  	[hbm4b:s9+s3] =	stream.linear.scatter [tilespmem:s1], [sflag:$0x2], $0x80, $0x38;
	[tilespmem:$0xDD00] =	vst v63  }
0x7c: {  	s11 =	sadd.s32 $0x100, s8;
	s10 =	sor.u32 $0x800, s0  }
0x7d: {  	[hbm4b:s11+s3] =	stream.linear.scatter [tilespmem:s10], [sflag:$0x2], $0x80, $0x38;
	[tilespmem:$0xDD00] =	vst v63  }
0x7e: {  	s12 =	sadd.s32 $0x180, s8;
	s0 =	sor.u32 $0xC00, s0  }
0x7f: {  	[hbm4b:s12+s3] =	stream.linear.scatter [tilespmem:s0], [sflag:$0x2], $0x80, $0x38;
	[tilespmem:$0xDD00] =	vst v63  }
0x80: {  	v54 =	vld [tilespmem:$0xD007];
	_ =	sdelay $0x4  }
0x81: {  	(v2sf) =	vpush v54, $0x0;
	_ =	sdelay $0xe  }
0x82: {  	s22 =	spop (v2sf)  }
0x83: {  	s23 =	sshll.u32 s22, $0x9;
	s0 =	sshll.u32 s22, $0x7  }
0x84: {  	s1 =	sand.u32 $0xFFFFF000, s23;
	s0 =	sand.u32 $0x380, s0  }
0x85: {  	s0 =	sor.u32 s0, s1  }
0x86: {  	[hbm4b:s13+s3] =	stream.linear.scatter [tilespmem:s0], [sflag:$0x2], $0x80, $0x38;
	[tilespmem:$0xDD00] =	vst v63  }
0x87: {  	s26 =	sadd.s32 $0x80, s13;
	s1 =	sor.u32 $0x400, s0  }
0x88: {  	[hbm4b:s26+s3] =	stream.linear.scatter [tilespmem:s1], [sflag:$0x2], $0x80, $0x38;
	[tilespmem:$0xDD00] =	vst v63  }
0x89: {  	s30 =	sadd.s32 $0x100, s13;
	s29 =	sor.u32 $0x800, s0  }
0x8a: {  	[hbm4b:s30+s3] =	stream.linear.scatter [tilespmem:s29], [sflag:$0x2], $0x80, $0x38;
	[tilespmem:$0xDD00] =	vst v63  }
0x8b: {  	s31 =	sadd.s32 $0x180, s13;
	s0 =	sor.u32 $0xC00, s0  }
0x8c: {  	[hbm4b:s31+s3] =	stream.linear.scatter [tilespmem:s0], [sflag:$0x2], $0x80, $0x38;
	[tilespmem:$0xDD00] =	vst v63  }
0x8d: {  	v55 =	vld [tilespmem:$0xD008];
	_ =	sdelay $0x4  }
0x8e: {  	(v2sf) =	vpush v55, $0x0;
	_ =	sdelay $0xe  }
0x8f: {  	s2 =	spop (v2sf)  }
0x90: {  	s4 =	sshll.u32 s2, $0x9;
	s0 =	sshll.u32 s2, $0x7  }
0x91: {  	s1 =	sand.u32 $0xFFFFF000, s4;
	s0 =	sand.u32 $0x380, s0  }
0x92: {  	s0 =	sor.u32 s0, s1  }
0x93: {  	[hbm4b:s14+s3] =	stream.linear.scatter [tilespmem:s0], [sflag:$0x2], $0x80, $0x38;
	[tilespmem:$0xDD00] =	vst v63  }
0x94: {  	s5 =	sadd.s32 $0x80, s14;
	s1 =	sor.u32 $0x400, s0  }
0x95: {  	[hbm4b:s5+s3] =	stream.linear.scatter [tilespmem:s1], [sflag:$0x2], $0x80, $0x38;
	[tilespmem:$0xDD00] =	vst v63  }
0x96: {  	s8 =	sadd.s32 $0x100, s14;
	s7 =	sor.u32 $0x800, s0  }
0x97: {  	[hbm4b:s8+s3] =	stream.linear.scatter [tilespmem:s7], [sflag:$0x2], $0x80, $0x38;
	[tilespmem:$0xDD00] =	vst v63  }
0x98: {  	s9 =	sadd.s32 $0x180, s14;
	s0 =	sor.u32 $0xC00, s0  }
0x99: {  	[hbm4b:s9+s3] =	stream.linear.scatter [tilespmem:s0], [sflag:$0x2], $0x80, $0x38;
	[tilespmem:$0xDD00] =	vst v63  }
0x9a: {  	v56 =	vld [tilespmem:$0xD009];
	_ =	sdelay $0x4  }
0x9b: {  	(v2sf) =	vpush v56, $0x0;
	_ =	sdelay $0xe  }
0x9c: {  	s10 =	spop (v2sf)  }
0x9d: {  	s11 =	sshll.u32 s10, $0x9;
	s0 =	sshll.u32 s10, $0x7  }
0x9e: {  	s1 =	sand.u32 $0xFFFFF000, s11;
	s0 =	sand.u32 $0x380, s0  }
0x9f: {  	s0 =	sor.u32 s0, s1  }
0xa0: {  	[hbm4b:s15+s3] =	stream.linear.scatter [tilespmem:s0], [sflag:$0x2], $0x80, $0x38;
	[tilespmem:$0xDD00] =	vst v63  }
0xa1: {  	s12 =	sadd.s32 $0x80, s15;
	s1 =	sor.u32 $0x400, s0  }
0xa2: {  	[hbm4b:s12+s3] =	stream.linear.scatter [tilespmem:s1], [sflag:$0x2], $0x80, $0x38;
	[tilespmem:$0xDD00] =	vst v63  }
0xa3: {  	s23 =	sadd.s32 $0x100, s15;
	s22 =	sor.u32 $0x800, s0  }
0xa4: {  	[hbm4b:s23+s3] =	stream.linear.scatter [tilespmem:s22], [sflag:$0x2], $0x80, $0x38;
	[tilespmem:$0xDD00] =	vst v63  }
0xa5: {  	s26 =	sadd.s32 $0x180, s15;
	s0 =	sor.u32 $0xC00, s0  }
0xa6: {  	[hbm4b:s26+s3] =	stream.linear.scatter [tilespmem:s0], [sflag:$0x2], $0x80, $0x38;
	[tilespmem:$0xDD00] =	vst v63  }
0xa7: {  	v57 =	vld [tilespmem:$0xD00A];
	_ =	sdelay $0x4  }
0xa8: {  	(v2sf) =	vpush v57, $0x0;
	_ =	sdelay $0xe  }
0xa9: {  	s29 =	spop (v2sf)  }
0xaa: {  	s30 =	sshll.u32 s29, $0x9;
	s0 =	sshll.u32 s29, $0x7  }
0xab: {  	s1 =	sand.u32 $0xFFFFF000, s30;
	s0 =	sand.u32 $0x380, s0  }
0xac: {  	s0 =	sor.u32 s0, s1  }
0xad: {  	[hbm4b:s16+s3] =	stream.linear.scatter [tilespmem:s0], [sflag:$0x2], $0x80, $0x38;
	[tilespmem:$0xDD00] =	vst v63  }
0xae: {  	s31 =	sadd.s32 $0x80, s16;
	s1 =	sor.u32 $0x400, s0  }
0xaf: {  	[hbm4b:s31+s3] =	stream.linear.scatter [tilespmem:s1], [sflag:$0x2], $0x80, $0x38;
	[tilespmem:$0xDD00] =	vst v63  }
0xb0: {  	s4 =	sadd.s32 $0x100, s16;
	s2 =	sor.u32 $0x800, s0  }
0xb1: {  	[hbm4b:s4+s3] =	stream.linear.scatter [tilespmem:s2], [sflag:$0x2], $0x80, $0x38;
	[tilespmem:$0xDD00] =	vst v63  }
0xb2: {  	s5 =	sadd.s32 $0x180, s16;
	s0 =	sor.u32 $0xC00, s0  }
0xb3: {  	[hbm4b:s5+s3] =	stream.linear.scatter [tilespmem:s0], [sflag:$0x2], $0x80, $0x38;
	[tilespmem:$0xDD00] =	vst v63  }
0xb4: {  	v58 =	vld [tilespmem:$0xD00B];
	_ =	sdelay $0x4  }
0xb5: {  	(v2sf) =	vpush v58, $0x0;
	_ =	sdelay $0xe  }
0xb6: {  	s7 =	spop (v2sf)  }
0xb7: {  	s8 =	sshll.u32 s7, $0x9;
	s0 =	sshll.u32 s7, $0x7  }
0xb8: {  	s1 =	sand.u32 $0xFFFFF000, s8;
	s0 =	sand.u32 $0x380, s0  }
0xb9: {  	s0 =	sor.u32 s0, s1  }
0xba: {  	[hbm4b:s17+s3] =	stream.linear.scatter [tilespmem:s0], [sflag:$0x2], $0x80, $0x38;
	[tilespmem:$0xDD00] =	vst v63  }
0xbb: {  	s9 =	sadd.s32 $0x80, s17;
	s1 =	sor.u32 $0x400, s0  }
0xbc: {  	[hbm4b:s9+s3] =	stream.linear.scatter [tilespmem:s1], [sflag:$0x2], $0x80, $0x38;
	[tilespmem:$0xDD00] =	vst v63  }
0xbd: {  	s11 =	sadd.s32 $0x100, s17;
	s10 =	sor.u32 $0x800, s0  }
0xbe: {  	[hbm4b:s11+s3] =	stream.linear.scatter [tilespmem:s10], [sflag:$0x2], $0x80, $0x38;
	[tilespmem:$0xDD00] =	vst v63  }
0xbf: {  	s12 =	sadd.s32 $0x180, s17;
	s0 =	sor.u32 $0xC00, s0  }
0xc0: {  	[hbm4b:s12+s3] =	stream.linear.scatter [tilespmem:s0], [sflag:$0x2], $0x80, $0x38;
	[tilespmem:$0xDD00] =	vst v63  }
0xc1: {  	v59 =	vld [tilespmem:$0xD00C];
	_ =	sdelay $0x4  }
0xc2: {  	(v2sf) =	vpush v59, $0x0;
	_ =	sdelay $0xe  }
0xc3: {  	s22 =	spop (v2sf)  }
0xc4: {  	s23 =	sshll.u32 s22, $0x9;
	s0 =	sshll.u32 s22, $0x7  }
0xc5: {  	s1 =	sand.u32 $0xFFFFF000, s23;
	s0 =	sand.u32 $0x380, s0  }
0xc6: {  	s0 =	sor.u32 s0, s1  }
0xc7: {  	[hbm4b:s18+s3] =	stream.linear.scatter [tilespmem:s0], [sflag:$0x2], $0x80, $0x38;
	[tilespmem:$0xDD00] =	vst v63  }
0xc8: {  	s26 =	sadd.s32 $0x80, s18;
	s1 =	sor.u32 $0x400, s0  }
0xc9: {  	[hbm4b:s26+s3] =	stream.linear.scatter [tilespmem:s1], [sflag:$0x2], $0x80, $0x38;
	[tilespmem:$0xDD00] =	vst v63  }
0xca: {  	s30 =	sadd.s32 $0x100, s18;
	s29 =	sor.u32 $0x800, s0  }
0xcb: {  	[hbm4b:s30+s3] =	stream.linear.scatter [tilespmem:s29], [sflag:$0x2], $0x80, $0x38;
	[tilespmem:$0xDD00] =	vst v63  }
0xcc: {  	s31 =	sadd.s32 $0x180, s18;
	s0 =	sor.u32 $0xC00, s0  }
0xcd: {  	[hbm4b:s31+s3] =	stream.linear.scatter [tilespmem:s0], [sflag:$0x2], $0x80, $0x38;
	[tilespmem:$0xDD00] =	vst v63  }
0xce: {  	v60 =	vld [tilespmem:$0xD00D];
	_ =	sdelay $0x4  }
0xcf: {  	(v2sf) =	vpush v60, $0x0;
	_ =	sdelay $0xe  }
0xd0: {  	s2 =	spop (v2sf)  }
0xd1: {  	s4 =	sshll.u32 s2, $0x9;
	s0 =	sshll.u32 s2, $0x7  }
0xd2: {  	s1 =	sand.u32 $0xFFFFF000, s4;
	s0 =	sand.u32 $0x380, s0  }
0xd3: {  	s0 =	sor.u32 s0, s1  }
0xd4: {  	[hbm4b:s19+s3] =	stream.linear.scatter [tilespmem:s0], [sflag:$0x2], $0x80, $0x38;
	[tilespmem:$0xDD00] =	vst v63  }
0xd5: {  	s5 =	sadd.s32 $0x80, s19;
	s1 =	sor.u32 $0x400, s0  }
0xd6: {  	[hbm4b:s5+s3] =	stream.linear.scatter [tilespmem:s1], [sflag:$0x2], $0x80, $0x38;
	[tilespmem:$0xDD00] =	vst v63  }
0xd7: {  	s8 =	sadd.s32 $0x100, s19;
	s7 =	sor.u32 $0x800, s0  }
0xd8: {  	[hbm4b:s8+s3] =	stream.linear.scatter [tilespmem:s7], [sflag:$0x2], $0x80, $0x38;
	[tilespmem:$0xDD00] =	vst v63  }
0xd9: {  	s9 =	sadd.s32 $0x180, s19;
	s0 =	sor.u32 $0xC00, s0  }
0xda: {  	[hbm4b:s9+s3] =	stream.linear.scatter [tilespmem:s0], [sflag:$0x2], $0x80, $0x38;
	[tilespmem:$0xDD00] =	vst v63  }
0xdb: {  	v61 =	vld [tilespmem:$0xD00E];
	_ =	sdelay $0x4  }
0xdc: {  	(v2sf) =	vpush v61, $0x0;
	_ =	sdelay $0xe  }
0xdd: {  	s10 =	spop (v2sf)  }
0xde: {  	s11 =	sshll.u32 s10, $0x9;
	s0 =	sshll.u32 s10, $0x7  }
0xdf: {  	s1 =	sand.u32 $0xFFFFF000, s11;
	s0 =	sand.u32 $0x380, s0  }
0xe0: {  	s0 =	sor.u32 s0, s1  }
0xe1: {  	[hbm4b:s20+s3] =	stream.linear.scatter [tilespmem:s0], [sflag:$0x2], $0x80, $0x38;
	[tilespmem:$0xDD00] =	vst v63  }
0xe2: {  	s12 =	sadd.s32 $0x80, s20;
	s1 =	sor.u32 $0x400, s0  }
0xe3: {  	[hbm4b:s12+s3] =	stream.linear.scatter [tilespmem:s1], [sflag:$0x2], $0x80, $0x38;
	[tilespmem:$0xDD00] =	vst v63  }
0xe4: {  	s23 =	sadd.s32 $0x100, s20;
	s22 =	sor.u32 $0x800, s0  }
0xe5: {  	[hbm4b:s23+s3] =	stream.linear.scatter [tilespmem:s22], [sflag:$0x2], $0x80, $0x38;
	[tilespmem:$0xDD00] =	vst v63  }
0xe6: {  	s26 =	sadd.s32 $0x180, s20;
	s0 =	sor.u32 $0xC00, s0  }
0xe7: {  	[hbm4b:s26+s3] =	stream.linear.scatter [tilespmem:s0], [sflag:$0x2], $0x80, $0x38;
	[tilespmem:$0xDD00] =	vst v63  }
0xe8: {  	v62 =	vld [tilespmem:$0xD00F];
	_ =	sdelay $0x4  }
0xe9: {  	(v2sf) =	vpush v62, $0x0;
	_ =	sdelay $0xe  }
0xea: {  	s29 =	spop (v2sf)  }
0xeb: {  	s30 =	sshll.u32 s29, $0x9;
	s0 =	sshll.u32 s29, $0x7  }
0xec: {  	s1 =	sand.u32 $0xFFFFF000, s30;
	s0 =	sand.u32 $0x380, s0  }
0xed: {  	s0 =	sor.u32 s0, s1  }
0xee: {  	[hbm4b:s21+s3] =	stream.linear.scatter [tilespmem:s0], [sflag:$0x2], $0x80, $0x38;
	[tilespmem:$0xDD00] =	vst v63  }
0xef: {  	s31 =	sadd.s32 $0x80, s21;
	s1 =	sor.u32 $0x400, s0  }
0xf0: {  	[hbm4b:s31+s3] =	stream.linear.scatter [tilespmem:s1], [sflag:$0x2], $0x80, $0x38;
	[tilespmem:$0xDD00] =	vst v63  }
0xf1: {  	s4 =	sadd.s32 $0x100, s21;
	s2 =	sor.u32 $0x800, s0  }
0xf2: {  	[hbm4b:s4+s3] =	stream.linear.scatter [tilespmem:s2], [sflag:$0x2], $0x80, $0x38;
	[tilespmem:$0xDD00] =	vst v63  }
0xf3: {  	s5 =	sadd.s32 $0x180, s21;
	s7 =	simm.s32 $0xD010;
	s0 =	sor.u32 $0xC00, s0  }
0xf4: {  	[hbm4b:s5+s3] =	stream.linear.scatter [tilespmem:s0], [sflag:$0x2], $0x80, $0x38;
	[tilespmem:$0xDD00] =	vst v63  }
0xf5: {  	v63 =	vld [tilespmem:s7+$0x0];
	_ =	sdelay $0x4  }
0xf6: {  	(v2sf) =	vpush v63, $0x1  }
0xf7: {  	(v2sf) =	vpush v63, $0x0;
	_ =	sdelay $0x8  }
0xf8: {  	(v2sf) =	vpush v63, $0x2;
	_ =	sdelay $0x3  }
0xf9: {  	_ =	swait.ge [sflag:s24], $0x200  }
0xfa: {  	s8 =	spop (v2sf)  }
0xfb: {  	s10 =	spop (v2sf)  }
0xfc: {  	s9 =	rddreg [dreg:$0x4];
	s11 =	sshll.u32 s10, $0x9;
	s2 =	sshll.u32 s10, $0x7  }
0xfd: {  	[sflag:s24] =	ssyncset.done $0x0;
	s4 =	sand.u32 $0xFFFFF000, s11;
	s2 =	sand.u32 $0x380, s2  }
0xfe: {  	[sflag:s24] =	ssyncadd.s32 $0xFFFFFE00;
	s28 =	sadd.s32 $0x0, s9;
	s12 =	sor.u32 s2, s4  }
0xff: {  	(v2sf) =	vpush v63, $0x3;
	[hbm4b:s28+s3] =	stream.linear.scatter [tilespmem:s12], [sflag:$0x2], $0x80, $0x38;
	[tilespmem:$0xDD00] =	vst v63  }
0x100: {  	s22 =	sadd.s32 $0x80, s28;
	s2 =	sor.u32 $0x400, s12  }
0x101: {  	[hbm4b:s22+s3] =	stream.linear.scatter [tilespmem:s2], [sflag:$0x2], $0x80, $0x38;
	[tilespmem:$0xDD00] =	vst v63  }
0x102: {  	s26 =	sadd.s32 $0x100, s28;
	s23 =	sor.u32 $0x800, s12  }
0x103: {  	[hbm4b:s26+s3] =	stream.linear.scatter [tilespmem:s23], [sflag:$0x2], $0x80, $0x38;
	[tilespmem:$0xDD00] =	vst v63  }
0x104: {  	s30 =	sadd.s32 $0x180, s28;
	s29 =	spop (v2sf);
	s1 =	sor.u32 $0xC00, s12  }
0x105: {  	(v2sf) =	vpush v63, $0x4;
	[hbm4b:s30+s3] =	stream.linear.scatter [tilespmem:s1], [sflag:$0x2], $0x80, $0x38;
	[tilespmem:$0xDD00] =	vst v63  }
0x106: {  	s31 =	sshll.u32 s8, $0x9;
	s0 =	sshll.u32 s8, $0x7;
	_ =	swait.ge [sflag:s24], $0x200  }
0x107: {  	s0 =	sand.u32 $0x380, s0;
	s1 =	sand.u32 $0xFFFFF000, s31;
	[sflag:s24] =	ssyncset.done $0x0  }
0x108: {  	s4 =	sadd.s32 $0x10, s28;
	s0 =	sor.u32 s0, s1;
	[sflag:s24] =	ssyncadd.s32 $0xFFFFFE00  }
0x109: {  	(v2sf) =	vpush v63, $0x5;
	[hbm4b:s4+s3] =	stream.linear.scatter [tilespmem:s0], [sflag:$0x2], $0x80, $0x38;
	[tilespmem:$0xDD00] =	vst v63  }
0x10a: {  	s7 =	sadd.s32 $0x90, s28;
	s5 =	sor.u32 $0x400, s0  }
0x10b: {  	[hbm4b:s7+s3] =	stream.linear.scatter [tilespmem:s5], [sflag:$0x2], $0x80, $0x38;
	[tilespmem:$0xDD00] =	vst v63  }
0x10c: {  	s9 =	sadd.s32 $0x110, s28;
	s8 =	sor.u32 $0x800, s0  }
0x10d: {  	[hbm4b:s9+s3] =	stream.linear.scatter [tilespmem:s8], [sflag:$0x2], $0x80, $0x38;
	[tilespmem:$0xDD00] =	vst v63  }
0x10e: {  	s11 =	sadd.s32 $0x190, s28;
	s10 =	spop (v2sf);
	s0 =	sor.u32 $0xC00, s0  }
0x10f: {  	[hbm4b:s11+s3] =	stream.linear.scatter [tilespmem:s0], [sflag:$0x2], $0x80, $0x38;
	[tilespmem:$0xDD00] =	vst v63  }
0x110: {  	s12 =	sshll.u32 s29, $0x9;
	s2 =	sshll.u32 s29, $0x7;
	_ =	swait.ge [sflag:s24], $0x200  }
0x111: {  	s2 =	sand.u32 $0x380, s2;
	s0 =	sand.u32 $0xFFFFF000, s12;
	[sflag:s24] =	ssyncset.done $0x0  }
0x112: {  	s22 =	sadd.s32 $0x20, s28;
	s0 =	sor.u32 s2, s0;
	[sflag:s24] =	ssyncadd.s32 $0xFFFFFE00  }
0x113: {  	(v2sf) =	vpush v63, $0x6;
	[hbm4b:s22+s3] =	stream.linear.scatter [tilespmem:s0], [sflag:$0x2], $0x80, $0x38;
	[tilespmem:$0xDD00] =	vst v63  }
0x114: {  	s26 =	sadd.s32 $0xA0, s28;
	s23 =	sor.u32 $0x400, s0  }
0x115: {  	[hbm4b:s26+s3] =	stream.linear.scatter [tilespmem:s23], [sflag:$0x2], $0x80, $0x38;
	[tilespmem:$0xDD00] =	vst v63  }
0x116: {  	s5 =	sadd.s32 $0x120, s28;
	s29 =	spop (v2sf);
	s30 =	sor.u32 $0x800, s0  }
0x117: {  	[hbm4b:s5+s3] =	stream.linear.scatter [tilespmem:s30], [sflag:$0x2], $0x80, $0x38;
	[tilespmem:$0xDD00] =	vst v63  }
0x118: {  	s31 =	sadd.s32 $0x1A0, s28;
	s0 =	sor.u32 $0xC00, s0;
	s5 =	spop (v2sf)  }
0x119: {  	[hbm4b:s31+s3] =	stream.linear.scatter [tilespmem:s0], [sflag:$0x2], $0x80, $0x38;
	[tilespmem:$0xDD00] =	vst v63  }
0x11a: {  	s1 =	sshll.u32 s10, $0x7;
	s7 =	sshll.u32 s10, $0x9;
	_ =	swait.ge [sflag:s24], $0x200  }
0x11b: {  	s1 =	sand.u32 $0x380, s1;
	s0 =	sand.u32 $0xFFFFF000, s7;
	[sflag:s24] =	ssyncset.done $0x0  }
0x11c: {  	s8 =	sadd.s32 $0x30, s28;
	s0 =	sor.u32 s1, s0;
	[sflag:s24] =	ssyncadd.s32 $0xFFFFFE00  }
0x11d: {  	(v2sf) =	vpush v63, $0x7;
	[hbm4b:s8+s3] =	stream.linear.scatter [tilespmem:s0], [sflag:$0x2], $0x80, $0x38;
	[tilespmem:$0xDD00] =	vst v63  }
0x11e: {  	s9 =	sadd.s32 $0xB0, s28;
	s10 =	sor.u32 $0x400, s0  }
0x11f: {  	[hbm4b:s9+s3] =	stream.linear.scatter [tilespmem:s10], [sflag:$0x2], $0x80, $0x38;
	[tilespmem:$0xDD00] =	vst v63  }
0x120: {  	s12 =	sadd.s32 $0x130, s28;
	s11 =	sor.u32 $0x800, s0  }
0x121: {  	[hbm4b:s12+s3] =	stream.linear.scatter [tilespmem:s11], [sflag:$0x2], $0x80, $0x38;
	[tilespmem:$0xDD00] =	vst v63  }
0x122: {  	s22 =	sadd.s32 $0x1B0, s28;
	s0 =	sor.u32 $0xC00, s0;
	s4 =	spop (v2sf)  }
0x123: {  	(v2sf) =	vpush v63, $0x8;
	[hbm4b:s22+s3] =	stream.linear.scatter [tilespmem:s0], [sflag:$0x2], $0x80, $0x38;
	[tilespmem:$0xDD00] =	vst v63  }
0x124: {  	s23 =	sshll.u32 s29, $0x9;
	s26 =	sshll.u32 s29, $0x7;
	_ =	swait.ge [sflag:s24], $0x200  }
0x125: {  	s1 =	sand.u32 $0x380, s26;
	s0 =	sand.u32 $0xFFFFF000, s23;
	[sflag:s24] =	ssyncset.done $0x0  }
0x126: {  	s29 =	sadd.s32 $0x40, s28;
	s0 =	sor.u32 s1, s0;
	[sflag:s24] =	ssyncadd.s32 $0xFFFFFE00  }
0x127: {  	(v2sf) =	vpush v63, $0x9;
	[hbm4b:s29+s3] =	stream.linear.scatter [tilespmem:s0], [sflag:$0x2], $0x80, $0x38;
	[tilespmem:$0xDD00] =	vst v63  }
0x128: {  	s31 =	sadd.s32 $0xC0, s28;
	s30 =	sor.u32 $0x400, s0  }
0x129: {  	[hbm4b:s31+s3] =	stream.linear.scatter [tilespmem:s30], [sflag:$0x2], $0x80, $0x38;
	[tilespmem:$0xDD00] =	vst v63  }
0x12a: {  	s7 =	sadd.s32 $0x140, s28;
	s2 =	sor.u32 $0x800, s0  }
0x12b: {  	[hbm4b:s7+s3] =	stream.linear.scatter [tilespmem:s2], [sflag:$0x2], $0x80, $0x38;
	[tilespmem:$0xDD00] =	vst v63  }
0x12c: {  	s8 =	sadd.s32 $0x1C0, s28;
	s0 =	sor.u32 $0xC00, s0;
	s22 =	spop (v2sf)  }
0x12d: {  	(v2sf) =	vpush v63, $0xA;
	[hbm4b:s8+s3] =	stream.linear.scatter [tilespmem:s0], [sflag:$0x2], $0x80, $0x38;
	[tilespmem:$0xDD00] =	vst v63  }
0x12e: {  	s9 =	sshll.u32 s5, $0x9;
	s10 =	sshll.u32 s5, $0x7;
	_ =	swait.ge [sflag:s24], $0x200  }
0x12f: {  	s1 =	sand.u32 $0x380, s10;
	s0 =	sand.u32 $0xFFFFF000, s9;
	[sflag:s24] =	ssyncset.done $0x0  }
0x130: {  	s11 =	sadd.s32 $0x50, s28;
	s0 =	sor.u32 s1, s0;
	[sflag:s24] =	ssyncadd.s32 $0xFFFFFE00  }
0x131: {  	[hbm4b:s11+s3] =	stream.linear.scatter [tilespmem:s0], [sflag:$0x2], $0x80, $0x38;
	[tilespmem:$0xDD00] =	vst v63  }
0x132: {  	s23 =	sadd.s32 $0xD0, s28;
	s12 =	sor.u32 $0x400, s0  }
0x133: {  	[hbm4b:s23+s3] =	stream.linear.scatter [tilespmem:s12], [sflag:$0x2], $0x80, $0x38;
	[tilespmem:$0xDD00] =	vst v63  }
0x134: {  	s29 =	sadd.s32 $0x150, s28;
	s1 =	spop (v2sf);
	s26 =	sor.u32 $0x800, s0  }
0x135: {  	[hbm4b:s29+s3] =	stream.linear.scatter [tilespmem:s26], [sflag:$0x2], $0x80, $0x38;
	[tilespmem:$0xDD00] =	vst v63  }
0x136: {  	s30 =	sadd.s32 $0x1D0, s28;
	s0 =	sor.u32 $0xC00, s0;
	s2 =	spop (v2sf)  }
0x137: {  	(v2sf) =	vpush v63, $0xB;
	[hbm4b:s30+s3] =	stream.linear.scatter [tilespmem:s0], [sflag:$0x2], $0x80, $0x38;
	[tilespmem:$0xDD00] =	vst v63  }
0x138: {  	s31 =	sshll.u32 s4, $0x9;
	s4 =	sshll.u32 s4, $0x7;
	_ =	swait.ge [sflag:s24], $0x200  }
0x139: {  	s4 =	sand.u32 $0x380, s4;
	s0 =	sand.u32 $0xFFFFF000, s31;
	[sflag:s24] =	ssyncset.done $0x0  }
0x13a: {  	s5 =	sadd.s32 $0x60, s28;
	s0 =	sor.u32 s4, s0;
	[sflag:s24] =	ssyncadd.s32 $0xFFFFFE00  }
0x13b: {  	(v2sf) =	vpush v63, $0xC;
	[hbm4b:s5+s3] =	stream.linear.scatter [tilespmem:s0], [sflag:$0x2], $0x80, $0x38;
	[tilespmem:$0xDD00] =	vst v63  }
0x13c: {  	s8 =	sadd.s32 $0xE0, s28;
	s7 =	sor.u32 $0x400, s0  }
0x13d: {  	[hbm4b:s8+s3] =	stream.linear.scatter [tilespmem:s7], [sflag:$0x2], $0x80, $0x38;
	[tilespmem:$0xDD00] =	vst v63  }
0x13e: {  	s10 =	sadd.s32 $0x160, s28;
	s9 =	sor.u32 $0x800, s0  }
0x13f: {  	[hbm4b:s10+s3] =	stream.linear.scatter [tilespmem:s9], [sflag:$0x2], $0x80, $0x38;
	[tilespmem:$0xDD00] =	vst v63  }
0x140: {  	s11 =	sadd.s32 $0x1E0, s28;
	s4 =	spop (v2sf);
	s0 =	sor.u32 $0xC00, s0  }
0x141: {  	[hbm4b:s11+s3] =	stream.linear.scatter [tilespmem:s0], [sflag:$0x2], $0x80, $0x38;
	[tilespmem:$0xDD00] =	vst v63  }
0x142: {  	s12 =	sshll.u32 s22, $0x9;
	s23 =	sshll.u32 s22, $0x7;
	_ =	swait.ge [sflag:s24], $0x200  }
0x143: {  	s5 =	sand.u32 $0x380, s23;
	s0 =	sand.u32 $0xFFFFF000, s12;
	[sflag:s24] =	ssyncset.done $0x0  }
0x144: {  	s26 =	sadd.s32 $0x70, s28;
	s0 =	sor.u32 s5, s0;
	[sflag:s24] =	ssyncadd.s32 $0xFFFFFE00  }
0x145: {  	(v2sf) =	vpush v63, $0xD;
	[hbm4b:s26+s3] =	stream.linear.scatter [tilespmem:s0], [sflag:$0x2], $0x80, $0x38;
	[tilespmem:$0xDD00] =	vst v63  }
0x146: {  	s30 =	sadd.s32 $0xF0, s28;
	s29 =	sor.u32 $0x400, s0  }
0x147: {  	[hbm4b:s30+s3] =	stream.linear.scatter [tilespmem:s29], [sflag:$0x2], $0x80, $0x38;
	[tilespmem:$0xDD00] =	vst v63  }
0x148: {  	s23 =	sadd.s32 $0x170, s28;
	s5 =	spop (v2sf);
	s31 =	sor.u32 $0x800, s0  }
0x149: {  	[hbm4b:s23+s3] =	stream.linear.scatter [tilespmem:s31], [sflag:$0x2], $0x80, $0x38;
	[tilespmem:$0xDD00] =	vst v63  }
0x14a: {  	s8 =	sadd.s32 $0x1F0, s28;
	s7 =	sor.u32 $0xC00, s0;
	s0 =	spop (v2sf)  }
0x14b: {  	(v2sf) =	vpush v63, $0xE;
	[hbm4b:s8+s3] =	stream.linear.scatter [tilespmem:s7], [sflag:$0x2], $0x80, $0x38;
	[tilespmem:$0xDD00] =	vst v63  }
0x14c: {  	s9 =	sshll.u32 s1, $0x9;
	s1 =	sshll.u32 s1, $0x7;
	_ =	swait.ge [sflag:s24], $0x200  }
0x14d: {  	s22 =	sand.u32 $0xFFFFF000, s9;
	s1 =	sand.u32 $0x380, s1;
	[sflag:s24] =	ssyncset.done $0x0  }
0x14e: {  	s10 =	sadd.s32 $0x200, s28;
	s1 =	sor.u32 s1, s22;
	[sflag:s24] =	ssyncadd.s32 $0xFFFFFE00  }
0x14f: {  	[hbm4b:s10+s3] =	stream.linear.scatter [tilespmem:s1], [sflag:$0x2], $0x80, $0x38;
	[tilespmem:$0xDD00] =	vst v63  }
0x150: {  	s12 =	sadd.s32 $0x280, s28;
	s11 =	sor.u32 $0x400, s1  }
0x151: {  	[hbm4b:s12+s3] =	stream.linear.scatter [tilespmem:s11], [sflag:$0x2], $0x80, $0x38;
	[tilespmem:$0xDD00] =	vst v63  }
0x152: {  	s26 =	sadd.s32 $0x300, s28;
	s23 =	sor.u32 $0x800, s1  }
0x153: {  	[hbm4b:s26+s3] =	stream.linear.scatter [tilespmem:s23], [sflag:$0x2], $0x80, $0x38;
	[tilespmem:$0xDD00] =	vst v63  }
0x154: {  	s29 =	sor.u32 $0xC00, s1;
	s30 =	sadd.s32 $0x380, s28;
	s1 =	spop (v2sf)  }
0x155: {  	(v2sf) =	vpush v63, $0xF;
	[hbm4b:s30+s3] =	stream.linear.scatter [tilespmem:s29], [sflag:$0x2], $0x80, $0x38;
	[tilespmem:$0xDD00] =	vst v63  }
0x156: {  	s31 =	sshll.u32 s2, $0x9;
	s2 =	sshll.u32 s2, $0x7;
	_ =	swait.ge [sflag:s24], $0x200  }
0x157: {  	s22 =	sand.u32 $0xFFFFF000, s31;
	s2 =	sand.u32 $0x380, s2;
	[sflag:s24] =	ssyncset.done $0x0  }
0x158: {  	s22 =	sor.u32 s2, s22;
	s7 =	sadd.s32 $0x210, s28;
	[sflag:s24] =	ssyncadd.s32 $0xFFFFFE00  }
0x159: {  	[hbm4b:s7+s3] =	stream.linear.scatter [tilespmem:s22], [sflag:$0x2], $0x80, $0x38;
	[tilespmem:$0xDD00] =	vst v63  }
0x15a: {  	s9 =	sadd.s32 $0x290, s28;
	s8 =	sor.u32 $0x400, s22  }
0x15b: {  	[hbm4b:s9+s3] =	stream.linear.scatter [tilespmem:s8], [sflag:$0x2], $0x80, $0x38;
	[tilespmem:$0xDD00] =	vst v63  }
0x15c: {  	s10 =	sor.u32 $0x800, s22;
	s11 =	sadd.s32 $0x310, s28  }
0x15d: {  	[hbm4b:s11+s3] =	stream.linear.scatter [tilespmem:s10], [sflag:$0x2], $0x80, $0x38;
	[tilespmem:$0xDD00] =	vst v63  }
0x15e: {  	s12 =	sadd.s32 $0x390, s28;
	s2 =	spop (v2sf);
	s22 =	sor.u32 $0xC00, s22  }
0x15f: {  	[hbm4b:s12+s3] =	stream.linear.scatter [tilespmem:s22], [sflag:$0x2], $0x80, $0x38;
	[tilespmem:$0xDD00] =	vst v63  }
0x160: {  	s23 =	sshll.u32 s4, $0x9;
	s4 =	sshll.u32 s4, $0x7;
	_ =	swait.ge [sflag:s24], $0x200  }
0x161: {  	s4 =	sand.u32 $0x380, s4;
	s22 =	sand.u32 $0xFFFFF000, s23;
	[sflag:s24] =	ssyncset.done $0x0  }
0x162: {  	s26 =	sadd.s32 $0x220, s28;
	s22 =	sor.u32 s4, s22;
	[sflag:s24] =	ssyncadd.s32 $0xFFFFFE00  }
0x163: {  	[hbm4b:s26+s3] =	stream.linear.scatter [tilespmem:s22], [sflag:$0x2], $0x80, $0x38;
	[tilespmem:$0xDD00] =	vst v63  }
0x164: {  	s30 =	sadd.s32 $0x2A0, s28;
	s29 =	sor.u32 $0x400, s22  }
0x165: {  	[hbm4b:s30+s3] =	stream.linear.scatter [tilespmem:s29], [sflag:$0x2], $0x80, $0x38;
	[tilespmem:$0xDD00] =	vst v63  }
0x166: {  	s7 =	sadd.s32 $0x320, s28;
	s31 =	sor.u32 $0x800, s22  }
0x167: {  	[hbm4b:s7+s3] =	stream.linear.scatter [tilespmem:s31], [sflag:$0x2], $0x80, $0x38;
	[tilespmem:$0xDD00] =	vst v63  }
0x168: {  	s8 =	sadd.s32 $0x3A0, s28;
	s4 =	spop (v2sf);
	s22 =	sor.u32 $0xC00, s22  }
0x169: {  	[hbm4b:s8+s3] =	stream.linear.scatter [tilespmem:s22], [sflag:$0x2], $0x80, $0x38;
	[tilespmem:$0xDD00] =	vst v63  }
0x16a: {  	s9 =	sshll.u32 s5, $0x9;
	s5 =	sshll.u32 s5, $0x7;
	_ =	swait.ge [sflag:s24], $0x200  }
0x16b: {  	s5 =	sand.u32 $0x380, s5;
	s22 =	sand.u32 $0xFFFFF000, s9;
	[sflag:s24] =	ssyncset.done $0x0  }
0x16c: {  	s10 =	sadd.s32 $0x230, s28;
	s5 =	sor.u32 s5, s22;
	[sflag:s24] =	ssyncadd.s32 $0xFFFFFE00  }
0x16d: {  	[hbm4b:s10+s3] =	stream.linear.scatter [tilespmem:s5], [sflag:$0x2], $0x80, $0x38;
	[tilespmem:$0xDD00] =	vst v63  }
0x16e: {  	s12 =	sadd.s32 $0x2B0, s28;
	s11 =	sor.u32 $0x400, s5  }
0x16f: {  	[hbm4b:s12+s3] =	stream.linear.scatter [tilespmem:s11], [sflag:$0x2], $0x80, $0x38;
	[tilespmem:$0xDD00] =	vst v63  }
0x170: {  	s26 =	sadd.s32 $0x330, s28;
	s23 =	sor.u32 $0x800, s5  }
0x171: {  	[hbm4b:s26+s3] =	stream.linear.scatter [tilespmem:s23], [sflag:$0x2], $0x80, $0x38;
	[tilespmem:$0xDD00] =	vst v63  }
0x172: {  	s29 =	sadd.s32 $0x3B0, s28;
	s5 =	sor.u32 $0xC00, s5  }
0x173: {  	[hbm4b:s29+s3] =	stream.linear.scatter [tilespmem:s5], [sflag:$0x2], $0x80, $0x38;
	[tilespmem:$0xDD00] =	vst v63  }
0x174: {  	s30 =	sshll.u32 s0, $0x9;
	s0 =	sshll.u32 s0, $0x7;
	_ =	swait.ge [sflag:s24], $0x200  }
0x175: {  	s0 =	sand.u32 $0x380, s0;
	s5 =	sand.u32 $0xFFFFF000, s30;
	[sflag:s24] =	ssyncset.done $0x0  }
0x176: {  	s31 =	sadd.s32 $0x240, s28;
	s0 =	sor.u32 s0, s5;
	[sflag:s24] =	ssyncadd.s32 $0xFFFFFE00  }
0x177: {  	[hbm4b:s31+s3] =	stream.linear.scatter [tilespmem:s0], [sflag:$0x2], $0x80, $0x38;
	[tilespmem:$0xDD00] =	vst v63  }
0x178: {  	s8 =	sadd.s32 $0x2C0, s28;
	s7 =	sor.u32 $0x400, s0  }
0x179: {  	[hbm4b:s8+s3] =	stream.linear.scatter [tilespmem:s7], [sflag:$0x2], $0x80, $0x38;
	[tilespmem:$0xDD00] =	vst v63  }
0x17a: {  	s10 =	sadd.s32 $0x340, s28;
	s9 =	sor.u32 $0x800, s0  }
0x17b: {  	[hbm4b:s10+s3] =	stream.linear.scatter [tilespmem:s9], [sflag:$0x2], $0x80, $0x38;
	[tilespmem:$0xDD00] =	vst v63  }
0x17c: {  	s11 =	sadd.s32 $0x3C0, s28;
	s0 =	sor.u32 $0xC00, s0  }
0x17d: {  	[hbm4b:s11+s3] =	stream.linear.scatter [tilespmem:s0], [sflag:$0x2], $0x80, $0x38;
	[tilespmem:$0xDD00] =	vst v63  }
0x17e: {  	s12 =	sshll.u32 s1, $0x9;
	s1 =	sshll.u32 s1, $0x7;
	_ =	swait.ge [sflag:s24], $0x200  }
0x17f: {  	s1 =	sand.u32 $0x380, s1;
	s0 =	sand.u32 $0xFFFFF000, s12;
	[sflag:s24] =	ssyncset.done $0x0  }
0x180: {  	s22 =	sadd.s32 $0x250, s28;
	s0 =	sor.u32 s1, s0;
	[sflag:s24] =	ssyncadd.s32 $0xFFFFFE00  }
0x181: {  	[hbm4b:s22+s3] =	stream.linear.scatter [tilespmem:s0], [sflag:$0x2], $0x80, $0x38;
	[tilespmem:$0xDD00] =	vst v63  }
0x182: {  	s26 =	sadd.s32 $0x2D0, s28;
	s23 =	sor.u32 $0x400, s0  }
0x183: {  	[hbm4b:s26+s3] =	stream.linear.scatter [tilespmem:s23], [sflag:$0x2], $0x80, $0x38;
	[tilespmem:$0xDD00] =	vst v63  }
0x184: {  	s30 =	sadd.s32 $0x350, s28;
	s29 =	sor.u32 $0x800, s0  }
0x185: {  	[hbm4b:s30+s3] =	stream.linear.scatter [tilespmem:s29], [sflag:$0x2], $0x80, $0x38;
	[tilespmem:$0xDD00] =	vst v63  }
0x186: {  	s31 =	sadd.s32 $0x3D0, s28;
	s0 =	sor.u32 $0xC00, s0  }
0x187: {  	[hbm4b:s31+s3] =	stream.linear.scatter [tilespmem:s0], [sflag:$0x2], $0x80, $0x38;
	[tilespmem:$0xDD00] =	vst v63  }
0x188: {  	s1 =	sshll.u32 s2, $0x9;
	s2 =	sshll.u32 s2, $0x7;
	_ =	swait.ge [sflag:s24], $0x200  }
0x189: {  	s0 =	sand.u32 $0xFFFFF000, s1;
	s1 =	sand.u32 $0x380, s2;
	[sflag:s24] =	ssyncset.done $0x0  }
0x18a: {  	s5 =	sadd.s32 $0x260, s28;
	s0 =	sor.u32 s1, s0;
	[sflag:s24] =	ssyncadd.s32 $0xFFFFFE00  }
0x18b: {  	[hbm4b:s5+s3] =	stream.linear.scatter [tilespmem:s0], [sflag:$0x2], $0x80, $0x38;
	[tilespmem:$0xDD00] =	vst v63  }
0x18c: {  	s8 =	sadd.s32 $0x2E0, s28;
	s7 =	sor.u32 $0x400, s0  }
0x18d: {  	[hbm4b:s8+s3] =	stream.linear.scatter [tilespmem:s7], [sflag:$0x2], $0x80, $0x38;
	[tilespmem:$0xDD00] =	vst v63  }
0x18e: {  	s9 =	sshll.u32 s4, $0x9;
	s11 =	sadd.s32 $0x360, s28;
	s10 =	sor.u32 $0x800, s0  }
0x18f: {  	[hbm4b:s11+s3] =	stream.linear.scatter [tilespmem:s10], [sflag:$0x2], $0x80, $0x38;
	[tilespmem:$0xDD00] =	vst v63  }
0x190: {  	s12 =	sshll.u32 s4, $0x7;
	s22 =	sadd.s32 $0x3E0, s28;
	s0 =	sor.u32 $0xC00, s0  }
0x191: {  	[hbm4b:s22+s3] =	stream.linear.scatter [tilespmem:s0], [sflag:$0x2], $0x80, $0x38;
	[tilespmem:$0xDD00] =	vst v63  }
0x192: {  	s4 =	sadd.s32 $0x3F0, s28;
	s23 =	sand.u32 $0xFFFFF000, s9;
	_ =	swait.ge [sflag:s24], $0x200  }
0x193: {  	s26 =	sand.u32 $0x380, s12;
	s29 =	sadd.s32 $0x270, s28;
	s30 =	rddreg [dreg:$0x5]  }
0x194: {  	s2 =	sor.u32 s26, s23;
	[sflag:s24] =	ssyncset.done $0x0;
	p1 =	sne.s32 s30, $0x400  }
.Ltmp0:
0x195: {  	s26 =	simm.s32 $0x400;
	[sflag:s24] =	ssyncadd.s32 $0xFFFFFE00;
	(pc) =	sbr.rel @!p1 .LBB2_3-.Ltmp0, $4  }
0x196: {  	[hbm4b:s29+s3] =	stream.linear.scatter [tilespmem:s2], [sflag:$0x2], $0x80, $0x38;
	[tilespmem:$0xDD00] =	vst v63  }
0x197: {  	s31 =	sadd.s32 $0x2F0, s28;
	s1 =	sor.u32 $0x400, s2;
	s0 =	sor.u32 $0x800, s2  }
0x198: {  	[hbm4b:s31+s3] =	stream.linear.scatter [tilespmem:s1], [sflag:$0x2], $0x80, $0x38;
	[tilespmem:$0xDD00] =	vst v63  }
0x199: {  	s2 =	sor.u32 $0xC00, s2;
	s1 =	sadd.s32 $0x370, s28;
	s28 =	simm.s32 $0xD020  }
.LBB2_2:
0x19a: {  	[hbm4b:s1+s3] =	stream.linear.scatter [tilespmem:s0], [sflag:$0x2], $0x80, $0x38;
	[tilespmem:$0xDD00] =	vst v63  }
0x19b: {  	_ = 	snop  }
0x19c: {  	[hbm4b:s4+s3] =	stream.linear.scatter [tilespmem:s2], [sflag:$0x2], $0x80, $0x38;
	[tilespmem:$0xDD00] =	vst v63  }
0x19d: {  	v0 =	vld [tilespmem:s28+$0x0];
	_ =	sdelay $0x4  }
0x19e: {  	(v2sf) =	vpush v0, $0x1  }
0x19f: {  	(v2sf) =	vpush v0, $0x0;
	_ =	sdelay $0x6  }
0x1a0: {  	(v2sf) =	vpush v0, $0x2;
	_ =	sdelay $0x4  }
0x1a1: {  	_ =	swait.ge [sflag:s24], $0x200  }
0x1a2: {  	(v2sf) =	vpush v0, $0x3  }
0x1a3: {  	s30 =	spop (v2sf)  }
0x1a4: {  	s23 =	smov.u32 s26;
	s5 =	spop (v2sf)  }
0x1a5: {  	[sflag:s24] =	ssyncset.done $0x0;
	s22 =	sshll.u32 s5, $0x9;
	s5 =	sshll.u32 s5, $0x7  }
0x1a6: {  	s29 =	rddreg [dreg:$0x4];
	s22 =	sand.u32 $0xFFFFF000, s22;
	s5 =	sand.u32 $0x380, s5  }
0x1a7: {  	[sflag:s24] =	ssyncadd.s32 $0xFFFFFE00;
	s29 =	sadd.s32 s23, s29;
	s7 =	sor.u32 s5, s22  }
0x1a8: {  	[hbm4b:s29+s3] =	stream.linear.scatter [tilespmem:s7], [sflag:$0x2], $0x80, $0x38;
	[tilespmem:$0xDD00] =	vst v63  }
0x1a9: {  	s9 =	sadd.s32 $0x80, s29;
	s12 =	sadd.s32 $0x100, s29;
	s8 =	sor.u32 $0x400, s7  }
0x1aa: {  	[hbm4b:s9+s3] =	stream.linear.scatter [tilespmem:s8], [sflag:$0x2], $0x80, $0x38;
	[tilespmem:$0xDD00] =	vst v63  }
0x1ab: {  	s31 =	sshll.u32 s30, $0x9;
	s10 =	spop (v2sf);
	s11 =	sor.u32 $0x800, s7  }
0x1ac: {  	(v2sf) =	vpush v0, $0x4;
	[hbm4b:s12+s3] =	stream.linear.scatter [tilespmem:s11], [sflag:$0x2], $0x80, $0x38;
	[tilespmem:$0xDD00] =	vst v63  }
0x1ad: {  	s2 =	sshll.u32 s30, $0x7;
	s30 =	sadd.s32 $0x180, s29;
	s0 =	sor.u32 $0xC00, s7  }
0x1ae: {  	[hbm4b:s30+s3] =	stream.linear.scatter [tilespmem:s0], [sflag:$0x2], $0x80, $0x38;
	[tilespmem:$0xDD00] =	vst v63  }
0x1af: {  	s1 =	sand.u32 $0xFFFFF000, s31;
	s2 =	sand.u32 $0x380, s2;
	_ =	swait.ge [sflag:s24], $0x200  }
0x1b0: {  	s23 =	sshll.u32 s10, $0x9;
	s1 =	sor.u32 s2, s1;
	[sflag:s24] =	ssyncset.done $0x0  }
0x1b1: {  	s9 =	sadd.s32 $0x10, s29;
	s8 =	spop (v2sf);
	[sflag:s24] =	ssyncadd.s32 $0xFFFFFE00  }
0x1b2: {  	(v2sf) =	vpush v0, $0x5;
	[hbm4b:s9+s3] =	stream.linear.scatter [tilespmem:s1], [sflag:$0x2], $0x80, $0x38;
	[tilespmem:$0xDD00] =	vst v63  }
0x1b3: {  	s31 =	sshll.u32 s10, $0x7;
	s10 =	sor.u32 $0x400, s1;
	s11 =	sadd.s32 $0x90, s29  }
0x1b4: {  	[hbm4b:s11+s3] =	stream.linear.scatter [tilespmem:s10], [sflag:$0x2], $0x80, $0x38;
	[tilespmem:$0xDD00] =	vst v63  }
0x1b5: {  	s4 =	sand.u32 $0xFFFFF000, s23;
	s23 =	sor.u32 $0x800, s1;
	s30 =	sadd.s32 $0x110, s29  }
0x1b6: {  	[hbm4b:s30+s3] =	stream.linear.scatter [tilespmem:s23], [sflag:$0x2], $0x80, $0x38;
	[tilespmem:$0xDD00] =	vst v63  }
0x1b7: {  	s7 =	sand.u32 $0x380, s31;
	s31 =	sadd.s32 $0x190, s29;
	s1 =	sor.u32 $0xC00, s1  }
0x1b8: {  	[hbm4b:s31+s3] =	stream.linear.scatter [tilespmem:s1], [sflag:$0x2], $0x80, $0x38;
	[tilespmem:$0xDD00] =	vst v63  }
0x1b9: {  	s4 =	sor.u32 s7, s4;
	_ =	swait.ge [sflag:s24], $0x200  }
0x1ba: {  	s12 =	sshll.u32 s8, $0x9;
	s0 =	sshll.u32 s8, $0x7;
	[sflag:s24] =	ssyncset.done $0x0  }
0x1bb: {  	s8 =	sadd.s32 $0x20, s29;
	s2 =	spop (v2sf);
	[sflag:s24] =	ssyncadd.s32 $0xFFFFFE00  }
0x1bc: {  	(v2sf) =	vpush v0, $0x6;
	[hbm4b:s8+s3] =	stream.linear.scatter [tilespmem:s4], [sflag:$0x2], $0x80, $0x38;
	[tilespmem:$0xDD00] =	vst v63  }
0x1bd: {  	s5 =	sand.u32 $0xFFFFF000, s12;
	s9 =	sor.u32 $0x400, s4;
	s10 =	sadd.s32 $0xA0, s29  }
0x1be: {  	[hbm4b:s10+s3] =	stream.linear.scatter [tilespmem:s9], [sflag:$0x2], $0x80, $0x38;
	[tilespmem:$0xDD00] =	vst v63  }
0x1bf: {  	s12 =	sadd.s32 $0x120, s29;
	s11 =	sor.u32 $0x800, s4;
	s23 =	sor.u32 $0xC00, s4  }
0x1c0: {  	[hbm4b:s12+s3] =	stream.linear.scatter [tilespmem:s11], [sflag:$0x2], $0x80, $0x38;
	[tilespmem:$0xDD00] =	vst v63  }
0x1c1: {  	s30 =	sadd.s32 $0x1A0, s29;
	s1 =	sand.u32 $0x380, s0;
	s31 =	spop (v2sf)  }
0x1c2: {  	[hbm4b:s30+s3] =	stream.linear.scatter [tilespmem:s23], [sflag:$0x2], $0x80, $0x38;
	[tilespmem:$0xDD00] =	vst v63  }
0x1c3: {  	s1 =	sor.u32 s1, s5;
	s7 =	sshll.u32 s2, $0x9;
	_ =	swait.ge [sflag:s24], $0x200  }
0x1c4: {  	s0 =	sshll.u32 s2, $0x7;
	s2 =	sand.u32 $0xFFFFF000, s7;
	[sflag:s24] =	ssyncset.done $0x0  }
0x1c5: {  	s0 =	sand.u32 $0x380, s0;
	s10 =	sadd.s32 $0x30, s29;
	[sflag:s24] =	ssyncadd.s32 $0xFFFFFE00  }
0x1c6: {  	(v2sf) =	vpush v0, $0x7;
	[hbm4b:s10+s3] =	stream.linear.scatter [tilespmem:s1], [sflag:$0x2], $0x80, $0x38;
	[tilespmem:$0xDD00] =	vst v63  }
0x1c7: {  	s9 =	sadd.s32 $0xB0, s29;
	s7 =	sshll.u32 s31, $0x9;
	s11 =	sor.u32 $0x400, s1  }
0x1c8: {  	[hbm4b:s9+s3] =	stream.linear.scatter [tilespmem:s11], [sflag:$0x2], $0x80, $0x38;
	[tilespmem:$0xDD00] =	vst v63  }
0x1c9: {  	s8 =	sshll.u32 s31, $0x7;
	s12 =	sor.u32 $0x800, s1;
	s30 =	sadd.s32 $0x130, s29  }
0x1ca: {  	[hbm4b:s30+s3] =	stream.linear.scatter [tilespmem:s12], [sflag:$0x2], $0x80, $0x38;
	[tilespmem:$0xDD00] =	vst v63  }
0x1cb: {  	s23 =	sadd.s32 $0x1B0, s29;
	s1 =	sor.u32 $0xC00, s1;
	s31 =	spop (v2sf)  }
0x1cc: {  	(v2sf) =	vpush v0, $0x8;
	[hbm4b:s23+s3] =	stream.linear.scatter [tilespmem:s1], [sflag:$0x2], $0x80, $0x38;
	[tilespmem:$0xDD00] =	vst v63  }
0x1cd: {  	s0 =	sor.u32 s0, s2;
	s2 =	sand.u32 $0xFFFFF000, s7;
	_ =	swait.ge [sflag:s24], $0x200  }
0x1ce: {  	s4 =	sand.u32 $0x380, s8;
	s7 =	sadd.s32 $0x40, s29;
	[sflag:s24] =	ssyncset.done $0x0  }
0x1cf: {  	s2 =	sor.u32 s4, s2;
	s10 =	sadd.s32 $0xC0, s29;
	[sflag:s24] =	ssyncadd.s32 $0xFFFFFE00  }
0x1d0: {  	(v2sf) =	vpush v0, $0x9;
	[hbm4b:s7+s3] =	stream.linear.scatter [tilespmem:s0], [sflag:$0x2], $0x80, $0x38;
	[tilespmem:$0xDD00] =	vst v63  }
0x1d1: {  	s9 =	sor.u32 $0x400, s0;
	s11 =	sor.u32 $0x800, s0;
	s8 =	sshll.u32 s31, $0x9  }
0x1d2: {  	[hbm4b:s10+s3] =	stream.linear.scatter [tilespmem:s9], [sflag:$0x2], $0x80, $0x38;
	[tilespmem:$0xDD00] =	vst v63  }
0x1d3: {  	s4 =	sshll.u32 s31, $0x7;
	s12 =	sadd.s32 $0x140, s29;
	s31 =	sor.u32 $0xC00, s0  }
0x1d4: {  	(v2sf) =	vpush v0, $0xA;
	[hbm4b:s12+s3] =	stream.linear.scatter [tilespmem:s11], [sflag:$0x2], $0x80, $0x38;
	[tilespmem:$0xDD00] =	vst v63  }
0x1d5: {  	s5 =	sand.u32 $0xFFFFF000, s8;
	s7 =	sadd.s32 $0x1C0, s29;
	s8 =	spop (v2sf)  }
0x1d6: {  	[hbm4b:s7+s3] =	stream.linear.scatter [tilespmem:s31], [sflag:$0x2], $0x80, $0x38;
	[tilespmem:$0xDD00] =	vst v63  }
0x1d7: {  	_ =	swait.ge [sflag:s24], $0x200  }
0x1d8: {  	s4 =	sand.u32 $0x380, s4;
	[sflag:s24] =	ssyncset.done $0x0  }
0x1d9: {  	s9 =	sadd.s32 $0x50, s29;
	s10 =	sor.u32 $0x400, s2;
	[sflag:s24] =	ssyncadd.s32 $0xFFFFFE00  }
0x1da: {  	[hbm4b:s9+s3] =	stream.linear.scatter [tilespmem:s2], [sflag:$0x2], $0x80, $0x38;
	[tilespmem:$0xDD00] =	vst v63  }
0x1db: {  	s23 =	sshll.u32 s8, $0x9;
	s11 =	sadd.s32 $0xD0, s29;
	s12 =	sor.u32 $0x800, s2  }
0x1dc: {  	[hbm4b:s11+s3] =	stream.linear.scatter [tilespmem:s10], [sflag:$0x2], $0x80, $0x38;
	[tilespmem:$0xDD00] =	vst v63  }
0x1dd: {  	s31 =	sshll.u32 s8, $0x7;
	s8 =	sadd.s32 $0x150, s29;
	s1 =	spop (v2sf)  }
0x1de: {  	(v2sf) =	vpush v0, $0xB;
	[hbm4b:s8+s3] =	stream.linear.scatter [tilespmem:s12], [sflag:$0x2], $0x80, $0x38;
	[tilespmem:$0xDD00] =	vst v63  }
0x1df: {  	s2 =	sor.u32 $0xC00, s2;
	s9 =	sadd.s32 $0x1D0, s29;
	s10 =	spop (v2sf)  }
0x1e0: {  	[hbm4b:s9+s3] =	stream.linear.scatter [tilespmem:s2], [sflag:$0x2], $0x80, $0x38;
	[tilespmem:$0xDD00] =	vst v63  }
0x1e1: {  	s7 =	sshll.u32 s1, $0x9;
	s1 =	sshll.u32 s1, $0x7;
	_ =	swait.ge [sflag:s24], $0x200  }
0x1e2: {  	s0 =	sor.u32 s4, s5;
	s30 =	sand.u32 $0x380, s1;
	[sflag:s24] =	ssyncset.done $0x0  }
0x1e3: {  	s11 =	sadd.s32 $0x60, s29;
	s4 =	spop (v2sf);
	[sflag:s24] =	ssyncadd.s32 $0xFFFFFE00  }
0x1e4: {  	(v2sf) =	vpush v0, $0xC;
	[hbm4b:s11+s3] =	stream.linear.scatter [tilespmem:s0], [sflag:$0x2], $0x80, $0x38;
	[tilespmem:$0xDD00] =	vst v63  }
0x1e5: {  	s1 =	sshll.u32 s10, $0x9;
	s12 =	sor.u32 $0x400, s0;
	s8 =	sadd.s32 $0xE0, s29  }
0x1e6: {  	[hbm4b:s8+s3] =	stream.linear.scatter [tilespmem:s12], [sflag:$0x2], $0x80, $0x38;
	[tilespmem:$0xDD00] =	vst v63  }
0x1e7: {  	s22 =	sshll.u32 s10, $0x7;
	s10 =	sadd.s32 $0x160, s29;
	s9 =	sor.u32 $0x800, s0  }
0x1e8: {  	[hbm4b:s10+s3] =	stream.linear.scatter [tilespmem:s9], [sflag:$0x2], $0x80, $0x38;
	[tilespmem:$0xDD00] =	vst v63  }
0x1e9: {  	s11 =	sor.u32 $0xC00, s0;
	s12 =	sadd.s32 $0x1E0, s29  }
0x1ea: {  	[hbm4b:s12+s3] =	stream.linear.scatter [tilespmem:s11], [sflag:$0x2], $0x80, $0x38;
	[tilespmem:$0xDD00] =	vst v63  }
0x1eb: {  	s23 =	sand.u32 $0xFFFFF000, s23;
	s31 =	sand.u32 $0x380, s31;
	_ =	swait.ge [sflag:s24], $0x200  }
0x1ec: {  	s5 =	sand.u32 $0xFFFFF000, s7;
	s7 =	sor.u32 s31, s23;
	[sflag:s24] =	ssyncset.done $0x0  }
0x1ed: {  	s10 =	sadd.s32 $0x70, s29;
	s8 =	spop (v2sf);
	[sflag:s24] =	ssyncadd.s32 $0xFFFFFE00  }
0x1ee: {  	(v2sf) =	vpush v0, $0xD;
	[hbm4b:s10+s3] =	stream.linear.scatter [tilespmem:s7], [sflag:$0x2], $0x80, $0x38;
	[tilespmem:$0xDD00] =	vst v63  }
0x1ef: {  	s9 =	sor.u32 $0x400, s7;
	s11 =	sadd.s32 $0xF0, s29  }
0x1f0: {  	[hbm4b:s11+s3] =	stream.linear.scatter [tilespmem:s9], [sflag:$0x2], $0x80, $0x38;
	[tilespmem:$0xDD00] =	vst v63  }
0x1f1: {  	s23 =	sor.u32 $0x800, s7;
	s1 =	sand.u32 $0xFFFFF000, s1;
	s12 =	sadd.s32 $0x170, s29  }
0x1f2: {  	[hbm4b:s12+s3] =	stream.linear.scatter [tilespmem:s23], [sflag:$0x2], $0x80, $0x38;
	[tilespmem:$0xDD00] =	vst v63  }
0x1f3: {  	s7 =	sor.u32 $0xC00, s7;
	s11 =	sadd.s32 $0x1F0, s29;
	s12 =	spop (v2sf)  }
0x1f4: {  	(v2sf) =	vpush v0, $0xE;
	[hbm4b:s11+s3] =	stream.linear.scatter [tilespmem:s7], [sflag:$0x2], $0x80, $0x38;
	[tilespmem:$0xDD00] =	vst v63  }
0x1f5: {  	s22 =	sand.u32 $0x380, s22;
	s2 =	sshll.u32 s4, $0x9;
	_ =	swait.ge [sflag:s24], $0x200  }
0x1f6: {  	s0 =	sshll.u32 s4, $0x7;
	s9 =	sshll.u32 s12, $0x9;
	[sflag:s24] =	ssyncset.done $0x0  }
0x1f7: {  	s7 =	sor.u32 s30, s5;
	s30 =	sadd.s32 $0x200, s29;
	[sflag:s24] =	ssyncadd.s32 $0xFFFFFE00  }
0x1f8: {  	[hbm4b:s30+s3] =	stream.linear.scatter [tilespmem:s7], [sflag:$0x2], $0x80, $0x38;
	[tilespmem:$0xDD00] =	vst v63  }
0x1f9: {  	s31 =	sshll.u32 s12, $0x7;
	s12 =	sadd.s32 $0x280, s29;
	s10 =	sor.u32 $0x400, s7  }
0x1fa: {  	[hbm4b:s12+s3] =	stream.linear.scatter [tilespmem:s10], [sflag:$0x2], $0x80, $0x38;
	[tilespmem:$0xDD00] =	vst v63  }
0x1fb: {  	s11 =	sadd.s32 $0x300, s29;
	s5 =	sand.u32 $0xFFFFF000, s9;
	s30 =	sor.u32 $0x800, s7  }
0x1fc: {  	[hbm4b:s11+s3] =	stream.linear.scatter [tilespmem:s30], [sflag:$0x2], $0x80, $0x38;
	[tilespmem:$0xDD00] =	vst v63  }
0x1fd: {  	s7 =	sor.u32 $0xC00, s7;
	s12 =	sadd.s32 $0x380, s29;
	s9 =	spop (v2sf)  }
0x1fe: {  	(v2sf) =	vpush v0, $0xF;
	[hbm4b:s12+s3] =	stream.linear.scatter [tilespmem:s7], [sflag:$0x2], $0x80, $0x38;
	[tilespmem:$0xDD00] =	vst v63  }
0x1ff: {  	s4 =	sshll.u32 s8, $0x9;
	s8 =	sshll.u32 s8, $0x7;
	_ =	swait.ge [sflag:s24], $0x200  }
0x200: {  	s23 =	sand.u32 $0x380, s8;
	s30 =	sshll.u32 s9, $0x9;
	[sflag:s24] =	ssyncset.done $0x0  }
0x201: {  	s7 =	sor.u32 s22, s1;
	s12 =	sadd.s32 $0x210, s29;
	[sflag:s24] =	ssyncadd.s32 $0xFFFFFE00  }
0x202: {  	[hbm4b:s12+s3] =	stream.linear.scatter [tilespmem:s7], [sflag:$0x2], $0x80, $0x38;
	[tilespmem:$0xDD00] =	vst v63  }
0x203: {  	s1 =	sand.u32 $0xFFFFF000, s30;
	s30 =	sadd.s32 $0x290, s29;
	s10 =	sor.u32 $0x400, s7  }
0x204: {  	[hbm4b:s30+s3] =	stream.linear.scatter [tilespmem:s10], [sflag:$0x2], $0x80, $0x38;
	[tilespmem:$0xDD00] =	vst v63  }
0x205: {  	s11 =	sadd.s32 $0x310, s29;
	s22 =	sshll.u32 s9, $0x7;
	s8 =	sor.u32 $0x800, s7  }
0x206: {  	[hbm4b:s11+s3] =	stream.linear.scatter [tilespmem:s8], [sflag:$0x2], $0x80, $0x38;
	[tilespmem:$0xDD00] =	vst v63  }
0x207: {  	s9 =	sadd.s32 $0x390, s29;
	s12 =	spop (v2sf);
	s7 =	sor.u32 $0xC00, s7  }
0x208: {  	[hbm4b:s9+s3] =	stream.linear.scatter [tilespmem:s7], [sflag:$0x2], $0x80, $0x38;
	[tilespmem:$0xDD00] =	vst v63  }
0x209: {  	s2 =	sand.u32 $0xFFFFF000, s2;
	s30 =	sshll.u32 s12, $0x9;
	_ =	swait.ge [sflag:s24], $0x200  }
0x20a: {  	s11 =	sand.u32 $0x380, s0;
	s0 =	sshll.u32 s12, $0x7;
	[sflag:s24] =	ssyncset.done $0x0  }
0x20b: {  	s12 =	sadd.s32 $0x220, s29;
	s2 =	sor.u32 s11, s2;
	[sflag:s24] =	ssyncadd.s32 $0xFFFFFE00  }
0x20c: {  	[hbm4b:s12+s3] =	stream.linear.scatter [tilespmem:s2], [sflag:$0x2], $0x80, $0x38;
	[tilespmem:$0xDD00] =	vst v63  }
0x20d: {  	s10 =	sadd.s32 $0x2A0, s29;
	s9 =	sor.u32 $0x400, s2  }
0x20e: {  	[hbm4b:s10+s3] =	stream.linear.scatter [tilespmem:s9], [sflag:$0x2], $0x80, $0x38;
	[tilespmem:$0xDD00] =	vst v63  }
0x20f: {  	s11 =	sadd.s32 $0x320, s29;
	s7 =	sor.u32 $0x800, s2  }
0x210: {  	[hbm4b:s11+s3] =	stream.linear.scatter [tilespmem:s7], [sflag:$0x2], $0x80, $0x38;
	[tilespmem:$0xDD00] =	vst v63  }
0x211: {  	s8 =	spop (v2sf);
	s9 =	sor.u32 $0xC00, s2;
	s10 =	sadd.s32 $0x3A0, s29  }
0x212: {  	[hbm4b:s10+s3] =	stream.linear.scatter [tilespmem:s9], [sflag:$0x2], $0x80, $0x38;
	[tilespmem:$0xDD00] =	vst v63  }
0x213: {  	_ =	swait.ge [sflag:s24], $0x200  }
0x214: {  	s11 =	sand.u32 $0xFFFFF000, s4;
	[sflag:s24] =	ssyncset.done $0x0  }
0x215: {  	s7 =	sor.u32 s23, s11;
	s9 =	sadd.s32 $0x230, s29;
	[sflag:s24] =	ssyncadd.s32 $0xFFFFFE00  }
0x216: {  	[hbm4b:s9+s3] =	stream.linear.scatter [tilespmem:s7], [sflag:$0x2], $0x80, $0x38;
	[tilespmem:$0xDD00] =	vst v63  }
0x217: {  	s12 =	sshll.u32 s8, $0x9;
	s23 =	sadd.s32 $0x2B0, s29;
	s10 =	sor.u32 $0x400, s7  }
0x218: {  	[hbm4b:s23+s3] =	stream.linear.scatter [tilespmem:s10], [sflag:$0x2], $0x80, $0x38;
	[tilespmem:$0xDD00] =	vst v63  }
0x219: {  	s2 =	sand.u32 $0xFFFFF000, s12;
	s12 =	sadd.s32 $0x330, s29;
	s11 =	sor.u32 $0x800, s7  }
0x21a: {  	[hbm4b:s12+s3] =	stream.linear.scatter [tilespmem:s11], [sflag:$0x2], $0x80, $0x38;
	[tilespmem:$0xDD00] =	vst v63  }
0x21b: {  	s7 =	sor.u32 $0xC00, s7;
	s23 =	sadd.s32 $0x3B0, s29  }
0x21c: {  	[hbm4b:s23+s3] =	stream.linear.scatter [tilespmem:s7], [sflag:$0x2], $0x80, $0x38;
	[tilespmem:$0xDD00] =	vst v63  }
0x21d: {  	_ =	swait.ge [sflag:s24], $0x200  }
0x21e: {  	s8 =	sshll.u32 s8, $0x7;
	s10 =	sand.u32 $0x380, s31;
	[sflag:s24] =	ssyncset.done $0x0  }
0x21f: {  	s5 =	sor.u32 s10, s5;
	s11 =	sadd.s32 $0x240, s29;
	[sflag:s24] =	ssyncadd.s32 $0xFFFFFE00  }
0x220: {  	[hbm4b:s11+s3] =	stream.linear.scatter [tilespmem:s5], [sflag:$0x2], $0x80, $0x38;
	[tilespmem:$0xDD00] =	vst v63  }
0x221: {  	s4 =	sand.u32 $0x380, s8;
	s8 =	sor.u32 $0x400, s5;
	s12 =	sadd.s32 $0x2C0, s29  }
0x222: {  	[hbm4b:s12+s3] =	stream.linear.scatter [tilespmem:s8], [sflag:$0x2], $0x80, $0x38;
	[tilespmem:$0xDD00] =	vst v63  }
0x223: {  	s31 =	sadd.s32 $0x340, s29;
	s23 =	sor.u32 $0x800, s5  }
0x224: {  	[hbm4b:s31+s3] =	stream.linear.scatter [tilespmem:s23], [sflag:$0x2], $0x80, $0x38;
	[tilespmem:$0xDD00] =	vst v63  }
0x225: {  	s9 =	sadd.s32 $0x3C0, s29;
	s5 =	sor.u32 $0xC00, s5  }
0x226: {  	[hbm4b:s9+s3] =	stream.linear.scatter [tilespmem:s5], [sflag:$0x2], $0x80, $0x38;
	[tilespmem:$0xDD00] =	vst v63  }
0x227: {  	_ =	swait.ge [sflag:s24], $0x200  }
0x228: {  	s10 =	sand.u32 $0x380, s22;
	[sflag:s24] =	ssyncset.done $0x0  }
0x229: {  	s1 =	sor.u32 s10, s1;
	s11 =	sadd.s32 $0x250, s29;
	[sflag:s24] =	ssyncadd.s32 $0xFFFFFE00  }
0x22a: {  	[hbm4b:s11+s3] =	stream.linear.scatter [tilespmem:s1], [sflag:$0x2], $0x80, $0x38;
	[tilespmem:$0xDD00] =	vst v63  }
0x22b: {  	s7 =	sor.u32 $0x400, s1;
	s12 =	sadd.s32 $0x2D0, s29  }
0x22c: {  	[hbm4b:s12+s3] =	stream.linear.scatter [tilespmem:s7], [sflag:$0x2], $0x80, $0x38;
	[tilespmem:$0xDD00] =	vst v63  }
0x22d: {  	s22 =	sor.u32 $0x800, s1;
	s23 =	sadd.s32 $0x350, s29  }
0x22e: {  	[hbm4b:s23+s3] =	stream.linear.scatter [tilespmem:s22], [sflag:$0x2], $0x80, $0x38;
	[tilespmem:$0xDD00] =	vst v63  }
0x22f: {  	s31 =	sadd.s32 $0x3D0, s29;
	s1 =	sor.u32 $0xC00, s1  }
0x230: {  	[hbm4b:s31+s3] =	stream.linear.scatter [tilespmem:s1], [sflag:$0x2], $0x80, $0x38;
	[tilespmem:$0xDD00] =	vst v63  }
0x231: {  	_ =	swait.ge [sflag:s24], $0x200  }
0x232: {  	s30 =	sand.u32 $0xFFFFF000, s30;
	s0 =	sand.u32 $0x380, s0;
	[sflag:s24] =	ssyncset.done $0x0  }
0x233: {  	s0 =	sor.u32 s0, s30;
	s7 =	sadd.s32 $0x260, s29;
	[sflag:s24] =	ssyncadd.s32 $0xFFFFFE00  }
0x234: {  	[hbm4b:s7+s3] =	stream.linear.scatter [tilespmem:s0], [sflag:$0x2], $0x80, $0x38;
	[tilespmem:$0xDD00] =	vst v63  }
0x235: {  	s8 =	sor.u32 $0x400, s0;
	s9 =	sadd.s32 $0x2E0, s29  }
0x236: {  	[hbm4b:s9+s3] =	stream.linear.scatter [tilespmem:s8], [sflag:$0x2], $0x80, $0x38;
	[tilespmem:$0xDD00] =	vst v63  }
0x237: {  	s10 =	sor.u32 $0x800, s0;
	s11 =	sadd.s32 $0x360, s29  }
0x238: {  	[hbm4b:s11+s3] =	stream.linear.scatter [tilespmem:s10], [sflag:$0x2], $0x80, $0x38;
	[tilespmem:$0xDD00] =	vst v63  }
0x239: {  	s12 =	sadd.s32 $0x3E0, s29;
	s0 =	sor.u32 $0xC00, s0  }
0x23a: {  	[hbm4b:s12+s3] =	stream.linear.scatter [tilespmem:s0], [sflag:$0x2], $0x80, $0x38;
	[tilespmem:$0xDD00] =	vst v63  }
0x23b: {  	_ =	swait.ge [sflag:s24], $0x200  }
0x23c: {  	s26 =	sadd.s32 $0x400, s26;
	s28 =	sadd.s32 $0x10, s28;
	s30 =	rddreg [dreg:$0x5]  }
0x23d: {  	s2 =	sor.u32 s4, s2;
	s4 =	sadd.s32 $0x3F0, s29;
	p1 =	sne.s32 s30, s26  }
.Ltmp1:
0x23e: {  	s22 =	sadd.s32 $0x270, s29;
	[sflag:s24] =	ssyncset.done $0x0;
	(pc) =	sbr.rel @p1 .LBB2_2-.Ltmp1, $4  }
0x23f: {  	s23 =	sadd.s32 $0x2F0, s29;
	s31 =	sor.u32 $0x400, s2;
	[sflag:s24] =	ssyncadd.s32 $0xFFFFFE00  }
0x240: {  	[hbm4b:s22+s3] =	stream.linear.scatter [tilespmem:s2], [sflag:$0x2], $0x80, $0x38;
	[tilespmem:$0xDD00] =	vst v63  }
0x241: {  	s1 =	sadd.s32 $0x370, s29;
	s0 =	sor.u32 $0x800, s2;
	s2 =	sor.u32 $0xC00, s2  }
0x242: {  	[hbm4b:s23+s3] =	stream.linear.scatter [tilespmem:s31], [sflag:$0x2], $0x80, $0x38;
	[tilespmem:$0xDD00] =	vst v63  }
.LBB2_3:
0x243: {  	[hbm4b:s1+s3] =	stream.linear.scatter [tilespmem:s0], [sflag:$0x2], $0x80, $0x38;
	[tilespmem:$0xDD00] =	vst v63  }
0x244: {  	_ = 	snop  }
0x245: {  	[hbm4b:s4+s3] =	stream.linear.scatter [tilespmem:s2], [sflag:$0x2], $0x80, $0x38;
	[tilespmem:$0xDD00] =	vst v63  }
0x246: {  	_ =	swait.ge [sflag:s24], $0x200  }
0x247: {  	[sflag:s24] =	ssyncset.done $0x0  }
0x248: {  	[sflag:s24] =	ssyncadd.s32 $0xFFFFFE00  }
0x249: {  	_ =	swait.ge [sflag:s24], $0x200  }
0x24a: {  	[sflag:s24] =	ssyncset.done $0x0  }
0x24b: {  	[sflag:s24] =	ssyncadd.s32 $0xFFFFFE00  }
0x24c: {  	_ =	swait.ge [sflag:s24], $0x200  }
0x24d: {  	[sflag:s24] =	ssyncset.done $0x0  }
0x24e: {  	[sflag:s24] =	ssyncadd.s32 $0xFFFFFE00  }
0x24f: {  	_ =	swait.ge [sflag:s24], $0x200  }
0x250: {  	[sflag:s24] =	ssyncset.done $0x0  }
0x251: {  	[sflag:s24] =	ssyncadd.s32 $0xFFFFFE00  }
0x252: {  	_ =	swait.ge [sflag:s24], $0x200  }
0x253: {  	[sflag:s24] =	ssyncset.done $0x0  }
0x254: {  	[sflag:s24] =	ssyncadd.s32 $0xFFFFFE00  }
0x255: {  	_ =	swait.ge [sflag:s24], $0x200  }
0x256: {  	[sflag:s24] =	ssyncset.done $0x0  }
0x257: {  	[sflag:s24] =	ssyncadd.s32 $0xFFFFFE00  }
0x258: {  	_ =	swait.ge [sflag:s24], $0x200  }
0x259: {  	[sflag:s24] =	ssyncset.done $0x0  }
0x25a: {  	[sflag:s24] =	ssyncadd.s32 $0xFFFFFE00  }
0x25b: {  	_ =	swait.ge [sflag:s24], $0x200  }
0x25c: {  	[sflag:s24] =	ssyncset.done $0x0  }
0x25d: {  	[sflag:s24] =	ssyncadd.s32 $0xFFFFFE00  }
0x25e: {  	_ =	swait.ge [sflag:s24], $0x200  }
0x25f: {  	[sflag:s24] =	ssyncset.done $0x0  }
0x260: {  	[sflag:s24] =	ssyncadd.s32 $0xFFFFFE00  }
0x261: {  	_ =	swait.ge [sflag:s24], $0x200  }
0x262: {  	[sflag:s24] =	ssyncset.done $0x0  }
0x263: {  	[sflag:s24] =	ssyncadd.s32 $0xFFFFFE00  }
0x264: {  	_ =	swait.ge [sflag:s24], $0x200  }
0x265: {  	[sflag:s24] =	ssyncset.done $0x0  }
0x266: {  	[sflag:s24] =	ssyncadd.s32 $0xFFFFFE00  }
0x267: {  	_ =	swait.ge [sflag:s24], $0x200  }
0x268: {  	[sflag:s24] =	ssyncset.done $0x0  }
0x269: {  	[sflag:s24] =	ssyncadd.s32 $0xFFFFFE00  }
0x26a: {  	_ =	swait.ge [sflag:s24], $0x200  }
0x26b: {  	[sflag:s24] =	ssyncset.done $0x0  }
0x26c: {  	[sflag:s24] =	ssyncadd.s32 $0xFFFFFE00  }
0x26d: {  	_ =	swait.ge [sflag:s24], $0x200  }
0x26e: {  	[sflag:s24] =	ssyncset.done $0x0  }
0x26f: {  	[sflag:s24] =	ssyncadd.s32 $0xFFFFFE00  }
0x270: {  	_ =	swait.ge [sflag:s24], $0x200  }
0x271: {  	[sflag:s24] =	ssyncset.done $0x0  }
0x272: {  	[sflag:s24] =	ssyncadd.s32 $0xFFFFFE00  }
0x273: {  	_ =	swait.ge [sflag:s24], $0x200  }
0x274: {  	s25 =	sadd.s32 $0x1, s25;
	s31 =	rddreg [dreg:$0xe]  }
0x275: {  	p1 =	sne.s32 s25, s31  }
.Ltmp2:
0x276: {  	_ = 	snop;
	(pc) =	sbr.rel @p1 .LBB2_1-.Ltmp2, $3  }
0x277: {  	_ =	sdelay $0x1  }
0x278: {  	[sflag:s24] =	ssyncset.done $0x0  }
0x279: {  	[sflag:s24] =	ssyncadd.s32 $0xFFFFFE00  }
0x27a: {  	_ =	sfence.sel $0x180000  }
0x27b: {  	[bflag:$0x0] =	sbarrier.arrive $0xFFFF  }
0x27c: {  	_ =	strace $0x90000047  }
0x27d: {  	s0 =	stileid.u32;
	[bflag:$0x2] =	sbarrier.arrive $0xFFFF  }
0x27e: {  	p0 =	sne.s32 s0, $0x0;
	s0 =	rddreg [dreg:$0x3]  }
0x27f: {  	s0 =	sadd.s32 @!p0 $0x100000, s0  }
0x280: {  	[sflag:s0] =	ssyncadd.tile.s32 @!p0 $0x1;
	_ =	shalt  }
.Lfunc_end2:
_tile_overlayer_lowered:
.L_overlay_start_2:
0x281: {  	(tag) =	ssettag $0x2  }
0x282: {  	s0 =	rddreg [dreg:$0x0];
	s2 =	stileid.u32  }
0x283: {  	s1 =	rddreg [dreg:$0x1];
	p0 =	sne.s32 s2, $0x0  }
0x284: {  	s3 =	rddreg [dreg:$0x2];
	[bflag:$0x3] =	sbarrier.arrive $0xFFFF;
	s2 =	simm.s32 @!p0 $0x1C03  }
0x285: {  	[timem:s3], [sflag:s2] =	dma.local @!p0 [hbm:s0], s1  }
0x286: {  	s0 =	simm.s32 @!p0 $0x3  }
0x287: {  	_ =	swait.ge @!p0 [sflag:s0], s1  }
0x288: {  	s1 =	ssub.s32 @!p0 $0x0, s1;
	[sflag:s0] =	ssyncset.done @!p0 $0x0  }
0x289: {  	[sflag:s0] =	ssyncadd.s32 @!p0 s1  }
0x28a: {  	[bflag:$0x3] =	sbarrier.arrive $0xFFFF  }
0x28b: {  	_ =	shalt  }

</sc_bundles>
